<compile_context>
chip_gen: v7x
topology: tpu7x:2x2x1
jax: 0.10.2.dev20260603
libtpu: 0.0.44.dev20260713+nightly
codegen_flags: <defaults>
</compile_context>

<pallas_src>
import functools

import jax
import jax.numpy as jnp
from jax import lax
from jax.experimental import pallas as pl
from jax.experimental.pallas import tpu as pltpu
from jax.experimental.pallas import tpu_sc as plsc

_GRID = 128 ** 3
_N = _GRID // 4
_DECAY = 0.95

_NC = 2
_NS = 16
_NW = _NC * _NS
_CELLS = _GRID // _NW
_W = 8192
_NWIN = _N // _W
_SW = 4096
_NSW = _CELLS // _SW


def _sc_body(mem_hbm, idx_hbm, val_hbm, out_hbm,
             tmp, idx0, val0, idx1, val1, mem0, mem1, out0, out1,
             si0, si1, sm0, sm1, so0, so1):
    wid = lax.axis_index("c") * _NS + lax.axis_index("s")
    base = wid * _CELLS

    pltpu.async_copy(idx_hbm.at[pl.ds(0, _W)], idx0, si0)
    pltpu.async_copy(val_hbm.at[pl.ds(0, _W)], val0, si0)
    pltpu.async_copy(idx_hbm.at[pl.ds(_W, _W)], idx1, si1)
    pltpu.async_copy(val_hbm.at[pl.ds(_W, _W)], val1, si1)

    @functools.partial(lax.fori_loop, 0, _CELLS // 16, unroll=8, init_val=0)
    def _init(i, c):
        tmp[pl.ds(pl.multiple_of(i * 16, 16), 16)] = jnp.full((16,), -1.0, jnp.float32)
        return c

    def _scan_outer(wo, c):
        for b, (ib, vb, sem) in enumerate(((idx0, val0, si0), (idx1, val1, si1))):
            w = 2 * wo + b
            pltpu.make_async_copy(idx_hbm.at[pl.ds(0, _W)], ib, sem).wait()
            pltpu.make_async_copy(val_hbm.at[pl.ds(0, _W)], vb, sem).wait()

            def _scan_blk(jb, c2, ib=ib, vb=vb):
                offb = pl.multiple_of(jb * 256, 256)
                pairs = []
                for u in range(16):
                    off = offb + u * 16
                    pairs.append((ib[pl.ds(off, 16)], vb[pl.ds(off, 16)]))
                for iv, vv in pairs:
                    loc = iv - base
                    msk = plsc.bitcast(loc, jnp.uint32) < jnp.uint32(_CELLS)
                    plsc.store_scatter(tmp, [loc], vv, mask=msk)
                return c2

            c = lax.fori_loop(0, _W // 256, _scan_blk, c, unroll=2)

            @pl.when(w + 2 < _NWIN)
            def _prefetch(ib=ib, vb=vb, sem=sem, w=w):
                noff = pl.multiple_of((w + 2) * _W, _W)
                pltpu.async_copy(idx_hbm.at[pl.ds(noff, _W)], ib, sem)
                pltpu.async_copy(val_hbm.at[pl.ds(noff, _W)], vb, sem)
        return c

    lax.fori_loop(0, _NWIN // 2, _scan_outer, 0)

    pltpu.async_copy(mem_hbm.at[pl.ds(base, _SW)], mem0, sm0)
    pltpu.async_copy(mem_hbm.at[pl.ds(base + _SW, _SW)], mem1, sm1)

    def _sweep_outer(so, c):
        for b, (mb, ob, smem, sout) in enumerate(
                ((mem0, out0, sm0, so0), (mem1, out1, sm1, so1))):
            s = 2 * so + b
            soff = pl.multiple_of(s * _SW, _SW)
            pltpu.make_async_copy(mem_hbm.at[pl.ds(0, _SW)], mb, smem).wait()

            @pl.when(s >= 2)
            def _wait_out(ob=ob, sout=sout):
                pltpu.make_async_copy(ob, out_hbm.at[pl.ds(0, _SW)], sout).wait()

            def _merge_blk(j, c2, mb=mb, ob=ob, soff=soff):
                offb = pl.multiple_of(j * 128, 128)
                pairs = []
                for u in range(8):
                    off = offb + u * 16
                    pairs.append((tmp[pl.ds(soff + off, 16)], mb[pl.ds(off, 16)]))
                for u, (t, m) in enumerate(pairs):
                    ob[pl.ds(offb + u * 16, 16)] = jnp.where(
                        (m >= 0) & (t >= 0), jnp.maximum(m * _DECAY, t), m)
                return c2

            c = lax.fori_loop(0, _SW // 128, _merge_blk, c, unroll=4)
            pltpu.async_copy(ob, out_hbm.at[pl.ds(base + soff, _SW)], sout)

            @pl.when(s + 2 < _NSW)
            def _prefetch_mem(mb=mb, smem=smem, s=s):
                noff = pl.multiple_of((s + 2) * _SW, _SW)
                pltpu.async_copy(mem_hbm.at[pl.ds(base + noff, _SW)], mb, smem)
        return c

    lax.fori_loop(0, _NSW // 2, _sweep_outer, 0)

    pltpu.make_async_copy(out0, out_hbm.at[pl.ds(0, _SW)], so0).wait()
    pltpu.make_async_copy(out1, out_hbm.at[pl.ds(0, _SW)], so1).wait()


@jax.jit
def _run(mem, idx, val):
    mesh = plsc.VectorSubcoreMesh(
        core_axis_name="c", subcore_axis_name="s", num_cores=_NC, num_subcores=_NS)
    return pl.kernel(
        _sc_body,
        out_type=jax.ShapeDtypeStruct((_GRID,), jnp.float32),
        mesh=mesh,
        compiler_params=pltpu.CompilerParams(needs_layout_passes=False),
        scratch_types=[
            pltpu.VMEM((_CELLS,), jnp.float32),
            pltpu.VMEM((_W,), jnp.int32),
            pltpu.VMEM((_W,), jnp.float32),
            pltpu.VMEM((_W,), jnp.int32),
            pltpu.VMEM((_W,), jnp.float32),
            pltpu.VMEM((_SW,), jnp.float32),
            pltpu.VMEM((_SW,), jnp.float32),
            pltpu.VMEM((_SW,), jnp.float32),
            pltpu.VMEM((_SW,), jnp.float32),
            pltpu.SemaphoreType.DMA,
            pltpu.SemaphoreType.DMA,
            pltpu.SemaphoreType.DMA,
            pltpu.SemaphoreType.DMA,
            pltpu.SemaphoreType.DMA,
            pltpu.SemaphoreType.DMA,
        ],
    )(mem, idx, val)


def kernel(mem, idx, val):
    return _run(mem, idx.astype(jnp.int32), val)

# --- scband reference (transcript-rebuilt; emitter-appended) ---
"""Pipeline reference for scband-ne-rfnetwork-basis-77111842832972 (READ-ONLY COPY).

The authoritative reference and input builder live on the scoring server;
editing this copy changes nothing except your own understanding.
"""

import jax, jax.numpy as jnp
import numpy as np

GRID = 128 ** 3  # 2_097_152 occupancy grid cells (grid_size=128, cascade=1, single time slice)
N = GRID // 4    # 524_288 sampled update points, as in update_extra_state
DECAY = 0.95


def setup_inputs(seed: int = 0) -> dict:
    key = jax.random.key(seed)
    k1, k2, k3 = jax.random.split(key, 3)
    # persistent density grid (non-negative densities, as after clamping)
    mem = jax.random.uniform(k1, (GRID,), dtype=jnp.float32)
    # morton indices of sampled grid cells
    idx = jax.random.randint(k2, (N,), 0, GRID)
    # freshly evaluated sigmas (density_scale already applied)
    val = jax.random.uniform(k3, (N,), dtype=jnp.float32)
    return {"mem": mem, "idx": idx, "val": val}


def reference(mem, idx, val):
    # Faithful jax translation of NeRFRenderer.update_extra_state inner step:
    #   tmp_grid = -torch.ones_like(density_grid)
    #   tmp_grid[indices] = sigmas                      (scatter-overwrite)
    #   valid_mask = (density_grid >= 0) & (tmp_grid >= 0)
    #   density_grid[valid_mask] = max(density_grid[valid_mask] * decay, tmp_grid[valid_mask])
    tmp = -jnp.ones_like(mem)
    tmp = tmp.at[idx].set(val)
    valid = (mem >= 0) & (tmp >= 0)
    updated = jnp.where(valid, jnp.maximum(mem * DECAY, tmp), mem)
    return updated

if __name__ == "__main__":
    import jax
    _d = setup_inputs()
    print(jax.jit(kernel)(*tuple(_d.values())))

</pallas_src>

<mosaic_0001>
#map = affine_map<(d0, d1) -> (0)>
module attributes {stable_mosaic.version = 14 : i64} {
  func.func @_sc_body(%arg0: i32, %arg1: i32, %arg2: memref<2097152xf32, #tpu.memory_space<hbm>>, %arg3: memref<524288xi32, #tpu.memory_space<hbm>>, %arg4: memref<524288xf32, #tpu.memory_space<hbm>>, %arg5: memref<2097152xf32, #tpu.memory_space<hbm>>, %arg6: memref<65536xf32, #tpu.memory_space<vmem>>, %arg7: memref<8192xi32, #tpu.memory_space<vmem>>, %arg8: memref<8192xf32, #tpu.memory_space<vmem>>, %arg9: memref<8192xi32, #tpu.memory_space<vmem>>, %arg10: memref<8192xf32, #tpu.memory_space<vmem>>, %arg11: memref<4096xf32, #tpu.memory_space<vmem>>, %arg12: memref<4096xf32, #tpu.memory_space<vmem>>, %arg13: memref<4096xf32, #tpu.memory_space<vmem>>, %arg14: memref<4096xf32, #tpu.memory_space<vmem>>, %arg15: memref<!tpu.dma_semaphore, #tpu.memory_space<semaphore_mem>>, %arg16: memref<!tpu.dma_semaphore, #tpu.memory_space<semaphore_mem>>, %arg17: memref<!tpu.dma_semaphore, #tpu.memory_space<semaphore_mem>>, %arg18: memref<!tpu.dma_semaphore, #tpu.memory_space<semaphore_mem>>, %arg19: memref<!tpu.dma_semaphore, #tpu.memory_space<semaphore_mem>>, %arg20: memref<!tpu.dma_semaphore, #tpu.memory_space<semaphore_mem>>) attributes {dimension_semantics = [#tpu.dimension_semantics<core_parallel>, #tpu.dimension_semantics<subcore_parallel>], iteration_bounds = array<i64: 2, 16>, scalar_prefetch = 0 : i64, scratch_operands = 15 : i64, tpu.core_type = #tpu.core_type<sc_vector_subcore>, window_params = [{transform_indices = #map}, {transform_indices = #map}, {transform_indices = #map}, {transform_indices = #map}]} {
    %mul3A = arith.constant 16 : i32
    %mul3A_0 = arith.muli %arg0, %mul3A : i32
    %add3A = arith.addi %mul3A_0, %arg1 : i32
    %mul3A_1 = arith.constant 65536 : i32
    %mul3A_2 = arith.muli %add3A, %mul3A_1 : i32
    %dma_start3A = arith.constant 0 : i32
    %dma_start3A_3 = tpu.memref_slice %arg3[%dma_start3A] : memref<524288xi32, #tpu.memory_space<hbm>> -> memref<8192xi32, #tpu.memory_space<hbm>>
    %dma_start3A_4 = arith.constant 0 : i32
    %dma_start3A_5 = tpu.memref_slice %arg3[%dma_start3A_4] : memref<524288xi32, #tpu.memory_space<hbm>> -> memref<8192xi32, #tpu.memory_space<hbm>>
    tpu.enqueue_dma source(%dma_start3A_5 : memref<8192xi32, #tpu.memory_space<hbm>>) target(%arg7 : memref<8192xi32, #tpu.memory_space<vmem>>) target_semaphore(%arg15 : memref<!tpu.dma_semaphore, #tpu.memory_space<semaphore_mem>>)
    %dma_start3A_6 = arith.constant 0 : i32
    %dma_start3A_7 = tpu.memref_slice %arg4[%dma_start3A_6] : memref<524288xf32, #tpu.memory_space<hbm>> -> memref<8192xf32, #tpu.memory_space<hbm>>
    %dma_start3A_8 = arith.constant 0 : i32
    %dma_start3A_9 = tpu.memref_slice %arg4[%dma_start3A_8] : memref<524288xf32, #tpu.memory_space<hbm>> -> memref<8192xf32, #tpu.memory_space<hbm>>
    tpu.enqueue_dma source(%dma_start3A_9 : memref<8192xf32, #tpu.memory_space<hbm>>) target(%arg8 : memref<8192xf32, #tpu.memory_space<vmem>>) target_semaphore(%arg15 : memref<!tpu.dma_semaphore, #tpu.memory_space<semaphore_mem>>)
    %dma_start3A_10 = arith.constant 8192 : i32
    %dma_start3A_11 = tpu.memref_slice %arg3[%dma_start3A_10] : memref<524288xi32, #tpu.memory_space<hbm>> -> memref<8192xi32, #tpu.memory_space<hbm>>
    %dma_start3A_12 = arith.constant 8192 : i32
    %dma_start3A_13 = tpu.memref_slice %arg3[%dma_start3A_12] : memref<524288xi32, #tpu.memory_space<hbm>> -> memref<8192xi32, #tpu.memory_space<hbm>>
    tpu.enqueue_dma source(%dma_start3A_13 : memref<8192xi32, #tpu.memory_space<hbm>>) target(%arg9 : memref<8192xi32, #tpu.memory_space<vmem>>) target_semaphore(%arg16 : memref<!tpu.dma_semaphore, #tpu.memory_space<semaphore_mem>>)
    %dma_start3A_14 = arith.constant 8192 : i32
    %dma_start3A_15 = tpu.memref_slice %arg4[%dma_start3A_14] : memref<524288xf32, #tpu.memory_space<hbm>> -> memref<8192xf32, #tpu.memory_space<hbm>>
    %dma_start3A_16 = arith.constant 8192 : i32
    %dma_start3A_17 = tpu.memref_slice %arg4[%dma_start3A_16] : memref<524288xf32, #tpu.memory_space<hbm>> -> memref<8192xf32, #tpu.memory_space<hbm>>
    tpu.enqueue_dma source(%dma_start3A_17 : memref<8192xf32, #tpu.memory_space<hbm>>) target(%arg10 : memref<8192xf32, #tpu.memory_space<vmem>>) target_semaphore(%arg16 : memref<!tpu.dma_semaphore, #tpu.memory_space<semaphore_mem>>)
    %scan3A = arith.constant 0 : i32
    %scan3A_18 = arith.constant 0 : i32
    %scan3A_19 = arith.constant 4096 : i32
    %scan3A_20 = arith.addi %scan3A_18, %scan3A_19 : i32
    %scan3A_21 = arith.constant 8 : i32
    scf.for %scan3A_48 = %scan3A_18 to %scan3A_20 step %scan3A_21  : i32 {
      %broadcast_in_dim3A = arith.constant -1.000000e+00 : f32
      %broadcast_in_dim3A_49 = vector.broadcast %broadcast_in_dim3A : f32 to vector<16xf32>
      %mul3A_50 = arith.constant 16 : i32
      %mul3A_51 = arith.muli %scan3A_48, %mul3A_50 : i32
      %multiple_of3A = tpu.assume_multiple %mul3A_51, 16 : i32
      %swap3A = arith.index_cast %multiple_of3A : i32 to index
      %swap3A_52 = tpu.vector_load %arg6[%swap3A] {strides = array<i32>} : memref<65536xf32, #tpu.memory_space<vmem>>, vector<16xf32>,
      tpu.vector_store %arg6[%swap3A], %broadcast_in_dim3A_49 {strides = array<i32>} : memref<65536xf32, #tpu.memory_space<vmem>>, vector<16xf32>,
      %scan3A_53 = arith.constant 1 : i32
      %scan3A_54 = arith.addi %scan3A_48, %scan3A_53 : i32
      %broadcast_in_dim3A_55 = arith.constant -1.000000e+00 : f32
      %broadcast_in_dim3A_56 = vector.broadcast %broadcast_in_dim3A_55 : f32 to vector<16xf32>
      %mul3A_57 = arith.constant 16 : i32
      %mul3A_58 = arith.muli %scan3A_54, %mul3A_57 : i32
      %multiple_of3A_59 = tpu.assume_multiple %mul3A_58, 16 : i32
      %swap3A_60 = arith.index_cast %multiple_of3A_59 : i32 to index
      %swap3A_61 = tpu.vector_load %arg6[%swap3A_60] {strides = array<i32>} : memref<65536xf32, #tpu.memory_space<vmem>>, vector<16xf32>,
      tpu.vector_store %arg6[%swap3A_60], %broadcast_in_dim3A_56 {strides = array<i32>} : memref<65536xf32, #tpu.memory_space<vmem>>, vector<16xf32>,
      %scan3A_62 = arith.constant 2 : i32
      %scan3A_63 = arith.addi %scan3A_48, %scan3A_62 : i32
      %broadcast_in_dim3A_64 = arith.constant -1.000000e+00 : f32
      %broadcast_in_dim3A_65 = vector.broadcast %broadcast_in_dim3A_64 : f32 to vector<16xf32>
      %mul3A_66 = arith.constant 16 : i32
      %mul3A_67 = arith.muli %scan3A_63, %mul3A_66 : i32
      %multiple_of3A_68 = tpu.assume_multiple %mul3A_67, 16 : i32
      %swap3A_69 = arith.index_cast %multiple_of3A_68 : i32 to index
      %swap3A_70 = tpu.vector_load %arg6[%swap3A_69] {strides = array<i32>} : memref<65536xf32, #tpu.memory_space<vmem>>, vector<16xf32>,
      tpu.vector_store %arg6[%swap3A_69], %broadcast_in_dim3A_65 {strides = array<i32>} : memref<65536xf32, #tpu.memory_space<vmem>>, vector<16xf32>,
      %scan3A_71 = arith.constant 3 : i32
      %scan3A_72 = arith.addi %scan3A_48, %scan3A_71 : i32
      %broadcast_in_dim3A_73 = arith.constant -1.000000e+00 : f32
      %broadcast_in_dim3A_74 = vector.broadcast %broadcast_in_dim3A_73 : f32 to vector<16xf32>
      %mul3A_75 = arith.constant 16 : i32
      %mul3A_76 = arith.muli %scan3A_72, %mul3A_75 : i32
      %multiple_of3A_77 = tpu.assume_multiple %mul3A_76, 16 : i32
      %swap3A_78 = arith.index_cast %multiple_of3A_77 : i32 to index
      %swap3A_79 = tpu.vector_load %arg6[%swap3A_78] {strides = array<i32>} : memref<65536xf32, #tpu.memory_space<vmem>>, vector<16xf32>,
      tpu.vector_store %arg6[%swap3A_78], %broadcast_in_dim3A_74 {strides = array<i32>} : memref<65536xf32, #tpu.memory_space<vmem>>, vector<16xf32>,
      %scan3A_80 = arith.constant 4 : i32
      %scan3A_81 = arith.addi %scan3A_48, %scan3A_80 : i32
      %broadcast_in_dim3A_82 = arith.constant -1.000000e+00 : f32
      %broadcast_in_dim3A_83 = vector.broadcast %broadcast_in_dim3A_82 : f32 to vector<16xf32>
      %mul3A_84 = arith.constant 16 : i32
      %mul3A_85 = arith.muli %scan3A_81, %mul3A_84 : i32
      %multiple_of3A_86 = tpu.assume_multiple %mul3A_85, 16 : i32
      %swap3A_87 = arith.index_cast %multiple_of3A_86 : i32 to index
      %swap3A_88 = tpu.vector_load %arg6[%swap3A_87] {strides = array<i32>} : memref<65536xf32, #tpu.memory_space<vmem>>, vector<16xf32>,
      tpu.vector_store %arg6[%swap3A_87], %broadcast_in_dim3A_83 {strides = array<i32>} : memref<65536xf32, #tpu.memory_space<vmem>>, vector<16xf32>,
      %scan3A_89 = arith.constant 5 : i32
      %scan3A_90 = arith.addi %scan3A_48, %scan3A_89 : i32
      %broadcast_in_dim3A_91 = arith.constant -1.000000e+00 : f32
      %broadcast_in_dim3A_92 = vector.broadcast %broadcast_in_dim3A_91 : f32 to vector<16xf32>
      %mul3A_93 = arith.constant 16 : i32
      %mul3A_94 = arith.muli %scan3A_90, %mul3A_93 : i32
      %multiple_of3A_95 = tpu.assume_multiple %mul3A_94, 16 : i32
      %swap3A_96 = arith.index_cast %multiple_of3A_95 : i32 to index
      %swap3A_97 = tpu.vector_load %arg6[%swap3A_96] {strides = array<i32>} : memref<65536xf32, #tpu.memory_space<vmem>>, vector<16xf32>,
      tpu.vector_store %arg6[%swap3A_96], %broadcast_in_dim3A_92 {strides = array<i32>} : memref<65536xf32, #tpu.memory_space<vmem>>, vector<16xf32>,
      %scan3A_98 = arith.constant 6 : i32
      %scan3A_99 = arith.addi %scan3A_48, %scan3A_98 : i32
      %broadcast_in_dim3A_100 = arith.constant -1.000000e+00 : f32
      %broadcast_in_dim3A_101 = vector.broadcast %broadcast_in_dim3A_100 : f32 to vector<16xf32>
      %mul3A_102 = arith.constant 16 : i32
      %mul3A_103 = arith.muli %scan3A_99, %mul3A_102 : i32
      %multiple_of3A_104 = tpu.assume_multiple %mul3A_103, 16 : i32
      %swap3A_105 = arith.index_cast %multiple_of3A_104 : i32 to index
      %swap3A_106 = tpu.vector_load %arg6[%swap3A_105] {strides = array<i32>} : memref<65536xf32, #tpu.memory_space<vmem>>, vector<16xf32>,
      tpu.vector_store %arg6[%swap3A_105], %broadcast_in_dim3A_101 {strides = array<i32>} : memref<65536xf32, #tpu.memory_space<vmem>>, vector<16xf32>,
      %scan3A_107 = arith.constant 7 : i32
      %scan3A_108 = arith.addi %scan3A_48, %scan3A_107 : i32
      %broadcast_in_dim3A_109 = arith.constant -1.000000e+00 : f32
      %broadcast_in_dim3A_110 = vector.broadcast %broadcast_in_dim3A_109 : f32 to vector<16xf32>
      %mul3A_111 = arith.constant 16 : i32
      %mul3A_112 = arith.muli %scan3A_108, %mul3A_111 : i32
      %multiple_of3A_113 = tpu.assume_multiple %mul3A_112, 16 : i32
      %swap3A_114 = arith.index_cast %multiple_of3A_113 : i32 to index
      %swap3A_115 = tpu.vector_load %arg6[%swap3A_114] {strides = array<i32>} : memref<65536xf32, #tpu.memory_space<vmem>>, vector<16xf32>,
      tpu.vector_store %arg6[%swap3A_114], %broadcast_in_dim3A_110 {strides = array<i32>} : memref<65536xf32, #tpu.memory_space<vmem>>, vector<16xf32>,
    }
    %scan3A_22 = arith.constant 4096 : i32
    %scan3A_23 = arith.constant 0 : i32
    %scan3A_24 = arith.constant 0 : i32
    %scan3A_25 = arith.constant 32 : i32
    %scan3A_26 = arith.addi %scan3A_24, %scan3A_25 : i32
    %scan3A_27 = arith.constant 1 : i32
    scf.for %scan3A_48 = %scan3A_24 to %scan3A_26 step %scan3A_27  : i32 {
      %mul3A_49 = arith.constant 2 : i32
      %mul3A_50 = arith.muli %mul3A_49, %scan3A_48 : i32
      %add3A_51 = arith.constant 0 : i32
      %add3A_52 = arith.addi %mul3A_50, %add3A_51 : i32
      %dma_wait3A_53 = arith.constant 0 : i32
      %dma_wait3A_54 = tpu.memref_slice %arg3[%dma_wait3A_53] : memref<524288xi32, #tpu.memory_space<hbm>> -> memref<8192xi32, #tpu.memory_space<hbm>>
      %dma_wait3A_55 = arith.constant 0 : i32
      %dma_wait3A_56 = tpu.memref_slice %arg3[%dma_wait3A_55] : memref<524288xi32, #tpu.memory_space<hbm>> -> memref<8192xi32, #tpu.memory_space<hbm>>
      tpu.wait_dma2 semaphore(%arg15 : memref<!tpu.dma_semaphore, #tpu.memory_space<semaphore_mem>>) src(%dma_wait3A_56 : memref<8192xi32, #tpu.memory_space<hbm>>) dst(%arg7 : memref<8192xi32, #tpu.memory_space<vmem>>)
      %dma_wait3A_57 = arith.constant 0 : i32
      %dma_wait3A_58 = tpu.memref_slice %arg4[%dma_wait3A_57] : memref<524288xf32, #tpu.memory_space<hbm>> -> memref<8192xf32, #tpu.memory_space<hbm>>
      %dma_wait3A_59 = arith.constant 0 : i32
      %dma_wait3A_60 = tpu.memref_slice %arg4[%dma_wait3A_59] : memref<524288xf32, #tpu.memory_space<hbm>> -> memref<8192xf32, #tpu.memory_space<hbm>>
      tpu.wait_dma2 semaphore(%arg15 : memref<!tpu.dma_semaphore, #tpu.memory_space<semaphore_mem>>) src(%dma_wait3A_60 : memref<8192xf32, #tpu.memory_space<hbm>>) dst(%arg8 : memref<8192xf32, #tpu.memory_space<vmem>>)
      %scan3A_61 = arith.constant 0 : i32
      %scan3A_62 = arith.constant 32 : i32
      %scan3A_63 = arith.addi %scan3A_61, %scan3A_62 : i32
      %scan3A_64 = arith.constant 2 : i32
      scf.for %scan3A_94 = %scan3A_61 to %scan3A_63 step %scan3A_64  : i32 {
        %mul3A_95 = arith.constant 256 : i32
        %mul3A_96 = arith.muli %scan3A_94, %mul3A_95 : i32
        %multiple_of3A = tpu.assume_multiple %mul3A_96, 256 : i32
        %add3A_97 = arith.constant 0 : i32
        %add3A_98 = arith.addi %multiple_of3A, %add3A_97 : i32
        %get3A = arith.index_cast %add3A_98 : i32 to index
        %get3A_99 = tpu.vector_load %arg7[%get3A] {strides = array<i32>} : memref<8192xi32, #tpu.memory_space<vmem>>, vector<16xi32>,
        %get3A_100 = arith.index_cast %add3A_98 : i32 to index
        %get3A_101 = tpu.vector_load %arg8[%get3A_100] {strides = array<i32>} : memref<8192xf32, #tpu.memory_space<vmem>>, vector<16xf32>,
        %add3A_102 = arith.constant 16 : i32
        %add3A_103 = arith.addi %multiple_of3A, %add3A_102 : i32
        %get3A_104 = arith.index_cast %add3A_103 : i32 to index
        %get3A_105 = tpu.vector_load %arg7[%get3A_104] {strides = array<i32>} : memref<8192xi32, #tpu.memory_space<vmem>>, vector<16xi32>,
        %get3A_106 = arith.index_cast %add3A_103 : i32 to index
        %get3A_107 = tpu.vector_load %arg8[%get3A_106] {strides = array<i32>} : memref<8192xf32, #tpu.memory_space<vmem>>, vector<16xf32>,
        %add3A_108 = arith.constant 32 : i32
        %add3A_109 = arith.addi %multiple_of3A, %add3A_108 : i32
        %get3A_110 = arith.index_cast %add3A_109 : i32 to index
        %get3A_111 = tpu.vector_load %arg7[%get3A_110] {strides = array<i32>} : memref<8192xi32, #tpu.memory_space<vmem>>, vector<16xi32>,
        %get3A_112 = arith.index_cast %add3A_109 : i32 to index
        %get3A_113 = tpu.vector_load %arg8[%get3A_112] {strides = array<i32>} : memref<8192xf32, #tpu.memory_space<vmem>>, vector<16xf32>,
        %add3A_114 = arith.constant 48 : i32
        %add3A_115 = arith.addi %multiple_of3A, %add3A_114 : i32
        %get3A_116 = arith.index_cast %add3A_115 : i32 to index
        %get3A_117 = tpu.vector_load %arg7[%get3A_116] {strides = array<i32>} : memref<8192xi32, #tpu.memory_space<vmem>>, vector<16xi32>,
        %get3A_118 = arith.index_cast %add3A_115 : i32 to index
        %get3A_119 = tpu.vector_load %arg8[%get3A_118] {strides = array<i32>} : memref<8192xf32, #tpu.memory_space<vmem>>, vector<16xf32>,
        %add3A_120 = arith.constant 64 : i32
        %add3A_121 = arith.addi %multiple_of3A, %add3A_120 : i32
        %get3A_122 = arith.index_cast %add3A_121 : i32 to index
        %get3A_123 = tpu.vector_load %arg7[%get3A_122] {strides = array<i32>} : memref<8192xi32, #tpu.memory_space<vmem>>, vector<16xi32>,
        %get3A_124 = arith.index_cast %add3A_121 : i32 to index
        %get3A_125 = tpu.vector_load %arg8[%get3A_124] {strides = array<i32>} : memref<8192xf32, #tpu.memory_space<vmem>>, vector<16xf32>,
        %add3A_126 = arith.constant 80 : i32
        %add3A_127 = arith.addi %multiple_of3A, %add3A_126 : i32
        %get3A_128 = arith.index_cast %add3A_127 : i32 to index
        %get3A_129 = tpu.vector_load %arg7[%get3A_128] {strides = array<i32>} : memref<8192xi32, #tpu.memory_space<vmem>>, vector<16xi32>,
        %get3A_130 = arith.index_cast %add3A_127 : i32 to index
        %get3A_131 = tpu.vector_load %arg8[%get3A_130] {strides = array<i32>} : memref<8192xf32, #tpu.memory_space<vmem>>, vector<16xf32>,
        %add3A_132 = arith.constant 96 : i32
        %add3A_133 = arith.addi %multiple_of3A, %add3A_132 : i32
        %get3A_134 = arith.index_cast %add3A_133 : i32 to index
        %get3A_135 = tpu.vector_load %arg7[%get3A_134] {strides = array<i32>} : memref<8192xi32, #tpu.memory_space<vmem>>, vector<16xi32>,
        %get3A_136 = arith.index_cast %add3A_133 : i32 to index
        %get3A_137 = tpu.vector_load %arg8[%get3A_136] {strides = array<i32>} : memref<8192xf32, #tpu.memory_space<vmem>>, vector<16xf32>,
        %add3A_138 = arith.constant 112 : i32
        %add3A_139 = arith.addi %multiple_of3A, %add3A_138 : i32
        %get3A_140 = arith.index_cast %add3A_139 : i32 to index
        %get3A_141 = tpu.vector_load %arg7[%get3A_140] {strides = array<i32>} : memref<8192xi32, #tpu.memory_space<vmem>>, vector<16xi32>,
        %get3A_142 = arith.index_cast %add3A_139 : i32 to index
        %get3A_143 = tpu.vector_load %arg8[%get3A_142] {strides = array<i32>} : memref<8192xf32, #tpu.memory_space<vmem>>, vector<16xf32>,
        %add3A_144 = arith.constant 128 : i32
        %add3A_145 = arith.addi %multiple_of3A, %add3A_144 : i32
        %get3A_146 = arith.index_cast %add3A_145 : i32 to index
        %get3A_147 = tpu.vector_load %arg7[%get3A_146] {strides = array<i32>} : memref<8192xi32, #tpu.memory_space<vmem>>, vector<16xi32>,
        %get3A_148 = arith.index_cast %add3A_145 : i32 to index
        %get3A_149 = tpu.vector_load %arg8[%get3A_148] {strides = array<i32>} : memref<8192xf32, #tpu.memory_space<vmem>>, vector<16xf32>,
        %add3A_150 = arith.constant 144 : i32
        %add3A_151 = arith.addi %multiple_of3A, %add3A_150 : i32
        %get3A_152 = arith.index_cast %add3A_151 : i32 to index
        %get3A_153 = tpu.vector_load %arg7[%get3A_152] {strides = array<i32>} : memref<8192xi32, #tpu.memory_space<vmem>>, vector<16xi32>,
        %get3A_154 = arith.index_cast %add3A_151 : i32 to index
        %get3A_155 = tpu.vector_load %arg8[%get3A_154] {strides = array<i32>} : memref<8192xf32, #tpu.memory_space<vmem>>, vector<16xf32>,
        %add3A_156 = arith.constant 160 : i32
        %add3A_157 = arith.addi %multiple_of3A, %add3A_156 : i32
        %get3A_158 = arith.index_cast %add3A_157 : i32 to index
        %get3A_159 = tpu.vector_load %arg7[%get3A_158] {strides = array<i32>} : memref<8192xi32, #tpu.memory_space<vmem>>, vector<16xi32>,
        %get3A_160 = arith.index_cast %add3A_157 : i32 to index
        %get3A_161 = tpu.vector_load %arg8[%get3A_160] {strides = array<i32>} : memref<8192xf32, #tpu.memory_space<vmem>>, vector<16xf32>,
        %add3A_162 = arith.constant 176 : i32
        %add3A_163 = arith.addi %multiple_of3A, %add3A_162 : i32
        %get3A_164 = arith.index_cast %add3A_163 : i32 to index
        %get3A_165 = tpu.vector_load %arg7[%get3A_164] {strides = array<i32>} : memref<8192xi32, #tpu.memory_space<vmem>>, vector<16xi32>,
        %get3A_166 = arith.index_cast %add3A_163 : i32 to index
        %get3A_167 = tpu.vector_load %arg8[%get3A_166] {strides = array<i32>} : memref<8192xf32, #tpu.memory_space<vmem>>, vector<16xf32>,
        %add3A_168 = arith.constant 192 : i32
        %add3A_169 = arith.addi %multiple_of3A, %add3A_168 : i32
        %get3A_170 = arith.index_cast %add3A_169 : i32 to index
        %get3A_171 = tpu.vector_load %arg7[%get3A_170] {strides = array<i32>} : memref<8192xi32, #tpu.memory_space<vmem>>, vector<16xi32>,
        %get3A_172 = arith.index_cast %add3A_169 : i32 to index
        %get3A_173 = tpu.vector_load %arg8[%get3A_172] {strides = array<i32>} : memref<8192xf32, #tpu.memory_space<vmem>>, vector<16xf32>,
        %add3A_174 = arith.constant 208 : i32
        %add3A_175 = arith.addi %multiple_of3A, %add3A_174 : i32
        %get3A_176 = arith.index_cast %add3A_175 : i32 to index
        %get3A_177 = tpu.vector_load %arg7[%get3A_176] {strides = array<i32>} : memref<8192xi32, #tpu.memory_space<vmem>>, vector<16xi32>,
        %get3A_178 = arith.index_cast %add3A_175 : i32 to index
        %get3A_179 = tpu.vector_load %arg8[%get3A_178] {strides = array<i32>} : memref<8192xf32, #tpu.memory_space<vmem>>, vector<16xf32>,
        %add3A_180 = arith.constant 224 : i32
        %add3A_181 = arith.addi %multiple_of3A, %add3A_180 : i32
        %get3A_182 = arith.index_cast %add3A_181 : i32 to index
        %get3A_183 = tpu.vector_load %arg7[%get3A_182] {strides = array<i32>} : memref<8192xi32, #tpu.memory_space<vmem>>, vector<16xi32>,
        %get3A_184 = arith.index_cast %add3A_181 : i32 to index
        %get3A_185 = tpu.vector_load %arg8[%get3A_184] {strides = array<i32>} : memref<8192xf32, #tpu.memory_space<vmem>>, vector<16xf32>,
        %add3A_186 = arith.constant 240 : i32
        %add3A_187 = arith.addi %multiple_of3A, %add3A_186 : i32
        %get3A_188 = arith.index_cast %add3A_187 : i32 to index
        %get3A_189 = tpu.vector_load %arg7[%get3A_188] {strides = array<i32>} : memref<8192xi32, #tpu.memory_space<vmem>>, vector<16xi32>,
        %get3A_190 = arith.index_cast %add3A_187 : i32 to index
        %get3A_191 = tpu.vector_load %arg8[%get3A_190] {strides = array<i32>} : memref<8192xf32, #tpu.memory_space<vmem>>, vector<16xf32>,
        %sub3A = vector.broadcast %mul3A_2 : i32 to vector<16xi32>
        %sub3A_192 = arith.subi %get3A_99, %sub3A : vector<16xi32>
        %bitcast3A = vector.bitcast %sub3A_192 : vector<16xi32> to vector<16xi32>
        %lt3A_193 = arith.constant 65536 : i32
        %lt3A_194 = vector.broadcast %lt3A_193 : i32 to vector<16xi32>
        %lt3A_195 = arith.cmpi ult, %bitcast3A, %lt3A_194 : vector<16xi32>
        tpu.vector_store_idx %arg6[%sub3A_192], %get3A_101 masked %lt3A_195 : memref<65536xf32, #tpu.memory_space<vmem>>[vector<16xi32>], vector<16xf32>, vector<16xi1>
        %sub3A_196 = vector.broadcast %mul3A_2 : i32 to vector<16xi32>
        %sub3A_197 = arith.subi %get3A_105, %sub3A_196 : vector<16xi32>
        %bitcast3A_198 = vector.bitcast %sub3A_197 : vector<16xi32> to vector<16xi32>
        %lt3A_199 = arith.constant 65536 : i32
        %lt3A_200 = vector.broadcast %lt3A_199 : i32 to vector<16xi32>
        %lt3A_201 = arith.cmpi ult, %bitcast3A_198, %lt3A_200 : vector<16xi32>
        tpu.vector_store_idx %arg6[%sub3A_197], %get3A_107 masked %lt3A_201 : memref<65536xf32, #tpu.memory_space<vmem>>[vector<16xi32>], vector<16xf32>, vector<16xi1>
        %sub3A_202 = vector.broadcast %mul3A_2 : i32 to vector<16xi32>
        %sub3A_203 = arith.subi %get3A_111, %sub3A_202 : vector<16xi32>
        %bitcast3A_204 = vector.bitcast %sub3A_203 : vector<16xi32> to vector<16xi32>
        %lt3A_205 = arith.constant 65536 : i32
        %lt3A_206 = vector.broadcast %lt3A_205 : i32 to vector<16xi32>
        %lt3A_207 = arith.cmpi ult, %bitcast3A_204, %lt3A_206 : vector<16xi32>
        tpu.vector_store_idx %arg6[%sub3A_203], %get3A_113 masked %lt3A_207 : memref<65536xf32, #tpu.memory_space<vmem>>[vector<16xi32>], vector<16xf32>, vector<16xi1>
        %sub3A_208 = vector.broadcast %mul3A_2 : i32 to vector<16xi32>
        %sub3A_209 = arith.subi %get3A_117, %sub3A_208 : vector<16xi32>
        %bitcast3A_210 = vector.bitcast %sub3A_209 : vector<16xi32> to vector<16xi32>
        %lt3A_211 = arith.constant 65536 : i32
        %lt3A_212 = vector.broadcast %lt3A_211 : i32 to vector<16xi32>
        %lt3A_213 = arith.cmpi ult, %bitcast3A_210, %lt3A_212 : vector<16xi32>
        tpu.vector_store_idx %arg6[%sub3A_209], %get3A_119 masked %lt3A_213 : memref<65536xf32, #tpu.memory_space<vmem>>[vector<16xi32>], vector<16xf32>, vector<16xi1>
        %sub3A_214 = vector.broadcast %mul3A_2 : i32 to vector<16xi32>
        %sub3A_215 = arith.subi %get3A_123, %sub3A_214 : vector<16xi32>
        %bitcast3A_216 = vector.bitcast %sub3A_215 : vector<16xi32> to vector<16xi32>
        %lt3A_217 = arith.constant 65536 : i32
        %lt3A_218 = vector.broadcast %lt3A_217 : i32 to vector<16xi32>
        %lt3A_219 = arith.cmpi ult, %bitcast3A_216, %lt3A_218 : vector<16xi32>
        tpu.vector_store_idx %arg6[%sub3A_215], %get3A_125 masked %lt3A_219 : memref<65536xf32, #tpu.memory_space<vmem>>[vector<16xi32>], vector<16xf32>, vector<16xi1>
        %sub3A_220 = vector.broadcast %mul3A_2 : i32 to vector<16xi32>
        %sub3A_221 = arith.subi %get3A_129, %sub3A_220 : vector<16xi32>
        %bitcast3A_222 = vector.bitcast %sub3A_221 : vector<16xi32> to vector<16xi32>
        %lt3A_223 = arith.constant 65536 : i32
        %lt3A_224 = vector.broadcast %lt3A_223 : i32 to vector<16xi32>
        %lt3A_225 = arith.cmpi ult, %bitcast3A_222, %lt3A_224 : vector<16xi32>
        tpu.vector_store_idx %arg6[%sub3A_221], %get3A_131 masked %lt3A_225 : memref<65536xf32, #tpu.memory_space<vmem>>[vector<16xi32>], vector<16xf32>, vector<16xi1>
        %sub3A_226 = vector.broadcast %mul3A_2 : i32 to vector<16xi32>
        %sub3A_227 = arith.subi %get3A_135, %sub3A_226 : vector<16xi32>
        %bitcast3A_228 = vector.bitcast %sub3A_227 : vector<16xi32> to vector<16xi32>
        %lt3A_229 = arith.constant 65536 : i32
        %lt3A_230 = vector.broadcast %lt3A_229 : i32 to vector<16xi32>
        %lt3A_231 = arith.cmpi ult, %bitcast3A_228, %lt3A_230 : vector<16xi32>
        tpu.vector_store_idx %arg6[%sub3A_227], %get3A_137 masked %lt3A_231 : memref<65536xf32, #tpu.memory_space<vmem>>[vector<16xi32>], vector<16xf32>, vector<16xi1>
        %sub3A_232 = vector.broadcast %mul3A_2 : i32 to vector<16xi32>
        %sub3A_233 = arith.subi %get3A_141, %sub3A_232 : vector<16xi32>
        %bitcast3A_234 = vector.bitcast %sub3A_233 : vector<16xi32> to vector<16xi32>
        %lt3A_235 = arith.constant 65536 : i32
        %lt3A_236 = vector.broadcast %lt3A_235 : i32 to vector<16xi32>
        %lt3A_237 = arith.cmpi ult, %bitcast3A_234, %lt3A_236 : vector<16xi32>
        tpu.vector_store_idx %arg6[%sub3A_233], %get3A_143 masked %lt3A_237 : memref<65536xf32, #tpu.memory_space<vmem>>[vector<16xi32>], vector<16xf32>, vector<16xi1>
        %sub3A_238 = vector.broadcast %mul3A_2 : i32 to vector<16xi32>
        %sub3A_239 = arith.subi %get3A_147, %sub3A_238 : vector<16xi32>
        %bitcast3A_240 = vector.bitcast %sub3A_239 : vector<16xi32> to vector<16xi32>
        %lt3A_241 = arith.constant 65536 : i32
        %lt3A_242 = vector.broadcast %lt3A_241 : i32 to vector<16xi32>
        %lt3A_243 = arith.cmpi ult, %bitcast3A_240, %lt3A_242 : vector<16xi32>
        tpu.vector_store_idx %arg6[%sub3A_239], %get3A_149 masked %lt3A_243 : memref<65536xf32, #tpu.memory_space<vmem>>[vector<16xi32>], vector<16xf32>, vector<16xi1>
        %sub3A_244 = vector.broadcast %mul3A_2 : i32 to vector<16xi32>
        %sub3A_245 = arith.subi %get3A_153, %sub3A_244 : vector<16xi32>
        %bitcast3A_246 = vector.bitcast %sub3A_245 : vector<16xi32> to vector<16xi32>
        %lt3A_247 = arith.constant 65536 : i32
        %lt3A_248 = vector.broadcast %lt3A_247 : i32 to vector<16xi32>
        %lt3A_249 = arith.cmpi ult, %bitcast3A_246, %lt3A_248 : vector<16xi32>
        tpu.vector_store_idx %arg6[%sub3A_245], %get3A_155 masked %lt3A_249 : memref<65536xf32, #tpu.memory_space<vmem>>[vector<16xi32>], vector<16xf32>, vector<16xi1>
        %sub3A_250 = vector.broadcast %mul3A_2 : i32 to vector<16xi32>
        %sub3A_251 = arith.subi %get3A_159, %sub3A_250 : vector<16xi32>
        %bitcast3A_252 = vector.bitcast %sub3A_251 : vector<16xi32> to vector<16xi32>
        %lt3A_253 = arith.constant 65536 : i32
        %lt3A_254 = vector.broadcast %lt3A_253 : i32 to vector<16xi32>
        %lt3A_255 = arith.cmpi ult, %bitcast3A_252, %lt3A_254 : vector<16xi32>
        tpu.vector_store_idx %arg6[%sub3A_251], %get3A_161 masked %lt3A_255 : memref<65536xf32, #tpu.memory_space<vmem>>[vector<16xi32>], vector<16xf32>, vector<16xi1>
        %sub3A_256 = vector.broadcast %mul3A_2 : i32 to vector<16xi32>
        %sub3A_257 = arith.subi %get3A_165, %sub3A_256 : vector<16xi32>
        %bitcast3A_258 = vector.bitcast %sub3A_257 : vector<16xi32> to vector<16xi32>
        %lt3A_259 = arith.constant 65536 : i32
        %lt3A_260 = vector.broadcast %lt3A_259 : i32 to vector<16xi32>
        %lt3A_261 = arith.cmpi ult, %bitcast3A_258, %lt3A_260 : vector<16xi32>
        tpu.vector_store_idx %arg6[%sub3A_257], %get3A_167 masked %lt3A_261 : memref<65536xf32, #tpu.memory_space<vmem>>[vector<16xi32>], vector<16xf32>, vector<16xi1>
        %sub3A_262 = vector.broadcast %mul3A_2 : i32 to vector<16xi32>
        %sub3A_263 = arith.subi %get3A_171, %sub3A_262 : vector<16xi32>
        %bitcast3A_264 = vector.bitcast %sub3A_263 : vector<16xi32> to vector<16xi32>
        %lt3A_265 = arith.constant 65536 : i32
        %lt3A_266 = vector.broadcast %lt3A_265 : i32 to vector<16xi32>
        %lt3A_267 = arith.cmpi ult, %bitcast3A_264, %lt3A_266 : vector<16xi32>
        tpu.vector_store_idx %arg6[%sub3A_263], %get3A_173 masked %lt3A_267 : memref<65536xf32, #tpu.memory_space<vmem>>[vector<16xi32>], vector<16xf32>, vector<16xi1>
        %sub3A_268 = vector.broadcast %mul3A_2 : i32 to vector<16xi32>
        %sub3A_269 = arith.subi %get3A_177, %sub3A_268 : vector<16xi32>
        %bitcast3A_270 = vector.bitcast %sub3A_269 : vector<16xi32> to vector<16xi32>
        %lt3A_271 = arith.constant 65536 : i32
        %lt3A_272 = vector.broadcast %lt3A_271 : i32 to vector<16xi32>
        %lt3A_273 = arith.cmpi ult, %bitcast3A_270, %lt3A_272 : vector<16xi32>
        tpu.vector_store_idx %arg6[%sub3A_269], %get3A_179 masked %lt3A_273 : memref<65536xf32, #tpu.memory_space<vmem>>[vector<16xi32>], vector<16xf32>, vector<16xi1>
        %sub3A_274 = vector.broadcast %mul3A_2 : i32 to vector<16xi32>
        %sub3A_275 = arith.subi %get3A_183, %sub3A_274 : vector<16xi32>
        %bitcast3A_276 = vector.bitcast %sub3A_275 : vector<16xi32> to vector<16xi32>
        %lt3A_277 = arith.constant 65536 : i32
        %lt3A_278 = vector.broadcast %lt3A_277 : i32 to vector<16xi32>
        %lt3A_279 = arith.cmpi ult, %bitcast3A_276, %lt3A_278 : vector<16xi32>
        tpu.vector_store_idx %arg6[%sub3A_275], %get3A_185 masked %lt3A_279 : memref<65536xf32, #tpu.memory_space<vmem>>[vector<16xi32>], vector<16xf32>, vector<16xi1>
        %sub3A_280 = vector.broadcast %mul3A_2 : i32 to vector<16xi32>
        %sub3A_281 = arith.subi %get3A_189, %sub3A_280 : vector<16xi32>
        %bitcast3A_282 = vector.bitcast %sub3A_281 : vector<16xi32> to vector<16xi32>
        %lt3A_283 = arith.constant 65536 : i32
        %lt3A_284 = vector.broadcast %lt3A_283 : i32 to vector<16xi32>
        %lt3A_285 = arith.cmpi ult, %bitcast3A_282, %lt3A_284 : vector<16xi32>
        tpu.vector_store_idx %arg6[%sub3A_281], %get3A_191 masked %lt3A_285 : memref<65536xf32, #tpu.memory_space<vmem>>[vector<16xi32>], vector<16xf32>, vector<16xi1>
        %scan3A_286 = arith.constant 1 : i32
        %scan3A_287 = arith.addi %scan3A_94, %scan3A_286 : i32
        %mul3A_288 = arith.constant 256 : i32
        %mul3A_289 = arith.muli %scan3A_287, %mul3A_288 : i32
        %multiple_of3A_290 = tpu.assume_multiple %mul3A_289, 256 : i32
        %add3A_291 = arith.constant 0 : i32
        %add3A_292 = arith.addi %multiple_of3A_290, %add3A_291 : i32
        %get3A_293 = arith.index_cast %add3A_292 : i32 to index
        %get3A_294 = tpu.vector_load %arg7[%get3A_293] {strides = array<i32>} : memref<8192xi32, #tpu.memory_space<vmem>>, vector<16xi32>,
        %get3A_295 = arith.index_cast %add3A_292 : i32 to index
        %get3A_296 = tpu.vector_load %arg8[%get3A_295] {strides = array<i32>} : memref<8192xf32, #tpu.memory_space<vmem>>, vector<16xf32>,
        %add3A_297 = arith.constant 16 : i32
        %add3A_298 = arith.addi %multiple_of3A_290, %add3A_297 : i32
        %get3A_299 = arith.index_cast %add3A_298 : i32 to index
        %get3A_300 = tpu.vector_load %arg7[%get3A_299] {strides = array<i32>} : memref<8192xi32, #tpu.memory_space<vmem>>, vector<16xi32>,
        %get3A_301 = arith.index_cast %add3A_298 : i32 to index
        %get3A_302 = tpu.vector_load %arg8[%get3A_301] {strides = array<i32>} : memref<8192xf32, #tpu.memory_space<vmem>>, vector<16xf32>,
        %add3A_303 = arith.constant 32 : i32
        %add3A_304 = arith.addi %multiple_of3A_290, %add3A_303 : i32
        %get3A_305 = arith.index_cast %add3A_304 : i32 to index
        %get3A_306 = tpu.vector_load %arg7[%get3A_305] {strides = array<i32>} : memref<8192xi32, #tpu.memory_space<vmem>>, vector<16xi32>,
        %get3A_307 = arith.index_cast %add3A_304 : i32 to index
        %get3A_308 = tpu.vector_load %arg8[%get3A_307] {strides = array<i32>} : memref<8192xf32, #tpu.memory_space<vmem>>, vector<16xf32>,
        %add3A_309 = arith.constant 48 : i32
        %add3A_310 = arith.addi %multiple_of3A_290, %add3A_309 : i32
        %get3A_311 = arith.index_cast %add3A_310 : i32 to index
        %get3A_312 = tpu.vector_load %arg7[%get3A_311] {strides = array<i32>} : memref<8192xi32, #tpu.memory_space<vmem>>, vector<16xi32>,
        %get3A_313 = arith.index_cast %add3A_310 : i32 to index
        %get3A_314 = tpu.vector_load %arg8[%get3A_313] {strides = array<i32>} : memref<8192xf32, #tpu.memory_space<vmem>>, vector<16xf32>,
        %add3A_315 = arith.constant 64 : i32
        %add3A_316 = arith.addi %multiple_of3A_290, %add3A_315 : i32
        %get3A_317 = arith.index_cast %add3A_316 : i32 to index
        %get3A_318 = tpu.vector_load %arg7[%get3A_317] {strides = array<i32>} : memref<8192xi32, #tpu.memory_space<vmem>>, vector<16xi32>,
        %get3A_319 = arith.index_cast %add3A_316 : i32 to index
        %get3A_320 = tpu.vector_load %arg8[%get3A_319] {strides = array<i32>} : memref<8192xf32, #tpu.memory_space<vmem>>, vector<16xf32>,
        %add3A_321 = arith.constant 80 : i32
        %add3A_322 = arith.addi %multiple_of3A_290, %add3A_321 : i32
        %get3A_323 = arith.index_cast %add3A_322 : i32 to index
        %get3A_324 = tpu.vector_load %arg7[%get3A_323] {strides = array<i32>} : memref<8192xi32, #tpu.memory_space<vmem>>, vector<16xi32>,
        %get3A_325 = arith.index_cast %add3A_322 : i32 to index
        %get3A_326 = tpu.vector_load %arg8[%get3A_325] {strides = array<i32>} : memref<8192xf32, #tpu.memory_space<vmem>>, vector<16xf32>,
        %add3A_327 = arith.constant 96 : i32
        %add3A_328 = arith.addi %multiple_of3A_290, %add3A_327 : i32
        %get3A_329 = arith.index_cast %add3A_328 : i32 to index
        %get3A_330 = tpu.vector_load %arg7[%get3A_329] {strides = array<i32>} : memref<8192xi32, #tpu.memory_space<vmem>>, vector<16xi32>,
        %get3A_331 = arith.index_cast %add3A_328 : i32 to index
        %get3A_332 = tpu.vector_load %arg8[%get3A_331] {strides = array<i32>} : memref<8192xf32, #tpu.memory_space<vmem>>, vector<16xf32>,
        %add3A_333 = arith.constant 112 : i32
        %add3A_334 = arith.addi %multiple_of3A_290, %add3A_333 : i32
        %get3A_335 = arith.index_cast %add3A_334 : i32 to index
        %get3A_336 = tpu.vector_load %arg7[%get3A_335] {strides = array<i32>} : memref<8192xi32, #tpu.memory_space<vmem>>, vector<16xi32>,
        %get3A_337 = arith.index_cast %add3A_334 : i32 to index
        %get3A_338 = tpu.vector_load %arg8[%get3A_337] {strides = array<i32>} : memref<8192xf32, #tpu.memory_space<vmem>>, vector<16xf32>,
        %add3A_339 = arith.constant 128 : i32
        %add3A_340 = arith.addi %multiple_of3A_290, %add3A_339 : i32
        %get3A_341 = arith.index_cast %add3A_340 : i32 to index
        %get3A_342 = tpu.vector_load %arg7[%get3A_341] {strides = array<i32>} : memref<8192xi32, #tpu.memory_space<vmem>>, vector<16xi32>,
        %get3A_343 = arith.index_cast %add3A_340 : i32 to index
        %get3A_344 = tpu.vector_load %arg8[%get3A_343] {strides = array<i32>} : memref<8192xf32, #tpu.memory_space<vmem>>, vector<16xf32>,
        %add3A_345 = arith.constant 144 : i32
        %add3A_346 = arith.addi %multiple_of3A_290, %add3A_345 : i32
        %get3A_347 = arith.index_cast %add3A_346 : i32 to index
        %get3A_348 = tpu.vector_load %arg7[%get3A_347] {strides = array<i32>} : memref<8192xi32, #tpu.memory_space<vmem>>, vector<16xi32>,
        %get3A_349 = arith.index_cast %add3A_346 : i32 to index
        %get3A_350 = tpu.vector_load %arg8[%get3A_349] {strides = array<i32>} : memref<8192xf32, #tpu.memory_space<vmem>>, vector<16xf32>,
        %add3A_351 = arith.constant 160 : i32
        %add3A_352 = arith.addi %multiple_of3A_290, %add3A_351 : i32
        %get3A_353 = arith.index_cast %add3A_352 : i32 to index
        %get3A_354 = tpu.vector_load %arg7[%get3A_353] {strides = array<i32>} : memref<8192xi32, #tpu.memory_space<vmem>>, vector<16xi32>,
        %get3A_355 = arith.index_cast %add3A_352 : i32 to index
        %get3A_356 = tpu.vector_load %arg8[%get3A_355] {strides = array<i32>} : memref<8192xf32, #tpu.memory_space<vmem>>, vector<16xf32>,
        %add3A_357 = arith.constant 176 : i32
        %add3A_358 = arith.addi %multiple_of3A_290, %add3A_357 : i32
        %get3A_359 = arith.index_cast %add3A_358 : i32 to index
        %get3A_360 = tpu.vector_load %arg7[%get3A_359] {strides = array<i32>} : memref<8192xi32, #tpu.memory_space<vmem>>, vector<16xi32>,
        %get3A_361 = arith.index_cast %add3A_358 : i32 to index
        %get3A_362 = tpu.vector_load %arg8[%get3A_361] {strides = array<i32>} : memref<8192xf32, #tpu.memory_space<vmem>>, vector<16xf32>,
        %add3A_363 = arith.constant 192 : i32
        %add3A_364 = arith.addi %multiple_of3A_290, %add3A_363 : i32
        %get3A_365 = arith.index_cast %add3A_364 : i32 to index
        %get3A_366 = tpu.vector_load %arg7[%get3A_365] {strides = array<i32>} : memref<8192xi32, #tpu.memory_space<vmem>>, vector<16xi32>,
        %get3A_367 = arith.index_cast %add3A_364 : i32 to index
        %get3A_368 = tpu.vector_load %arg8[%get3A_367] {strides = array<i32>} : memref<8192xf32, #tpu.memory_space<vmem>>, vector<16xf32>,
        %add3A_369 = arith.constant 208 : i32
        %add3A_370 = arith.addi %multiple_of3A_290, %add3A_369 : i32
        %get3A_371 = arith.index_cast %add3A_370 : i32 to index
        %get3A_372 = tpu.vector_load %arg7[%get3A_371] {strides = array<i32>} : memref<8192xi32, #tpu.memory_space<vmem>>, vector<16xi32>,
        %get3A_373 = arith.index_cast %add3A_370 : i32 to index
        %get3A_374 = tpu.vector_load %arg8[%get3A_373] {strides = array<i32>} : memref<8192xf32, #tpu.memory_space<vmem>>, vector<16xf32>,
        %add3A_375 = arith.constant 224 : i32
        %add3A_376 = arith.addi %multiple_of3A_290, %add3A_375 : i32
        %get3A_377 = arith.index_cast %add3A_376 : i32 to index
        %get3A_378 = tpu.vector_load %arg7[%get3A_377] {strides = array<i32>} : memref<8192xi32, #tpu.memory_space<vmem>>, vector<16xi32>,
        %get3A_379 = arith.index_cast %add3A_376 : i32 to index
        %get3A_380 = tpu.vector_load %arg8[%get3A_379] {strides = array<i32>} : memref<8192xf32, #tpu.memory_space<vmem>>, vector<16xf32>,
        %add3A_381 = arith.constant 240 : i32
        %add3A_382 = arith.addi %multiple_of3A_290, %add3A_381 : i32
        %get3A_383 = arith.index_cast %add3A_382 : i32 to index
        %get3A_384 = tpu.vector_load %arg7[%get3A_383] {strides = array<i32>} : memref<8192xi32, #tpu.memory_space<vmem>>, vector<16xi32>,
        %get3A_385 = arith.index_cast %add3A_382 : i32 to index
        %get3A_386 = tpu.vector_load %arg8[%get3A_385] {strides = array<i32>} : memref<8192xf32, #tpu.memory_space<vmem>>, vector<16xf32>,
        %sub3A_387 = vector.broadcast %mul3A_2 : i32 to vector<16xi32>
        %sub3A_388 = arith.subi %get3A_294, %sub3A_387 : vector<16xi32>
        %bitcast3A_389 = vector.bitcast %sub3A_388 : vector<16xi32> to vector<16xi32>
        %lt3A_390 = arith.constant 65536 : i32
        %lt3A_391 = vector.broadcast %lt3A_390 : i32 to vector<16xi32>
        %lt3A_392 = arith.cmpi ult, %bitcast3A_389, %lt3A_391 : vector<16xi32>
        tpu.vector_store_idx %arg6[%sub3A_388], %get3A_296 masked %lt3A_392 : memref<65536xf32, #tpu.memory_space<vmem>>[vector<16xi32>], vector<16xf32>, vector<16xi1>
        %sub3A_393 = vector.broadcast %mul3A_2 : i32 to vector<16xi32>
        %sub3A_394 = arith.subi %get3A_300, %sub3A_393 : vector<16xi32>
        %bitcast3A_395 = vector.bitcast %sub3A_394 : vector<16xi32> to vector<16xi32>
        %lt3A_396 = arith.constant 65536 : i32
        %lt3A_397 = vector.broadcast %lt3A_396 : i32 to vector<16xi32>
        %lt3A_398 = arith.cmpi ult, %bitcast3A_395, %lt3A_397 : vector<16xi32>
        tpu.vector_store_idx %arg6[%sub3A_394], %get3A_302 masked %lt3A_398 : memref<65536xf32, #tpu.memory_space<vmem>>[vector<16xi32>], vector<16xf32>, vector<16xi1>
        %sub3A_399 = vector.broadcast %mul3A_2 : i32 to vector<16xi32>
        %sub3A_400 = arith.subi %get3A_306, %sub3A_399 : vector<16xi32>
        %bitcast3A_401 = vector.bitcast %sub3A_400 : vector<16xi32> to vector<16xi32>
        %lt3A_402 = arith.constant 65536 : i32
        %lt3A_403 = vector.broadcast %lt3A_402 : i32 to vector<16xi32>
        %lt3A_404 = arith.cmpi ult, %bitcast3A_401, %lt3A_403 : vector<16xi32>
        tpu.vector_store_idx %arg6[%sub3A_400], %get3A_308 masked %lt3A_404 : memref<65536xf32, #tpu.memory_space<vmem>>[vector<16xi32>], vector<16xf32>, vector<16xi1>
        %sub3A_405 = vector.broadcast %mul3A_2 : i32 to vector<16xi32>
        %sub3A_406 = arith.subi %get3A_312, %sub3A_405 : vector<16xi32>
        %bitcast3A_407 = vector.bitcast %sub3A_406 : vector<16xi32> to vector<16xi32>
        %lt3A_408 = arith.constant 65536 : i32
        %lt3A_409 = vector.broadcast %lt3A_408 : i32 to vector<16xi32>
        %lt3A_410 = arith.cmpi ult, %bitcast3A_407, %lt3A_409 : vector<16xi32>
        tpu.vector_store_idx %arg6[%sub3A_406], %get3A_314 masked %lt3A_410 : memref<65536xf32, #tpu.memory_space<vmem>>[vector<16xi32>], vector<16xf32>, vector<16xi1>
        %sub3A_411 = vector.broadcast %mul3A_2 : i32 to vector<16xi32>
        %sub3A_412 = arith.subi %get3A_318, %sub3A_411 : vector<16xi32>
        %bitcast3A_413 = vector.bitcast %sub3A_412 : vector<16xi32> to vector<16xi32>
        %lt3A_414 = arith.constant 65536 : i32
        %lt3A_415 = vector.broadcast %lt3A_414 : i32 to vector<16xi32>
        %lt3A_416 = arith.cmpi ult, %bitcast3A_413, %lt3A_415 : vector<16xi32>
        tpu.vector_store_idx %arg6[%sub3A_412], %get3A_320 masked %lt3A_416 : memref<65536xf32, #tpu.memory_space<vmem>>[vector<16xi32>], vector<16xf32>, vector<16xi1>
        %sub3A_417 = vector.broadcast %mul3A_2 : i32 to vector<16xi32>
        %sub3A_418 = arith.subi %get3A_324, %sub3A_417 : vector<16xi32>
        %bitcast3A_419 = vector.bitcast %sub3A_418 : vector<16xi32> to vector<16xi32>
        %lt3A_420 = arith.constant 65536 : i32
        %lt3A_421 = vector.broadcast %lt3A_420 : i32 to vector<16xi32>
        %lt3A_422 = arith.cmpi ult, %bitcast3A_419, %lt3A_421 : vector<16xi32>
        tpu.vector_store_idx %arg6[%sub3A_418], %get3A_326 masked %lt3A_422 : memref<65536xf32, #tpu.memory_space<vmem>>[vector<16xi32>], vector<16xf32>, vector<16xi1>
        %sub3A_423 = vector.broadcast %mul3A_2 : i32 to vector<16xi32>
        %sub3A_424 = arith.subi %get3A_330, %sub3A_423 : vector<16xi32>
        %bitcast3A_425 = vector.bitcast %sub3A_424 : vector<16xi32> to vector<16xi32>
        %lt3A_426 = arith.constant 65536 : i32
        %lt3A_427 = vector.broadcast %lt3A_426 : i32 to vector<16xi32>
        %lt3A_428 = arith.cmpi ult, %bitcast3A_425, %lt3A_427 : vector<16xi32>
        tpu.vector_store_idx %arg6[%sub3A_424], %get3A_332 masked %lt3A_428 : memref<65536xf32, #tpu.memory_space<vmem>>[vector<16xi32>], vector<16xf32>, vector<16xi1>
        %sub3A_429 = vector.broadcast %mul3A_2 : i32 to vector<16xi32>
        %sub3A_430 = arith.subi %get3A_336, %sub3A_429 : vector<16xi32>
        %bitcast3A_431 = vector.bitcast %sub3A_430 : vector<16xi32> to vector<16xi32>
        %lt3A_432 = arith.constant 65536 : i32
        %lt3A_433 = vector.broadcast %lt3A_432 : i32 to vector<16xi32>
        %lt3A_434 = arith.cmpi ult, %bitcast3A_431, %lt3A_433 : vector<16xi32>
        tpu.vector_store_idx %arg6[%sub3A_430], %get3A_338 masked %lt3A_434 : memref<65536xf32, #tpu.memory_space<vmem>>[vector<16xi32>], vector<16xf32>, vector<16xi1>
        %sub3A_435 = vector.broadcast %mul3A_2 : i32 to vector<16xi32>
        %sub3A_436 = arith.subi %get3A_342, %sub3A_435 : vector<16xi32>
        %bitcast3A_437 = vector.bitcast %sub3A_436 : vector<16xi32> to vector<16xi32>
        %lt3A_438 = arith.constant 65536 : i32
        %lt3A_439 = vector.broadcast %lt3A_438 : i32 to vector<16xi32>
        %lt3A_440 = arith.cmpi ult, %bitcast3A_437, %lt3A_439 : vector<16xi32>
        tpu.vector_store_idx %arg6[%sub3A_436], %get3A_344 masked %lt3A_440 : memref<65536xf32, #tpu.memory_space<vmem>>[vector<16xi32>], vector<16xf32>, vector<16xi1>
        %sub3A_441 = vector.broadcast %mul3A_2 : i32 to vector<16xi32>
        %sub3A_442 = arith.subi %get3A_348, %sub3A_441 : vector<16xi32>
        %bitcast3A_443 = vector.bitcast %sub3A_442 : vector<16xi32> to vector<16xi32>
        %lt3A_444 = arith.constant 65536 : i32
        %lt3A_445 = vector.broadcast %lt3A_444 : i32 to vector<16xi32>
        %lt3A_446 = arith.cmpi ult, %bitcast3A_443, %lt3A_445 : vector<16xi32>
        tpu.vector_store_idx %arg6[%sub3A_442], %get3A_350 masked %lt3A_446 : memref<65536xf32, #tpu.memory_space<vmem>>[vector<16xi32>], vector<16xf32>, vector<16xi1>
        %sub3A_447 = vector.broadcast %mul3A_2 : i32 to vector<16xi32>
        %sub3A_448 = arith.subi %get3A_354, %sub3A_447 : vector<16xi32>
        %bitcast3A_449 = vector.bitcast %sub3A_448 : vector<16xi32> to vector<16xi32>
        %lt3A_450 = arith.constant 65536 : i32
        %lt3A_451 = vector.broadcast %lt3A_450 : i32 to vector<16xi32>
        %lt3A_452 = arith.cmpi ult, %bitcast3A_449, %lt3A_451 : vector<16xi32>
        tpu.vector_store_idx %arg6[%sub3A_448], %get3A_356 masked %lt3A_452 : memref<65536xf32, #tpu.memory_space<vmem>>[vector<16xi32>], vector<16xf32>, vector<16xi1>
        %sub3A_453 = vector.broadcast %mul3A_2 : i32 to vector<16xi32>
        %sub3A_454 = arith.subi %get3A_360, %sub3A_453 : vector<16xi32>
        %bitcast3A_455 = vector.bitcast %sub3A_454 : vector<16xi32> to vector<16xi32>
        %lt3A_456 = arith.constant 65536 : i32
        %lt3A_457 = vector.broadcast %lt3A_456 : i32 to vector<16xi32>
        %lt3A_458 = arith.cmpi ult, %bitcast3A_455, %lt3A_457 : vector<16xi32>
        tpu.vector_store_idx %arg6[%sub3A_454], %get3A_362 masked %lt3A_458 : memref<65536xf32, #tpu.memory_space<vmem>>[vector<16xi32>], vector<16xf32>, vector<16xi1>
        %sub3A_459 = vector.broadcast %mul3A_2 : i32 to vector<16xi32>
        %sub3A_460 = arith.subi %get3A_366, %sub3A_459 : vector<16xi32>
        %bitcast3A_461 = vector.bitcast %sub3A_460 : vector<16xi32> to vector<16xi32>
        %lt3A_462 = arith.constant 65536 : i32
        %lt3A_463 = vector.broadcast %lt3A_462 : i32 to vector<16xi32>
        %lt3A_464 = arith.cmpi ult, %bitcast3A_461, %lt3A_463 : vector<16xi32>
        tpu.vector_store_idx %arg6[%sub3A_460], %get3A_368 masked %lt3A_464 : memref<65536xf32, #tpu.memory_space<vmem>>[vector<16xi32>], vector<16xf32>, vector<16xi1>
        %sub3A_465 = vector.broadcast %mul3A_2 : i32 to vector<16xi32>
        %sub3A_466 = arith.subi %get3A_372, %sub3A_465 : vector<16xi32>
        %bitcast3A_467 = vector.bitcast %sub3A_466 : vector<16xi32> to vector<16xi32>
        %lt3A_468 = arith.constant 65536 : i32
        %lt3A_469 = vector.broadcast %lt3A_468 : i32 to vector<16xi32>
        %lt3A_470 = arith.cmpi ult, %bitcast3A_467, %lt3A_469 : vector<16xi32>
        tpu.vector_store_idx %arg6[%sub3A_466], %get3A_374 masked %lt3A_470 : memref<65536xf32, #tpu.memory_space<vmem>>[vector<16xi32>], vector<16xf32>, vector<16xi1>
        %sub3A_471 = vector.broadcast %mul3A_2 : i32 to vector<16xi32>
        %sub3A_472 = arith.subi %get3A_378, %sub3A_471 : vector<16xi32>
        %bitcast3A_473 = vector.bitcast %sub3A_472 : vector<16xi32> to vector<16xi32>
        %lt3A_474 = arith.constant 65536 : i32
        %lt3A_475 = vector.broadcast %lt3A_474 : i32 to vector<16xi32>
        %lt3A_476 = arith.cmpi ult, %bitcast3A_473, %lt3A_475 : vector<16xi32>
        tpu.vector_store_idx %arg6[%sub3A_472], %get3A_380 masked %lt3A_476 : memref<65536xf32, #tpu.memory_space<vmem>>[vector<16xi32>], vector<16xf32>, vector<16xi1>
        %sub3A_477 = vector.broadcast %mul3A_2 : i32 to vector<16xi32>
        %sub3A_478 = arith.subi %get3A_384, %sub3A_477 : vector<16xi32>
        %bitcast3A_479 = vector.bitcast %sub3A_478 : vector<16xi32> to vector<16xi32>
        %lt3A_480 = arith.constant 65536 : i32
        %lt3A_481 = vector.broadcast %lt3A_480 : i32 to vector<16xi32>
        %lt3A_482 = arith.cmpi ult, %bitcast3A_479, %lt3A_481 : vector<16xi32>
        tpu.vector_store_idx %arg6[%sub3A_478], %get3A_386 masked %lt3A_482 : memref<65536xf32, #tpu.memory_space<vmem>>[vector<16xi32>], vector<16xf32>, vector<16xi1>
      }
      %scan3A_65 = arith.constant 32 : i32
      %add3A_66 = arith.constant 2 : i32
      %add3A_67 = arith.addi %add3A_52, %add3A_66 : i32
      %lt3A = arith.constant 64 : i32
      %lt3A_68 = arith.cmpi slt, %add3A_67, %lt3A : i32
      %convert_element_type3A = arith.extui %lt3A_68 : i1 to i32
      %cond3A = arith.constant 0 : i32
      %cond3A_69 = arith.cmpi ne, %convert_element_type3A, %cond3A : i32
      scf.if %cond3A_69 {
        %add3A_94 = arith.constant 2 : i32
        %add3A_95 = arith.addi %add3A_52, %add3A_94 : i32
        %mul3A_96 = arith.constant 8192 : i32
        %mul3A_97 = arith.muli %add3A_95, %mul3A_96 : i32
        %multiple_of3A = tpu.assume_multiple %mul3A_97, 8192 : i32
        %dma_start3A_98 = tpu.memref_slice %arg3[%multiple_of3A] : memref<524288xi32, #tpu.memory_space<hbm>> -> memref<8192xi32, #tpu.memory_space<hbm>>
        %dma_start3A_99 = tpu.memref_slice %arg3[%multiple_of3A] : memref<524288xi32, #tpu.memory_space<hbm>> -> memref<8192xi32, #tpu.memory_space<hbm>>
        tpu.enqueue_dma source(%dma_start3A_99 : memref<8192xi32, #tpu.memory_space<hbm>>) target(%arg7 : memref<8192xi32, #tpu.memory_space<vmem>>) target_semaphore(%arg15 : memref<!tpu.dma_semaphore, #tpu.memory_space<semaphore_mem>>)
        %dma_start3A_100 = tpu.memref_slice %arg4[%multiple_of3A] : memref<524288xf32, #tpu.memory_space<hbm>> -> memref<8192xf32, #tpu.memory_space<hbm>>
        %dma_start3A_101 = tpu.memref_slice %arg4[%multiple_of3A] : memref<524288xf32, #tpu.memory_space<hbm>> -> memref<8192xf32, #tpu.memory_space<hbm>>
        tpu.enqueue_dma source(%dma_start3A_101 : memref<8192xf32, #tpu.memory_space<hbm>>) target(%arg8 : memref<8192xf32, #tpu.memory_space<vmem>>) target_semaphore(%arg15 : memref<!tpu.dma_semaphore, #tpu.memory_space<semaphore_mem>>)
      } else {
      }
      %mul3A_70 = arith.constant 2 : i32
      %mul3A_71 = arith.muli %mul3A_70, %scan3A_48 : i32
      %add3A_72 = arith.constant 1 : i32
      %add3A_73 = arith.addi %mul3A_71, %add3A_72 : i32
      %dma_wait3A_74 = arith.constant 0 : i32
      %dma_wait3A_75 = tpu.memref_slice %arg3[%dma_wait3A_74] : memref<524288xi32, #tpu.memory_space<hbm>> -> memref<8192xi32, #tpu.memory_space<hbm>>
      %dma_wait3A_76 = arith.constant 0 : i32
      %dma_wait3A_77 = tpu.memref_slice %arg3[%dma_wait3A_76] : memref<524288xi32, #tpu.memory_space<hbm>> -> memref<8192xi32, #tpu.memory_space<hbm>>
      tpu.wait_dma2 semaphore(%arg16 : memref<!tpu.dma_semaphore, #tpu.memory_space<semaphore_mem>>) src(%dma_wait3A_77 : memref<8192xi32, #tpu.memory_space<hbm>>) dst(%arg9 : memref<8192xi32, #tpu.memory_space<vmem>>)
      %dma_wait3A_78 = arith.constant 0 : i32
      %dma_wait3A_79 = tpu.memref_slice %arg4[%dma_wait3A_78] : memref<524288xf32, #tpu.memory_space<hbm>> -> memref<8192xf32, #tpu.memory_space<hbm>>
      %dma_wait3A_80 = arith.constant 0 : i32
      %dma_wait3A_81 = tpu.memref_slice %arg4[%dma_wait3A_80] : memref<524288xf32, #tpu.memory_space<hbm>> -> memref<8192xf32, #tpu.memory_space<hbm>>
      tpu.wait_dma2 semaphore(%arg16 : memref<!tpu.dma_semaphore, #tpu.memory_space<semaphore_mem>>) src(%dma_wait3A_81 : memref<8192xf32, #tpu.memory_space<hbm>>) dst(%arg10 : memref<8192xf32, #tpu.memory_space<vmem>>)
      %scan3A_82 = arith.constant 0 : i32
      %scan3A_83 = arith.constant 32 : i32
      %scan3A_84 = arith.addi %scan3A_82, %scan3A_83 : i32
      %scan3A_85 = arith.constant 2 : i32
      scf.for %scan3A_94 = %scan3A_82 to %scan3A_84 step %scan3A_85  : i32 {
        %mul3A_95 = arith.constant 256 : i32
        %mul3A_96 = arith.muli %scan3A_94, %mul3A_95 : i32
        %multiple_of3A = tpu.assume_multiple %mul3A_96, 256 : i32
        %add3A_97 = arith.constant 0 : i32
        %add3A_98 = arith.addi %multiple_of3A, %add3A_97 : i32
        %get3A = arith.index_cast %add3A_98 : i32 to index
        %get3A_99 = tpu.vector_load %arg9[%get3A] {strides = array<i32>} : memref<8192xi32, #tpu.memory_space<vmem>>, vector<16xi32>,
        %get3A_100 = arith.index_cast %add3A_98 : i32 to index
        %get3A_101 = tpu.vector_load %arg10[%get3A_100] {strides = array<i32>} : memref<8192xf32, #tpu.memory_space<vmem>>, vector<16xf32>,
        %add3A_102 = arith.constant 16 : i32
        %add3A_103 = arith.addi %multiple_of3A, %add3A_102 : i32
        %get3A_104 = arith.index_cast %add3A_103 : i32 to index
        %get3A_105 = tpu.vector_load %arg9[%get3A_104] {strides = array<i32>} : memref<8192xi32, #tpu.memory_space<vmem>>, vector<16xi32>,
        %get3A_106 = arith.index_cast %add3A_103 : i32 to index
        %get3A_107 = tpu.vector_load %arg10[%get3A_106] {strides = array<i32>} : memref<8192xf32, #tpu.memory_space<vmem>>, vector<16xf32>,
        %add3A_108 = arith.constant 32 : i32
        %add3A_109 = arith.addi %multiple_of3A, %add3A_108 : i32
        %get3A_110 = arith.index_cast %add3A_109 : i32 to index
        %get3A_111 = tpu.vector_load %arg9[%get3A_110] {strides = array<i32>} : memref<8192xi32, #tpu.memory_space<vmem>>, vector<16xi32>,
        %get3A_112 = arith.index_cast %add3A_109 : i32 to index
        %get3A_113 = tpu.vector_load %arg10[%get3A_112] {strides = array<i32>} : memref<8192xf32, #tpu.memory_space<vmem>>, vector<16xf32>,
        %add3A_114 = arith.constant 48 : i32
        %add3A_115 = arith.addi %multiple_of3A, %add3A_114 : i32
        %get3A_116 = arith.index_cast %add3A_115 : i32 to index
        %get3A_117 = tpu.vector_load %arg9[%get3A_116] {strides = array<i32>} : memref<8192xi32, #tpu.memory_space<vmem>>, vector<16xi32>,
        %get3A_118 = arith.index_cast %add3A_115 : i32 to index
        %get3A_119 = tpu.vector_load %arg10[%get3A_118] {strides = array<i32>} : memref<8192xf32, #tpu.memory_space<vmem>>, vector<16xf32>,
        %add3A_120 = arith.constant 64 : i32
        %add3A_121 = arith.addi %multiple_of3A, %add3A_120 : i32
        %get3A_122 = arith.index_cast %add3A_121 : i32 to index
        %get3A_123 = tpu.vector_load %arg9[%get3A_122] {strides = array<i32>} : memref<8192xi32, #tpu.memory_space<vmem>>, vector<16xi32>,
        %get3A_124 = arith.index_cast %add3A_121 : i32 to index
        %get3A_125 = tpu.vector_load %arg10[%get3A_124] {strides = array<i32>} : memref<8192xf32, #tpu.memory_space<vmem>>, vector<16xf32>,
        %add3A_126 = arith.constant 80 : i32
        %add3A_127 = arith.addi %multiple_of3A, %add3A_126 : i32
        %get3A_128 = arith.index_cast %add3A_127 : i32 to index
        %get3A_129 = tpu.vector_load %arg9[%get3A_128] {strides = array<i32>} : memref<8192xi32, #tpu.memory_space<vmem>>, vector<16xi32>,
        %get3A_130 = arith.index_cast %add3A_127 : i32 to index
        %get3A_131 = tpu.vector_load %arg10[%get3A_130] {strides = array<i32>} : memref<8192xf32, #tpu.memory_space<vmem>>, vector<16xf32>,
        %add3A_132 = arith.constant 96 : i32
        %add3A_133 = arith.addi %multiple_of3A, %add3A_132 : i32
        %get3A_134 = arith.index_cast %add3A_133 : i32 to index
        %get3A_135 = tpu.vector_load %arg9[%get3A_134] {strides = array<i32>} : memref<8192xi32, #tpu.memory_space<vmem>>, vector<16xi32>,
        %get3A_136 = arith.index_cast %add3A_133 : i32 to index
        %get3A_137 = tpu.vector_load %arg10[%get3A_136] {strides = array<i32>} : memref<8192xf32, #tpu.memory_space<vmem>>, vector<16xf32>,
        %add3A_138 = arith.constant 112 : i32
        %add3A_139 = arith.addi %multiple_of3A, %add3A_138 : i32
        %get3A_140 = arith.index_cast %add3A_139 : i32 to index
        %get3A_141 = tpu.vector_load %arg9[%get3A_140] {strides = array<i32>} : memref<8192xi32, #tpu.memory_space<vmem>>, vector<16xi32>,
        %get3A_142 = arith.index_cast %add3A_139 : i32 to index
        %get3A_143 = tpu.vector_load %arg10[%get3A_142] {strides = array<i32>} : memref<8192xf32, #tpu.memory_space<vmem>>, vector<16xf32>,
        %add3A_144 = arith.constant 128 : i32
        %add3A_145 = arith.addi %multiple_of3A, %add3A_144 : i32
        %get3A_146 = arith.index_cast %add3A_145 : i32 to index
        %get3A_147 = tpu.vector_load %arg9[%get3A_146] {strides = array<i32>} : memref<8192xi32, #tpu.memory_space<vmem>>, vector<16xi32>,
        %get3A_148 = arith.index_cast %add3A_145 : i32 to index
        %get3A_149 = tpu.vector_load %arg10[%get3A_148] {strides = array<i32>} : memref<8192xf32, #tpu.memory_space<vmem>>, vector<16xf32>,
        %add3A_150 = arith.constant 144 : i32
        %add3A_151 = arith.addi %multiple_of3A, %add3A_150 : i32
        %get3A_152 = arith.index_cast %add3A_151 : i32 to index
        %get3A_153 = tpu.vector_load %arg9[%get3A_152] {strides = array<i32>} : memref<8192xi32, #tpu.memory_space<vmem>>, vector<16xi32>,
        %get3A_154 = arith.index_cast %add3A_151 : i32 to index
        %get3A_155 = tpu.vector_load %arg10[%get3A_154] {strides = array<i32>} : memref<8192xf32, #tpu.memory_space<vmem>>, vector<16xf32>,
        %add3A_156 = arith.constant 160 : i32
        %add3A_157 = arith.addi %multiple_of3A, %add3A_156 : i32
        %get3A_158 = arith.index_cast %add3A_157 : i32 to index
        %get3A_159 = tpu.vector_load %arg9[%get3A_158] {strides = array<i32>} : memref<8192xi32, #tpu.memory_space<vmem>>, vector<16xi32>,
        %get3A_160 = arith.index_cast %add3A_157 : i32 to index
        %get3A_161 = tpu.vector_load %arg10[%get3A_160] {strides = array<i32>} : memref<8192xf32, #tpu.memory_space<vmem>>, vector<16xf32>,
        %add3A_162 = arith.constant 176 : i32
        %add3A_163 = arith.addi %multiple_of3A, %add3A_162 : i32
        %get3A_164 = arith.index_cast %add3A_163 : i32 to index
        %get3A_165 = tpu.vector_load %arg9[%get3A_164] {strides = array<i32>} : memref<8192xi32, #tpu.memory_space<vmem>>, vector<16xi32>,
        %get3A_166 = arith.index_cast %add3A_163 : i32 to index
        %get3A_167 = tpu.vector_load %arg10[%get3A_166] {strides = array<i32>} : memref<8192xf32, #tpu.memory_space<vmem>>, vector<16xf32>,
        %add3A_168 = arith.constant 192 : i32
        %add3A_169 = arith.addi %multiple_of3A, %add3A_168 : i32
        %get3A_170 = arith.index_cast %add3A_169 : i32 to index
        %get3A_171 = tpu.vector_load %arg9[%get3A_170] {strides = array<i32>} : memref<8192xi32, #tpu.memory_space<vmem>>, vector<16xi32>,
        %get3A_172 = arith.index_cast %add3A_169 : i32 to index
        %get3A_173 = tpu.vector_load %arg10[%get3A_172] {strides = array<i32>} : memref<8192xf32, #tpu.memory_space<vmem>>, vector<16xf32>,
        %add3A_174 = arith.constant 208 : i32
        %add3A_175 = arith.addi %multiple_of3A, %add3A_174 : i32
        %get3A_176 = arith.index_cast %add3A_175 : i32 to index
        %get3A_177 = tpu.vector_load %arg9[%get3A_176] {strides = array<i32>} : memref<8192xi32, #tpu.memory_space<vmem>>, vector<16xi32>,
        %get3A_178 = arith.index_cast %add3A_175 : i32 to index
        %get3A_179 = tpu.vector_load %arg10[%get3A_178] {strides = array<i32>} : memref<8192xf32, #tpu.memory_space<vmem>>, vector<16xf32>,
        %add3A_180 = arith.constant 224 : i32
        %add3A_181 = arith.addi %multiple_of3A, %add3A_180 : i32
        %get3A_182 = arith.index_cast %add3A_181 : i32 to index
        %get3A_183 = tpu.vector_load %arg9[%get3A_182] {strides = array<i32>} : memref<8192xi32, #tpu.memory_space<vmem>>, vector<16xi32>,
        %get3A_184 = arith.index_cast %add3A_181 : i32 to index
        %get3A_185 = tpu.vector_load %arg10[%get3A_184] {strides = array<i32>} : memref<8192xf32, #tpu.memory_space<vmem>>, vector<16xf32>,
        %add3A_186 = arith.constant 240 : i32
        %add3A_187 = arith.addi %multiple_of3A, %add3A_186 : i32
        %get3A_188 = arith.index_cast %add3A_187 : i32 to index
        %get3A_189 = tpu.vector_load %arg9[%get3A_188] {strides = array<i32>} : memref<8192xi32, #tpu.memory_space<vmem>>, vector<16xi32>,
        %get3A_190 = arith.index_cast %add3A_187 : i32 to index
        %get3A_191 = tpu.vector_load %arg10[%get3A_190] {strides = array<i32>} : memref<8192xf32, #tpu.memory_space<vmem>>, vector<16xf32>,
        %sub3A = vector.broadcast %mul3A_2 : i32 to vector<16xi32>
        %sub3A_192 = arith.subi %get3A_99, %sub3A : vector<16xi32>
        %bitcast3A = vector.bitcast %sub3A_192 : vector<16xi32> to vector<16xi32>
        %lt3A_193 = arith.constant 65536 : i32
        %lt3A_194 = vector.broadcast %lt3A_193 : i32 to vector<16xi32>
        %lt3A_195 = arith.cmpi ult, %bitcast3A, %lt3A_194 : vector<16xi32>
        tpu.vector_store_idx %arg6[%sub3A_192], %get3A_101 masked %lt3A_195 : memref<65536xf32, #tpu.memory_space<vmem>>[vector<16xi32>], vector<16xf32>, vector<16xi1>
        %sub3A_196 = vector.broadcast %mul3A_2 : i32 to vector<16xi32>
        %sub3A_197 = arith.subi %get3A_105, %sub3A_196 : vector<16xi32>
        %bitcast3A_198 = vector.bitcast %sub3A_197 : vector<16xi32> to vector<16xi32>
        %lt3A_199 = arith.constant 65536 : i32
        %lt3A_200 = vector.broadcast %lt3A_199 : i32 to vector<16xi32>
        %lt3A_201 = arith.cmpi ult, %bitcast3A_198, %lt3A_200 : vector<16xi32>
        tpu.vector_store_idx %arg6[%sub3A_197], %get3A_107 masked %lt3A_201 : memref<65536xf32, #tpu.memory_space<vmem>>[vector<16xi32>], vector<16xf32>, vector<16xi1>
        %sub3A_202 = vector.broadcast %mul3A_2 : i32 to vector<16xi32>
        %sub3A_203 = arith.subi %get3A_111, %sub3A_202 : vector<16xi32>
        %bitcast3A_204 = vector.bitcast %sub3A_203 : vector<16xi32> to vector<16xi32>
        %lt3A_205 = arith.constant 65536 : i32
        %lt3A_206 = vector.broadcast %lt3A_205 : i32 to vector<16xi32>
        %lt3A_207 = arith.cmpi ult, %bitcast3A_204, %lt3A_206 : vector<16xi32>
        tpu.vector_store_idx %arg6[%sub3A_203], %get3A_113 masked %lt3A_207 : memref<65536xf32, #tpu.memory_space<vmem>>[vector<16xi32>], vector<16xf32>, vector<16xi1>
        %sub3A_208 = vector.broadcast %mul3A_2 : i32 to vector<16xi32>
        %sub3A_209 = arith.subi %get3A_117, %sub3A_208 : vector<16xi32>
        %bitcast3A_210 = vector.bitcast %sub3A_209 : vector<16xi32> to vector<16xi32>
        %lt3A_211 = arith.constant 65536 : i32
        %lt3A_212 = vector.broadcast %lt3A_211 : i32 to vector<16xi32>
        %lt3A_213 = arith.cmpi ult, %bitcast3A_210, %lt3A_212 : vector<16xi32>
        tpu.vector_store_idx %arg6[%sub3A_209], %get3A_119 masked %lt3A_213 : memref<65536xf32, #tpu.memory_space<vmem>>[vector<16xi32>], vector<16xf32>, vector<16xi1>
        %sub3A_214 = vector.broadcast %mul3A_2 : i32 to vector<16xi32>
        %sub3A_215 = arith.subi %get3A_123, %sub3A_214 : vector<16xi32>
        %bitcast3A_216 = vector.bitcast %sub3A_215 : vector<16xi32> to vector<16xi32>
        %lt3A_217 = arith.constant 65536 : i32
        %lt3A_218 = vector.broadcast %lt3A_217 : i32 to vector<16xi32>
        %lt3A_219 = arith.cmpi ult, %bitcast3A_216, %lt3A_218 : vector<16xi32>
        tpu.vector_store_idx %arg6[%sub3A_215], %get3A_125 masked %lt3A_219 : memref<65536xf32, #tpu.memory_space<vmem>>[vector<16xi32>], vector<16xf32>, vector<16xi1>
        %sub3A_220 = vector.broadcast %mul3A_2 : i32 to vector<16xi32>
        %sub3A_221 = arith.subi %get3A_129, %sub3A_220 : vector<16xi32>
        %bitcast3A_222 = vector.bitcast %sub3A_221 : vector<16xi32> to vector<16xi32>
        %lt3A_223 = arith.constant 65536 : i32
        %lt3A_224 = vector.broadcast %lt3A_223 : i32 to vector<16xi32>
        %lt3A_225 = arith.cmpi ult, %bitcast3A_222, %lt3A_224 : vector<16xi32>
        tpu.vector_store_idx %arg6[%sub3A_221], %get3A_131 masked %lt3A_225 : memref<65536xf32, #tpu.memory_space<vmem>>[vector<16xi32>], vector<16xf32>, vector<16xi1>
        %sub3A_226 = vector.broadcast %mul3A_2 : i32 to vector<16xi32>
        %sub3A_227 = arith.subi %get3A_135, %sub3A_226 : vector<16xi32>
        %bitcast3A_228 = vector.bitcast %sub3A_227 : vector<16xi32> to vector<16xi32>
        %lt3A_229 = arith.constant 65536 : i32
        %lt3A_230 = vector.broadcast %lt3A_229 : i32 to vector<16xi32>
        %lt3A_231 = arith.cmpi ult, %bitcast3A_228, %lt3A_230 : vector<16xi32>
        tpu.vector_store_idx %arg6[%sub3A_227], %get3A_137 masked %lt3A_231 : memref<65536xf32, #tpu.memory_space<vmem>>[vector<16xi32>], vector<16xf32>, vector<16xi1>
        %sub3A_232 = vector.broadcast %mul3A_2 : i32 to vector<16xi32>
        %sub3A_233 = arith.subi %get3A_141, %sub3A_232 : vector<16xi32>
        %bitcast3A_234 = vector.bitcast %sub3A_233 : vector<16xi32> to vector<16xi32>
        %lt3A_235 = arith.constant 65536 : i32
        %lt3A_236 = vector.broadcast %lt3A_235 : i32 to vector<16xi32>
        %lt3A_237 = arith.cmpi ult, %bitcast3A_234, %lt3A_236 : vector<16xi32>
        tpu.vector_store_idx %arg6[%sub3A_233], %get3A_143 masked %lt3A_237 : memref<65536xf32, #tpu.memory_space<vmem>>[vector<16xi32>], vector<16xf32>, vector<16xi1>
        %sub3A_238 = vector.broadcast %mul3A_2 : i32 to vector<16xi32>
        %sub3A_239 = arith.subi %get3A_147, %sub3A_238 : vector<16xi32>
        %bitcast3A_240 = vector.bitcast %sub3A_239 : vector<16xi32> to vector<16xi32>
        %lt3A_241 = arith.constant 65536 : i32
        %lt3A_242 = vector.broadcast %lt3A_241 : i32 to vector<16xi32>
        %lt3A_243 = arith.cmpi ult, %bitcast3A_240, %lt3A_242 : vector<16xi32>
        tpu.vector_store_idx %arg6[%sub3A_239], %get3A_149 masked %lt3A_243 : memref<65536xf32, #tpu.memory_space<vmem>>[vector<16xi32>], vector<16xf32>, vector<16xi1>
        %sub3A_244 = vector.broadcast %mul3A_2 : i32 to vector<16xi32>
        %sub3A_245 = arith.subi %get3A_153, %sub3A_244 : vector<16xi32>
        %bitcast3A_246 = vector.bitcast %sub3A_245 : vector<16xi32> to vector<16xi32>
        %lt3A_247 = arith.constant 65536 : i32
        %lt3A_248 = vector.broadcast %lt3A_247 : i32 to vector<16xi32>
        %lt3A_249 = arith.cmpi ult, %bitcast3A_246, %lt3A_248 : vector<16xi32>
        tpu.vector_store_idx %arg6[%sub3A_245], %get3A_155 masked %lt3A_249 : memref<65536xf32, #tpu.memory_space<vmem>>[vector<16xi32>], vector<16xf32>, vector<16xi1>
        %sub3A_250 = vector.broadcast %mul3A_2 : i32 to vector<16xi32>
        %sub3A_251 = arith.subi %get3A_159, %sub3A_250 : vector<16xi32>
        %bitcast3A_252 = vector.bitcast %sub3A_251 : vector<16xi32> to vector<16xi32>
        %lt3A_253 = arith.constant 65536 : i32
        %lt3A_254 = vector.broadcast %lt3A_253 : i32 to vector<16xi32>
        %lt3A_255 = arith.cmpi ult, %bitcast3A_252, %lt3A_254 : vector<16xi32>
        tpu.vector_store_idx %arg6[%sub3A_251], %get3A_161 masked %lt3A_255 : memref<65536xf32, #tpu.memory_space<vmem>>[vector<16xi32>], vector<16xf32>, vector<16xi1>
        %sub3A_256 = vector.broadcast %mul3A_2 : i32 to vector<16xi32>
        %sub3A_257 = arith.subi %get3A_165, %sub3A_256 : vector<16xi32>
        %bitcast3A_258 = vector.bitcast %sub3A_257 : vector<16xi32> to vector<16xi32>
        %lt3A_259 = arith.constant 65536 : i32
        %lt3A_260 = vector.broadcast %lt3A_259 : i32 to vector<16xi32>
        %lt3A_261 = arith.cmpi ult, %bitcast3A_258, %lt3A_260 : vector<16xi32>
        tpu.vector_store_idx %arg6[%sub3A_257], %get3A_167 masked %lt3A_261 : memref<65536xf32, #tpu.memory_space<vmem>>[vector<16xi32>], vector<16xf32>, vector<16xi1>
        %sub3A_262 = vector.broadcast %mul3A_2 : i32 to vector<16xi32>
        %sub3A_263 = arith.subi %get3A_171, %sub3A_262 : vector<16xi32>
        %bitcast3A_264 = vector.bitcast %sub3A_263 : vector<16xi32> to vector<16xi32>
        %lt3A_265 = arith.constant 65536 : i32
        %lt3A_266 = vector.broadcast %lt3A_265 : i32 to vector<16xi32>
        %lt3A_267 = arith.cmpi ult, %bitcast3A_264, %lt3A_266 : vector<16xi32>
        tpu.vector_store_idx %arg6[%sub3A_263], %get3A_173 masked %lt3A_267 : memref<65536xf32, #tpu.memory_space<vmem>>[vector<16xi32>], vector<16xf32>, vector<16xi1>
        %sub3A_268 = vector.broadcast %mul3A_2 : i32 to vector<16xi32>
        %sub3A_269 = arith.subi %get3A_177, %sub3A_268 : vector<16xi32>
        %bitcast3A_270 = vector.bitcast %sub3A_269 : vector<16xi32> to vector<16xi32>
        %lt3A_271 = arith.constant 65536 : i32
        %lt3A_272 = vector.broadcast %lt3A_271 : i32 to vector<16xi32>
        %lt3A_273 = arith.cmpi ult, %bitcast3A_270, %lt3A_272 : vector<16xi32>
        tpu.vector_store_idx %arg6[%sub3A_269], %get3A_179 masked %lt3A_273 : memref<65536xf32, #tpu.memory_space<vmem>>[vector<16xi32>], vector<16xf32>, vector<16xi1>
        %sub3A_274 = vector.broadcast %mul3A_2 : i32 to vector<16xi32>
        %sub3A_275 = arith.subi %get3A_183, %sub3A_274 : vector<16xi32>
        %bitcast3A_276 = vector.bitcast %sub3A_275 : vector<16xi32> to vector<16xi32>
        %lt3A_277 = arith.constant 65536 : i32
        %lt3A_278 = vector.broadcast %lt3A_277 : i32 to vector<16xi32>
        %lt3A_279 = arith.cmpi ult, %bitcast3A_276, %lt3A_278 : vector<16xi32>
        tpu.vector_store_idx %arg6[%sub3A_275], %get3A_185 masked %lt3A_279 : memref<65536xf32, #tpu.memory_space<vmem>>[vector<16xi32>], vector<16xf32>, vector<16xi1>
        %sub3A_280 = vector.broadcast %mul3A_2 : i32 to vector<16xi32>
        %sub3A_281 = arith.subi %get3A_189, %sub3A_280 : vector<16xi32>
        %bitcast3A_282 = vector.bitcast %sub3A_281 : vector<16xi32> to vector<16xi32>
        %lt3A_283 = arith.constant 65536 : i32
        %lt3A_284 = vector.broadcast %lt3A_283 : i32 to vector<16xi32>
        %lt3A_285 = arith.cmpi ult, %bitcast3A_282, %lt3A_284 : vector<16xi32>
        tpu.vector_store_idx %arg6[%sub3A_281], %get3A_191 masked %lt3A_285 : memref<65536xf32, #tpu.memory_space<vmem>>[vector<16xi32>], vector<16xf32>, vector<16xi1>
        %scan3A_286 = arith.constant 1 : i32
        %scan3A_287 = arith.addi %scan3A_94, %scan3A_286 : i32
        %mul3A_288 = arith.constant 256 : i32
        %mul3A_289 = arith.muli %scan3A_287, %mul3A_288 : i32
        %multiple_of3A_290 = tpu.assume_multiple %mul3A_289, 256 : i32
        %add3A_291 = arith.constant 0 : i32
        %add3A_292 = arith.addi %multiple_of3A_290, %add3A_291 : i32
        %get3A_293 = arith.index_cast %add3A_292 : i32 to index
        %get3A_294 = tpu.vector_load %arg9[%get3A_293] {strides = array<i32>} : memref<8192xi32, #tpu.memory_space<vmem>>, vector<16xi32>,
        %get3A_295 = arith.index_cast %add3A_292 : i32 to index
        %get3A_296 = tpu.vector_load %arg10[%get3A_295] {strides = array<i32>} : memref<8192xf32, #tpu.memory_space<vmem>>, vector<16xf32>,
        %add3A_297 = arith.constant 16 : i32
        %add3A_298 = arith.addi %multiple_of3A_290, %add3A_297 : i32
        %get3A_299 = arith.index_cast %add3A_298 : i32 to index
        %get3A_300 = tpu.vector_load %arg9[%get3A_299] {strides = array<i32>} : memref<8192xi32, #tpu.memory_space<vmem>>, vector<16xi32>,
        %get3A_301 = arith.index_cast %add3A_298 : i32 to index
        %get3A_302 = tpu.vector_load %arg10[%get3A_301] {strides = array<i32>} : memref<8192xf32, #tpu.memory_space<vmem>>, vector<16xf32>,
        %add3A_303 = arith.constant 32 : i32
        %add3A_304 = arith.addi %multiple_of3A_290, %add3A_303 : i32
        %get3A_305 = arith.index_cast %add3A_304 : i32 to index
        %get3A_306 = tpu.vector_load %arg9[%get3A_305] {strides = array<i32>} : memref<8192xi32, #tpu.memory_space<vmem>>, vector<16xi32>,
        %get3A_307 = arith.index_cast %add3A_304 : i32 to index
        %get3A_308 = tpu.vector_load %arg10[%get3A_307] {strides = array<i32>} : memref<8192xf32, #tpu.memory_space<vmem>>, vector<16xf32>,
        %add3A_309 = arith.constant 48 : i32
        %add3A_310 = arith.addi %multiple_of3A_290, %add3A_309 : i32
        %get3A_311 = arith.index_cast %add3A_310 : i32 to index
        %get3A_312 = tpu.vector_load %arg9[%get3A_311] {strides = array<i32>} : memref<8192xi32, #tpu.memory_space<vmem>>, vector<16xi32>,
        %get3A_313 = arith.index_cast %add3A_310 : i32 to index
        %get3A_314 = tpu.vector_load %arg10[%get3A_313] {strides = array<i32>} : memref<8192xf32, #tpu.memory_space<vmem>>, vector<16xf32>,
        %add3A_315 = arith.constant 64 : i32
        %add3A_316 = arith.addi %multiple_of3A_290, %add3A_315 : i32
        %get3A_317 = arith.index_cast %add3A_316 : i32 to index
        %get3A_318 = tpu.vector_load %arg9[%get3A_317] {strides = array<i32>} : memref<8192xi32, #tpu.memory_space<vmem>>, vector<16xi32>,
        %get3A_319 = arith.index_cast %add3A_316 : i32 to index
        %get3A_320 = tpu.vector_load %arg10[%get3A_319] {strides = array<i32>} : memref<8192xf32, #tpu.memory_space<vmem>>, vector<16xf32>,
        %add3A_321 = arith.constant 80 : i32
        %add3A_322 = arith.addi %multiple_of3A_290, %add3A_321 : i32
        %get3A_323 = arith.index_cast %add3A_322 : i32 to index
        %get3A_324 = tpu.vector_load %arg9[%get3A_323] {strides = array<i32>} : memref<8192xi32, #tpu.memory_space<vmem>>, vector<16xi32>,
        %get3A_325 = arith.index_cast %add3A_322 : i32 to index
        %get3A_326 = tpu.vector_load %arg10[%get3A_325] {strides = array<i32>} : memref<8192xf32, #tpu.memory_space<vmem>>, vector<16xf32>,
        %add3A_327 = arith.constant 96 : i32
        %add3A_328 = arith.addi %multiple_of3A_290, %add3A_327 : i32
        %get3A_329 = arith.index_cast %add3A_328 : i32 to index
        %get3A_330 = tpu.vector_load %arg9[%get3A_329] {strides = array<i32>} : memref<8192xi32, #tpu.memory_space<vmem>>, vector<16xi32>,
        %get3A_331 = arith.index_cast %add3A_328 : i32 to index
        %get3A_332 = tpu.vector_load %arg10[%get3A_331] {strides = array<i32>} : memref<8192xf32, #tpu.memory_space<vmem>>, vector<16xf32>,
        %add3A_333 = arith.constant 112 : i32
        %add3A_334 = arith.addi %multiple_of3A_290, %add3A_333 : i32
        %get3A_335 = arith.index_cast %add3A_334 : i32 to index
        %get3A_336 = tpu.vector_load %arg9[%get3A_335] {strides = array<i32>} : memref<8192xi32, #tpu.memory_space<vmem>>, vector<16xi32>,
        %get3A_337 = arith.index_cast %add3A_334 : i32 to index
        %get3A_338 = tpu.vector_load %arg10[%get3A_337] {strides = array<i32>} : memref<8192xf32, #tpu.memory_space<vmem>>, vector<16xf32>,
        %add3A_339 = arith.constant 128 : i32
        %add3A_340 = arith.addi %multiple_of3A_290, %add3A_339 : i32
        %get3A_341 = arith.index_cast %add3A_340 : i32 to index
        %get3A_342 = tpu.vector_load %arg9[%get3A_341] {strides = array<i32>} : memref<8192xi32, #tpu.memory_space<vmem>>, vector<16xi32>,
        %get3A_343 = arith.index_cast %add3A_340 : i32 to index
        %get3A_344 = tpu.vector_load %arg10[%get3A_343] {strides = array<i32>} : memref<8192xf32, #tpu.memory_space<vmem>>, vector<16xf32>,
        %add3A_345 = arith.constant 144 : i32
        %add3A_346 = arith.addi %multiple_of3A_290, %add3A_345 : i32
        %get3A_347 = arith.index_cast %add3A_346 : i32 to index
        %get3A_348 = tpu.vector_load %arg9[%get3A_347] {strides = array<i32>} : memref<8192xi32, #tpu.memory_space<vmem>>, vector<16xi32>,
        %get3A_349 = arith.index_cast %add3A_346 : i32 to index
        %get3A_350 = tpu.vector_load %arg10[%get3A_349] {strides = array<i32>} : memref<8192xf32, #tpu.memory_space<vmem>>, vector<16xf32>,
        %add3A_351 = arith.constant 160 : i32
        %add3A_352 = arith.addi %multiple_of3A_290, %add3A_351 : i32
        %get3A_353 = arith.index_cast %add3A_352 : i32 to index
        %get3A_354 = tpu.vector_load %arg9[%get3A_353] {strides = array<i32>} : memref<8192xi32, #tpu.memory_space<vmem>>, vector<16xi32>,
        %get3A_355 = arith.index_cast %add3A_352 : i32 to index
        %get3A_356 = tpu.vector_load %arg10[%get3A_355] {strides = array<i32>} : memref<8192xf32, #tpu.memory_space<vmem>>, vector<16xf32>,
        %add3A_357 = arith.constant 176 : i32
        %add3A_358 = arith.addi %multiple_of3A_290, %add3A_357 : i32
        %get3A_359 = arith.index_cast %add3A_358 : i32 to index
        %get3A_360 = tpu.vector_load %arg9[%get3A_359] {strides = array<i32>} : memref<8192xi32, #tpu.memory_space<vmem>>, vector<16xi32>,
        %get3A_361 = arith.index_cast %add3A_358 : i32 to index
        %get3A_362 = tpu.vector_load %arg10[%get3A_361] {strides = array<i32>} : memref<8192xf32, #tpu.memory_space<vmem>>, vector<16xf32>,
        %add3A_363 = arith.constant 192 : i32
        %add3A_364 = arith.addi %multiple_of3A_290, %add3A_363 : i32
        %get3A_365 = arith.index_cast %add3A_364 : i32 to index
        %get3A_366 = tpu.vector_load %arg9[%get3A_365] {strides = array<i32>} : memref<8192xi32, #tpu.memory_space<vmem>>, vector<16xi32>,
        %get3A_367 = arith.index_cast %add3A_364 : i32 to index
        %get3A_368 = tpu.vector_load %arg10[%get3A_367] {strides = array<i32>} : memref<8192xf32, #tpu.memory_space<vmem>>, vector<16xf32>,
        %add3A_369 = arith.constant 208 : i32
        %add3A_370 = arith.addi %multiple_of3A_290, %add3A_369 : i32
        %get3A_371 = arith.index_cast %add3A_370 : i32 to index
        %get3A_372 = tpu.vector_load %arg9[%get3A_371] {strides = array<i32>} : memref<8192xi32, #tpu.memory_space<vmem>>, vector<16xi32>,
        %get3A_373 = arith.index_cast %add3A_370 : i32 to index
        %get3A_374 = tpu.vector_load %arg10[%get3A_373] {strides = array<i32>} : memref<8192xf32, #tpu.memory_space<vmem>>, vector<16xf32>,
        %add3A_375 = arith.constant 224 : i32
        %add3A_376 = arith.addi %multiple_of3A_290, %add3A_375 : i32
        %get3A_377 = arith.index_cast %add3A_376 : i32 to index
        %get3A_378 = tpu.vector_load %arg9[%get3A_377] {strides = array<i32>} : memref<8192xi32, #tpu.memory_space<vmem>>, vector<16xi32>,
        %get3A_379 = arith.index_cast %add3A_376 : i32 to index
        %get3A_380 = tpu.vector_load %arg10[%get3A_379] {strides = array<i32>} : memref<8192xf32, #tpu.memory_space<vmem>>, vector<16xf32>,
        %add3A_381 = arith.constant 240 : i32
        %add3A_382 = arith.addi %multiple_of3A_290, %add3A_381 : i32
        %get3A_383 = arith.index_cast %add3A_382 : i32 to index
        %get3A_384 = tpu.vector_load %arg9[%get3A_383] {strides = array<i32>} : memref<8192xi32, #tpu.memory_space<vmem>>, vector<16xi32>,
        %get3A_385 = arith.index_cast %add3A_382 : i32 to index
        %get3A_386 = tpu.vector_load %arg10[%get3A_385] {strides = array<i32>} : memref<8192xf32, #tpu.memory_space<vmem>>, vector<16xf32>,
        %sub3A_387 = vector.broadcast %mul3A_2 : i32 to vector<16xi32>
        %sub3A_388 = arith.subi %get3A_294, %sub3A_387 : vector<16xi32>
        %bitcast3A_389 = vector.bitcast %sub3A_388 : vector<16xi32> to vector<16xi32>
        %lt3A_390 = arith.constant 65536 : i32
        %lt3A_391 = vector.broadcast %lt3A_390 : i32 to vector<16xi32>
        %lt3A_392 = arith.cmpi ult, %bitcast3A_389, %lt3A_391 : vector<16xi32>
        tpu.vector_store_idx %arg6[%sub3A_388], %get3A_296 masked %lt3A_392 : memref<65536xf32, #tpu.memory_space<vmem>>[vector<16xi32>], vector<16xf32>, vector<16xi1>
        %sub3A_393 = vector.broadcast %mul3A_2 : i32 to vector<16xi32>
        %sub3A_394 = arith.subi %get3A_300, %sub3A_393 : vector<16xi32>
        %bitcast3A_395 = vector.bitcast %sub3A_394 : vector<16xi32> to vector<16xi32>
        %lt3A_396 = arith.constant 65536 : i32
        %lt3A_397 = vector.broadcast %lt3A_396 : i32 to vector<16xi32>
        %lt3A_398 = arith.cmpi ult, %bitcast3A_395, %lt3A_397 : vector<16xi32>
        tpu.vector_store_idx %arg6[%sub3A_394], %get3A_302 masked %lt3A_398 : memref<65536xf32, #tpu.memory_space<vmem>>[vector<16xi32>], vector<16xf32>, vector<16xi1>
        %sub3A_399 = vector.broadcast %mul3A_2 : i32 to vector<16xi32>
        %sub3A_400 = arith.subi %get3A_306, %sub3A_399 : vector<16xi32>
        %bitcast3A_401 = vector.bitcast %sub3A_400 : vector<16xi32> to vector<16xi32>
        %lt3A_402 = arith.constant 65536 : i32
        %lt3A_403 = vector.broadcast %lt3A_402 : i32 to vector<16xi32>
        %lt3A_404 = arith.cmpi ult, %bitcast3A_401, %lt3A_403 : vector<16xi32>
        tpu.vector_store_idx %arg6[%sub3A_400], %get3A_308 masked %lt3A_404 : memref<65536xf32, #tpu.memory_space<vmem>>[vector<16xi32>], vector<16xf32>, vector<16xi1>
        %sub3A_405 = vector.broadcast %mul3A_2 : i32 to vector<16xi32>
        %sub3A_406 = arith.subi %get3A_312, %sub3A_405 : vector<16xi32>
        %bitcast3A_407 = vector.bitcast %sub3A_406 : vector<16xi32> to vector<16xi32>
        %lt3A_408 = arith.constant 65536 : i32
        %lt3A_409 = vector.broadcast %lt3A_408 : i32 to vector<16xi32>
        %lt3A_410 = arith.cmpi ult, %bitcast3A_407, %lt3A_409 : vector<16xi32>
        tpu.vector_store_idx %arg6[%sub3A_406], %get3A_314 masked %lt3A_410 : memref<65536xf32, #tpu.memory_space<vmem>>[vector<16xi32>], vector<16xf32>, vector<16xi1>
        %sub3A_411 = vector.broadcast %mul3A_2 : i32 to vector<16xi32>
        %sub3A_412 = arith.subi %get3A_318, %sub3A_411 : vector<16xi32>
        %bitcast3A_413 = vector.bitcast %sub3A_412 : vector<16xi32> to vector<16xi32>
        %lt3A_414 = arith.constant 65536 : i32
        %lt3A_415 = vector.broadcast %lt3A_414 : i32 to vector<16xi32>
        %lt3A_416 = arith.cmpi ult, %bitcast3A_413, %lt3A_415 : vector<16xi32>
        tpu.vector_store_idx %arg6[%sub3A_412], %get3A_320 masked %lt3A_416 : memref<65536xf32, #tpu.memory_space<vmem>>[vector<16xi32>], vector<16xf32>, vector<16xi1>
        %sub3A_417 = vector.broadcast %mul3A_2 : i32 to vector<16xi32>
        %sub3A_418 = arith.subi %get3A_324, %sub3A_417 : vector<16xi32>
        %bitcast3A_419 = vector.bitcast %sub3A_418 : vector<16xi32> to vector<16xi32>
        %lt3A_420 = arith.constant 65536 : i32
        %lt3A_421 = vector.broadcast %lt3A_420 : i32 to vector<16xi32>
        %lt3A_422 = arith.cmpi ult, %bitcast3A_419, %lt3A_421 : vector<16xi32>
        tpu.vector_store_idx %arg6[%sub3A_418], %get3A_326 masked %lt3A_422 : memref<65536xf32, #tpu.memory_space<vmem>>[vector<16xi32>], vector<16xf32>, vector<16xi1>
        %sub3A_423 = vector.broadcast %mul3A_2 : i32 to vector<16xi32>
        %sub3A_424 = arith.subi %get3A_330, %sub3A_423 : vector<16xi32>
        %bitcast3A_425 = vector.bitcast %sub3A_424 : vector<16xi32> to vector<16xi32>
        %lt3A_426 = arith.constant 65536 : i32
        %lt3A_427 = vector.broadcast %lt3A_426 : i32 to vector<16xi32>
        %lt3A_428 = arith.cmpi ult, %bitcast3A_425, %lt3A_427 : vector<16xi32>
        tpu.vector_store_idx %arg6[%sub3A_424], %get3A_332 masked %lt3A_428 : memref<65536xf32, #tpu.memory_space<vmem>>[vector<16xi32>], vector<16xf32>, vector<16xi1>
        %sub3A_429 = vector.broadcast %mul3A_2 : i32 to vector<16xi32>
        %sub3A_430 = arith.subi %get3A_336, %sub3A_429 : vector<16xi32>
        %bitcast3A_431 = vector.bitcast %sub3A_430 : vector<16xi32> to vector<16xi32>
        %lt3A_432 = arith.constant 65536 : i32
        %lt3A_433 = vector.broadcast %lt3A_432 : i32 to vector<16xi32>
        %lt3A_434 = arith.cmpi ult, %bitcast3A_431, %lt3A_433 : vector<16xi32>
        tpu.vector_store_idx %arg6[%sub3A_430], %get3A_338 masked %lt3A_434 : memref<65536xf32, #tpu.memory_space<vmem>>[vector<16xi32>], vector<16xf32>, vector<16xi1>
        %sub3A_435 = vector.broadcast %mul3A_2 : i32 to vector<16xi32>
        %sub3A_436 = arith.subi %get3A_342, %sub3A_435 : vector<16xi32>
        %bitcast3A_437 = vector.bitcast %sub3A_436 : vector<16xi32> to vector<16xi32>
        %lt3A_438 = arith.constant 65536 : i32
        %lt3A_439 = vector.broadcast %lt3A_438 : i32 to vector<16xi32>
        %lt3A_440 = arith.cmpi ult, %bitcast3A_437, %lt3A_439 : vector<16xi32>
        tpu.vector_store_idx %arg6[%sub3A_436], %get3A_344 masked %lt3A_440 : memref<65536xf32, #tpu.memory_space<vmem>>[vector<16xi32>], vector<16xf32>, vector<16xi1>
        %sub3A_441 = vector.broadcast %mul3A_2 : i32 to vector<16xi32>
        %sub3A_442 = arith.subi %get3A_348, %sub3A_441 : vector<16xi32>
        %bitcast3A_443 = vector.bitcast %sub3A_442 : vector<16xi32> to vector<16xi32>
        %lt3A_444 = arith.constant 65536 : i32
        %lt3A_445 = vector.broadcast %lt3A_444 : i32 to vector<16xi32>
        %lt3A_446 = arith.cmpi ult, %bitcast3A_443, %lt3A_445 : vector<16xi32>
        tpu.vector_store_idx %arg6[%sub3A_442], %get3A_350 masked %lt3A_446 : memref<65536xf32, #tpu.memory_space<vmem>>[vector<16xi32>], vector<16xf32>, vector<16xi1>
        %sub3A_447 = vector.broadcast %mul3A_2 : i32 to vector<16xi32>
        %sub3A_448 = arith.subi %get3A_354, %sub3A_447 : vector<16xi32>
        %bitcast3A_449 = vector.bitcast %sub3A_448 : vector<16xi32> to vector<16xi32>
        %lt3A_450 = arith.constant 65536 : i32
        %lt3A_451 = vector.broadcast %lt3A_450 : i32 to vector<16xi32>
        %lt3A_452 = arith.cmpi ult, %bitcast3A_449, %lt3A_451 : vector<16xi32>
        tpu.vector_store_idx %arg6[%sub3A_448], %get3A_356 masked %lt3A_452 : memref<65536xf32, #tpu.memory_space<vmem>>[vector<16xi32>], vector<16xf32>, vector<16xi1>
        %sub3A_453 = vector.broadcast %mul3A_2 : i32 to vector<16xi32>
        %sub3A_454 = arith.subi %get3A_360, %sub3A_453 : vector<16xi32>
        %bitcast3A_455 = vector.bitcast %sub3A_454 : vector<16xi32> to vector<16xi32>
        %lt3A_456 = arith.constant 65536 : i32
        %lt3A_457 = vector.broadcast %lt3A_456 : i32 to vector<16xi32>
        %lt3A_458 = arith.cmpi ult, %bitcast3A_455, %lt3A_457 : vector<16xi32>
        tpu.vector_store_idx %arg6[%sub3A_454], %get3A_362 masked %lt3A_458 : memref<65536xf32, #tpu.memory_space<vmem>>[vector<16xi32>], vector<16xf32>, vector<16xi1>
        %sub3A_459 = vector.broadcast %mul3A_2 : i32 to vector<16xi32>
        %sub3A_460 = arith.subi %get3A_366, %sub3A_459 : vector<16xi32>
        %bitcast3A_461 = vector.bitcast %sub3A_460 : vector<16xi32> to vector<16xi32>
        %lt3A_462 = arith.constant 65536 : i32
        %lt3A_463 = vector.broadcast %lt3A_462 : i32 to vector<16xi32>
        %lt3A_464 = arith.cmpi ult, %bitcast3A_461, %lt3A_463 : vector<16xi32>
        tpu.vector_store_idx %arg6[%sub3A_460], %get3A_368 masked %lt3A_464 : memref<65536xf32, #tpu.memory_space<vmem>>[vector<16xi32>], vector<16xf32>, vector<16xi1>
        %sub3A_465 = vector.broadcast %mul3A_2 : i32 to vector<16xi32>
        %sub3A_466 = arith.subi %get3A_372, %sub3A_465 : vector<16xi32>
        %bitcast3A_467 = vector.bitcast %sub3A_466 : vector<16xi32> to vector<16xi32>
        %lt3A_468 = arith.constant 65536 : i32
        %lt3A_469 = vector.broadcast %lt3A_468 : i32 to vector<16xi32>
        %lt3A_470 = arith.cmpi ult, %bitcast3A_467, %lt3A_469 : vector<16xi32>
        tpu.vector_store_idx %arg6[%sub3A_466], %get3A_374 masked %lt3A_470 : memref<65536xf32, #tpu.memory_space<vmem>>[vector<16xi32>], vector<16xf32>, vector<16xi1>
        %sub3A_471 = vector.broadcast %mul3A_2 : i32 to vector<16xi32>
        %sub3A_472 = arith.subi %get3A_378, %sub3A_471 : vector<16xi32>
        %bitcast3A_473 = vector.bitcast %sub3A_472 : vector<16xi32> to vector<16xi32>
        %lt3A_474 = arith.constant 65536 : i32
        %lt3A_475 = vector.broadcast %lt3A_474 : i32 to vector<16xi32>
        %lt3A_476 = arith.cmpi ult, %bitcast3A_473, %lt3A_475 : vector<16xi32>
        tpu.vector_store_idx %arg6[%sub3A_472], %get3A_380 masked %lt3A_476 : memref<65536xf32, #tpu.memory_space<vmem>>[vector<16xi32>], vector<16xf32>, vector<16xi1>
        %sub3A_477 = vector.broadcast %mul3A_2 : i32 to vector<16xi32>
        %sub3A_478 = arith.subi %get3A_384, %sub3A_477 : vector<16xi32>
        %bitcast3A_479 = vector.bitcast %sub3A_478 : vector<16xi32> to vector<16xi32>
        %lt3A_480 = arith.constant 65536 : i32
        %lt3A_481 = vector.broadcast %lt3A_480 : i32 to vector<16xi32>
        %lt3A_482 = arith.cmpi ult, %bitcast3A_479, %lt3A_481 : vector<16xi32>
        tpu.vector_store_idx %arg6[%sub3A_478], %get3A_386 masked %lt3A_482 : memref<65536xf32, #tpu.memory_space<vmem>>[vector<16xi32>], vector<16xf32>, vector<16xi1>
      }
      %scan3A_86 = arith.constant 32 : i32
      %add3A_87 = arith.constant 2 : i32
      %add3A_88 = arith.addi %add3A_73, %add3A_87 : i32
      %lt3A_89 = arith.constant 64 : i32
      %lt3A_90 = arith.cmpi slt, %add3A_88, %lt3A_89 : i32
      %convert_element_type3A_91 = arith.extui %lt3A_90 : i1 to i32
      %cond3A_92 = arith.constant 0 : i32
      %cond3A_93 = arith.cmpi ne, %convert_element_type3A_91, %cond3A_92 : i32
      scf.if %cond3A_93 {
        %add3A_94 = arith.constant 2 : i32
        %add3A_95 = arith.addi %add3A_73, %add3A_94 : i32
        %mul3A_96 = arith.constant 8192 : i32
        %mul3A_97 = arith.muli %add3A_95, %mul3A_96 : i32
        %multiple_of3A = tpu.assume_multiple %mul3A_97, 8192 : i32
        %dma_start3A_98 = tpu.memref_slice %arg3[%multiple_of3A] : memref<524288xi32, #tpu.memory_space<hbm>> -> memref<8192xi32, #tpu.memory_space<hbm>>
        %dma_start3A_99 = tpu.memref_slice %arg3[%multiple_of3A] : memref<524288xi32, #tpu.memory_space<hbm>> -> memref<8192xi32, #tpu.memory_space<hbm>>
        tpu.enqueue_dma source(%dma_start3A_99 : memref<8192xi32, #tpu.memory_space<hbm>>) target(%arg9 : memref<8192xi32, #tpu.memory_space<vmem>>) target_semaphore(%arg16 : memref<!tpu.dma_semaphore, #tpu.memory_space<semaphore_mem>>)
        %dma_start3A_100 = tpu.memref_slice %arg4[%multiple_of3A] : memref<524288xf32, #tpu.memory_space<hbm>> -> memref<8192xf32, #tpu.memory_space<hbm>>
        %dma_start3A_101 = tpu.memref_slice %arg4[%multiple_of3A] : memref<524288xf32, #tpu.memory_space<hbm>> -> memref<8192xf32, #tpu.memory_space<hbm>>
        tpu.enqueue_dma source(%dma_start3A_101 : memref<8192xf32, #tpu.memory_space<hbm>>) target(%arg10 : memref<8192xf32, #tpu.memory_space<vmem>>) target_semaphore(%arg16 : memref<!tpu.dma_semaphore, #tpu.memory_space<semaphore_mem>>)
      } else {
      }
    }
    %scan3A_28 = arith.constant 32 : i32
    %dma_start3A_29 = tpu.memref_slice %arg2[%mul3A_2] : memref<2097152xf32, #tpu.memory_space<hbm>> -> memref<4096xf32, #tpu.memory_space<hbm>>
    %dma_start3A_30 = tpu.memref_slice %arg2[%mul3A_2] : memref<2097152xf32, #tpu.memory_space<hbm>> -> memref<4096xf32, #tpu.memory_space<hbm>>
    tpu.enqueue_dma source(%dma_start3A_30 : memref<4096xf32, #tpu.memory_space<hbm>>) target(%arg11 : memref<4096xf32, #tpu.memory_space<vmem>>) target_semaphore(%arg17 : memref<!tpu.dma_semaphore, #tpu.memory_space<semaphore_mem>>)
    %add3A_31 = arith.constant 4096 : i32
    %add3A_32 = arith.addi %mul3A_2, %add3A_31 : i32
    %dma_start3A_33 = tpu.memref_slice %arg2[%add3A_32] : memref<2097152xf32, #tpu.memory_space<hbm>> -> memref<4096xf32, #tpu.memory_space<hbm>>
    %dma_start3A_34 = tpu.memref_slice %arg2[%add3A_32] : memref<2097152xf32, #tpu.memory_space<hbm>> -> memref<4096xf32, #tpu.memory_space<hbm>>
    tpu.enqueue_dma source(%dma_start3A_34 : memref<4096xf32, #tpu.memory_space<hbm>>) target(%arg12 : memref<4096xf32, #tpu.memory_space<vmem>>) target_semaphore(%arg18 : memref<!tpu.dma_semaphore, #tpu.memory_space<semaphore_mem>>)
    %scan3A_35 = arith.constant 0 : i32
    %scan3A_36 = arith.constant 0 : i32
    %scan3A_37 = arith.constant 8 : i32
    %scan3A_38 = arith.addi %scan3A_36, %scan3A_37 : i32
    %scan3A_39 = arith.constant 1 : i32
    scf.for %scan3A_48 = %scan3A_36 to %scan3A_38 step %scan3A_39  : i32 {
      %mul3A_49 = arith.constant 2 : i32
      %mul3A_50 = arith.muli %mul3A_49, %scan3A_48 : i32
      %add3A_51 = arith.constant 0 : i32
      %add3A_52 = arith.addi %mul3A_50, %add3A_51 : i32
      %mul3A_53 = arith.constant 4096 : i32
      %mul3A_54 = arith.muli %add3A_52, %mul3A_53 : i32
      %multiple_of3A = tpu.assume_multiple %mul3A_54, 4096 : i32
      %dma_wait3A_55 = arith.constant 0 : i32
      %dma_wait3A_56 = tpu.memref_slice %arg2[%dma_wait3A_55] : memref<2097152xf32, #tpu.memory_space<hbm>> -> memref<4096xf32, #tpu.memory_space<hbm>>
      %dma_wait3A_57 = arith.constant 0 : i32
      %dma_wait3A_58 = tpu.memref_slice %arg2[%dma_wait3A_57] : memref<2097152xf32, #tpu.memory_space<hbm>> -> memref<4096xf32, #tpu.memory_space<hbm>>
      tpu.wait_dma2 semaphore(%arg17 : memref<!tpu.dma_semaphore, #tpu.memory_space<semaphore_mem>>) src(%dma_wait3A_58 : memref<4096xf32, #tpu.memory_space<hbm>>) dst(%arg11 : memref<4096xf32, #tpu.memory_space<vmem>>)
      %ge3A = arith.constant 2 : i32
      %ge3A_59 = arith.cmpi sge, %add3A_52, %ge3A : i32
      %convert_element_type3A = arith.extui %ge3A_59 : i1 to i32
      %cond3A = arith.constant 0 : i32
      %cond3A_60 = arith.cmpi ne, %convert_element_type3A, %cond3A : i32
      scf.if %cond3A_60 {
        %dma_wait3A_106 = arith.constant 0 : i32
        %dma_wait3A_107 = tpu.memref_slice %arg5[%dma_wait3A_106] : memref<2097152xf32, #tpu.memory_space<hbm>> -> memref<4096xf32, #tpu.memory_space<hbm>>
        %dma_wait3A_108 = arith.constant 0 : i32
        %dma_wait3A_109 = tpu.memref_slice %arg5[%dma_wait3A_108] : memref<2097152xf32, #tpu.memory_space<hbm>> -> memref<4096xf32, #tpu.memory_space<hbm>>
        tpu.wait_dma2 semaphore(%arg19 : memref<!tpu.dma_semaphore, #tpu.memory_space<semaphore_mem>>) src(%arg13 : memref<4096xf32, #tpu.memory_space<vmem>>) dst(%dma_wait3A_109 : memref<4096xf32, #tpu.memory_space<hbm>>)
      } else {
      }
      %scan3A_61 = arith.constant 0 : i32
      %scan3A_62 = arith.constant 32 : i32
      %scan3A_63 = arith.addi %scan3A_61, %scan3A_62 : i32
      %scan3A_64 = arith.constant 4 : i32
      scf.for %scan3A_106 = %scan3A_61 to %scan3A_63 step %scan3A_64  : i32 {
        %mul3A_107 = arith.constant 128 : i32
        %mul3A_108 = arith.muli %scan3A_106, %mul3A_107 : i32
        %multiple_of3A_109 = tpu.assume_multiple %mul3A_108, 128 : i32
        %add3A_110 = arith.constant 0 : i32
        %add3A_111 = arith.addi %multiple_of3A_109, %add3A_110 : i32
        %add3A_112 = arith.addi %multiple_of3A, %add3A_111 : i32
        %get3A = arith.index_cast %add3A_112 : i32 to index
        %get3A_113 = tpu.vector_load %arg6[%get3A] {strides = array<i32>} : memref<65536xf32, #tpu.memory_space<vmem>>, vector<16xf32>,
        %get3A_114 = arith.index_cast %add3A_111 : i32 to index
        %get3A_115 = tpu.vector_load %arg11[%get3A_114] {strides = array<i32>} : memref<4096xf32, #tpu.memory_space<vmem>>, vector<16xf32>,
        %add3A_116 = arith.constant 16 : i32
        %add3A_117 = arith.addi %multiple_of3A_109, %add3A_116 : i32
        %add3A_118 = arith.addi %multiple_of3A, %add3A_117 : i32
        %get3A_119 = arith.index_cast %add3A_118 : i32 to index
        %get3A_120 = tpu.vector_load %arg6[%get3A_119] {strides = array<i32>} : memref<65536xf32, #tpu.memory_space<vmem>>, vector<16xf32>,
        %get3A_121 = arith.index_cast %add3A_117 : i32 to index
        %get3A_122 = tpu.vector_load %arg11[%get3A_121] {strides = array<i32>} : memref<4096xf32, #tpu.memory_space<vmem>>, vector<16xf32>,
        %add3A_123 = arith.constant 32 : i32
        %add3A_124 = arith.addi %multiple_of3A_109, %add3A_123 : i32
        %add3A_125 = arith.addi %multiple_of3A, %add3A_124 : i32
        %get3A_126 = arith.index_cast %add3A_125 : i32 to index
        %get3A_127 = tpu.vector_load %arg6[%get3A_126] {strides = array<i32>} : memref<65536xf32, #tpu.memory_space<vmem>>, vector<16xf32>,
        %get3A_128 = arith.index_cast %add3A_124 : i32 to index
        %get3A_129 = tpu.vector_load %arg11[%get3A_128] {strides = array<i32>} : memref<4096xf32, #tpu.memory_space<vmem>>, vector<16xf32>,
        %add3A_130 = arith.constant 48 : i32
        %add3A_131 = arith.addi %multiple_of3A_109, %add3A_130 : i32
        %add3A_132 = arith.addi %multiple_of3A, %add3A_131 : i32
        %get3A_133 = arith.index_cast %add3A_132 : i32 to index
        %get3A_134 = tpu.vector_load %arg6[%get3A_133] {strides = array<i32>} : memref<65536xf32, #tpu.memory_space<vmem>>, vector<16xf32>,
        %get3A_135 = arith.index_cast %add3A_131 : i32 to index
        %get3A_136 = tpu.vector_load %arg11[%get3A_135] {strides = array<i32>} : memref<4096xf32, #tpu.memory_space<vmem>>, vector<16xf32>,
        %add3A_137 = arith.constant 64 : i32
        %add3A_138 = arith.addi %multiple_of3A_109, %add3A_137 : i32
        %add3A_139 = arith.addi %multiple_of3A, %add3A_138 : i32
        %get3A_140 = arith.index_cast %add3A_139 : i32 to index
        %get3A_141 = tpu.vector_load %arg6[%get3A_140] {strides = array<i32>} : memref<65536xf32, #tpu.memory_space<vmem>>, vector<16xf32>,
        %get3A_142 = arith.index_cast %add3A_138 : i32 to index
        %get3A_143 = tpu.vector_load %arg11[%get3A_142] {strides = array<i32>} : memref<4096xf32, #tpu.memory_space<vmem>>, vector<16xf32>,
        %add3A_144 = arith.constant 80 : i32
        %add3A_145 = arith.addi %multiple_of3A_109, %add3A_144 : i32
        %add3A_146 = arith.addi %multiple_of3A, %add3A_145 : i32
        %get3A_147 = arith.index_cast %add3A_146 : i32 to index
        %get3A_148 = tpu.vector_load %arg6[%get3A_147] {strides = array<i32>} : memref<65536xf32, #tpu.memory_space<vmem>>, vector<16xf32>,
        %get3A_149 = arith.index_cast %add3A_145 : i32 to index
        %get3A_150 = tpu.vector_load %arg11[%get3A_149] {strides = array<i32>} : memref<4096xf32, #tpu.memory_space<vmem>>, vector<16xf32>,
        %add3A_151 = arith.constant 96 : i32
        %add3A_152 = arith.addi %multiple_of3A_109, %add3A_151 : i32
        %add3A_153 = arith.addi %multiple_of3A, %add3A_152 : i32
        %get3A_154 = arith.index_cast %add3A_153 : i32 to index
        %get3A_155 = tpu.vector_load %arg6[%get3A_154] {strides = array<i32>} : memref<65536xf32, #tpu.memory_space<vmem>>, vector<16xf32>,
        %get3A_156 = arith.index_cast %add3A_152 : i32 to index
        %get3A_157 = tpu.vector_load %arg11[%get3A_156] {strides = array<i32>} : memref<4096xf32, #tpu.memory_space<vmem>>, vector<16xf32>,
        %add3A_158 = arith.constant 112 : i32
        %add3A_159 = arith.addi %multiple_of3A_109, %add3A_158 : i32
        %add3A_160 = arith.addi %multiple_of3A, %add3A_159 : i32
        %get3A_161 = arith.index_cast %add3A_160 : i32 to index
        %get3A_162 = tpu.vector_load %arg6[%get3A_161] {strides = array<i32>} : memref<65536xf32, #tpu.memory_space<vmem>>, vector<16xf32>,
        %get3A_163 = arith.index_cast %add3A_159 : i32 to index
        %get3A_164 = tpu.vector_load %arg11[%get3A_163] {strides = array<i32>} : memref<4096xf32, #tpu.memory_space<vmem>>, vector<16xf32>,
        %ge3A_165 = arith.constant 0.000000e+00 : f32
        %ge3A_166 = vector.broadcast %ge3A_165 : f32 to vector<16xf32>
        %ge3A_167 = arith.cmpf oge, %get3A_115, %ge3A_166 : vector<16xf32>
        %ge3A_168 = arith.constant 0.000000e+00 : f32
        %ge3A_169 = vector.broadcast %ge3A_168 : f32 to vector<16xf32>
        %ge3A_170 = arith.cmpf oge, %get3A_113, %ge3A_169 : vector<16xf32>
        %and3A = arith.andi %ge3A_167, %ge3A_170 : vector<16xi1>
        %mul3A_171 = arith.constant 0.949999988 : f32
        %mul3A_172 = vector.broadcast %mul3A_171 : f32 to vector<16xf32>
        %mul3A_173 = arith.mulf %get3A_115, %mul3A_172 : vector<16xf32>
        %max3A = arith.maximumf %mul3A_173, %get3A_113 : vector<16xf32>
        %select_n3A = arith.select %and3A, %max3A, %get3A_115 : vector<16xi1>, vector<16xf32>
        %add3A_174 = arith.constant 0 : i32
        %add3A_175 = arith.addi %multiple_of3A_109, %add3A_174 : i32
        %swap3A = arith.index_cast %add3A_175 : i32 to index
        %swap3A_176 = tpu.vector_load %arg13[%swap3A] {strides = array<i32>} : memref<4096xf32, #tpu.memory_space<vmem>>, vector<16xf32>,
        tpu.vector_store %arg13[%swap3A], %select_n3A {strides = array<i32>} : memref<4096xf32, #tpu.memory_space<vmem>>, vector<16xf32>,
        %ge3A_177 = arith.constant 0.000000e+00 : f32
        %ge3A_178 = vector.broadcast %ge3A_177 : f32 to vector<16xf32>
        %ge3A_179 = arith.cmpf oge, %get3A_122, %ge3A_178 : vector<16xf32>
        %ge3A_180 = arith.constant 0.000000e+00 : f32
        %ge3A_181 = vector.broadcast %ge3A_180 : f32 to vector<16xf32>
        %ge3A_182 = arith.cmpf oge, %get3A_120, %ge3A_181 : vector<16xf32>
        %and3A_183 = arith.andi %ge3A_179, %ge3A_182 : vector<16xi1>
        %mul3A_184 = arith.constant 0.949999988 : f32
        %mul3A_185 = vector.broadcast %mul3A_184 : f32 to vector<16xf32>
        %mul3A_186 = arith.mulf %get3A_122, %mul3A_185 : vector<16xf32>
        %max3A_187 = arith.maximumf %mul3A_186, %get3A_120 : vector<16xf32>
        %select_n3A_188 = arith.select %and3A_183, %max3A_187, %get3A_122 : vector<16xi1>, vector<16xf32>
        %add3A_189 = arith.constant 16 : i32
        %add3A_190 = arith.addi %multiple_of3A_109, %add3A_189 : i32
        %swap3A_191 = arith.index_cast %add3A_190 : i32 to index
        %swap3A_192 = tpu.vector_load %arg13[%swap3A_191] {strides = array<i32>} : memref<4096xf32, #tpu.memory_space<vmem>>, vector<16xf32>,
        tpu.vector_store %arg13[%swap3A_191], %select_n3A_188 {strides = array<i32>} : memref<4096xf32, #tpu.memory_space<vmem>>, vector<16xf32>,
        %ge3A_193 = arith.constant 0.000000e+00 : f32
        %ge3A_194 = vector.broadcast %ge3A_193 : f32 to vector<16xf32>
        %ge3A_195 = arith.cmpf oge, %get3A_129, %ge3A_194 : vector<16xf32>
        %ge3A_196 = arith.constant 0.000000e+00 : f32
        %ge3A_197 = vector.broadcast %ge3A_196 : f32 to vector<16xf32>
        %ge3A_198 = arith.cmpf oge, %get3A_127, %ge3A_197 : vector<16xf32>
        %and3A_199 = arith.andi %ge3A_195, %ge3A_198 : vector<16xi1>
        %mul3A_200 = arith.constant 0.949999988 : f32
        %mul3A_201 = vector.broadcast %mul3A_200 : f32 to vector<16xf32>
        %mul3A_202 = arith.mulf %get3A_129, %mul3A_201 : vector<16xf32>
        %max3A_203 = arith.maximumf %mul3A_202, %get3A_127 : vector<16xf32>
        %select_n3A_204 = arith.select %and3A_199, %max3A_203, %get3A_129 : vector<16xi1>, vector<16xf32>
        %add3A_205 = arith.constant 32 : i32
        %add3A_206 = arith.addi %multiple_of3A_109, %add3A_205 : i32
        %swap3A_207 = arith.index_cast %add3A_206 : i32 to index
        %swap3A_208 = tpu.vector_load %arg13[%swap3A_207] {strides = array<i32>} : memref<4096xf32, #tpu.memory_space<vmem>>, vector<16xf32>,
        tpu.vector_store %arg13[%swap3A_207], %select_n3A_204 {strides = array<i32>} : memref<4096xf32, #tpu.memory_space<vmem>>, vector<16xf32>,
        %ge3A_209 = arith.constant 0.000000e+00 : f32
        %ge3A_210 = vector.broadcast %ge3A_209 : f32 to vector<16xf32>
        %ge3A_211 = arith.cmpf oge, %get3A_136, %ge3A_210 : vector<16xf32>
        %ge3A_212 = arith.constant 0.000000e+00 : f32
        %ge3A_213 = vector.broadcast %ge3A_212 : f32 to vector<16xf32>
        %ge3A_214 = arith.cmpf oge, %get3A_134, %ge3A_213 : vector<16xf32>
        %and3A_215 = arith.andi %ge3A_211, %ge3A_214 : vector<16xi1>
        %mul3A_216 = arith.constant 0.949999988 : f32
        %mul3A_217 = vector.broadcast %mul3A_216 : f32 to vector<16xf32>
        %mul3A_218 = arith.mulf %get3A_136, %mul3A_217 : vector<16xf32>
        %max3A_219 = arith.maximumf %mul3A_218, %get3A_134 : vector<16xf32>
        %select_n3A_220 = arith.select %and3A_215, %max3A_219, %get3A_136 : vector<16xi1>, vector<16xf32>
        %add3A_221 = arith.constant 48 : i32
        %add3A_222 = arith.addi %multiple_of3A_109, %add3A_221 : i32
        %swap3A_223 = arith.index_cast %add3A_222 : i32 to index
        %swap3A_224 = tpu.vector_load %arg13[%swap3A_223] {strides = array<i32>} : memref<4096xf32, #tpu.memory_space<vmem>>, vector<16xf32>,
        tpu.vector_store %arg13[%swap3A_223], %select_n3A_220 {strides = array<i32>} : memref<4096xf32, #tpu.memory_space<vmem>>, vector<16xf32>,
        %ge3A_225 = arith.constant 0.000000e+00 : f32
        %ge3A_226 = vector.broadcast %ge3A_225 : f32 to vector<16xf32>
        %ge3A_227 = arith.cmpf oge, %get3A_143, %ge3A_226 : vector<16xf32>
        %ge3A_228 = arith.constant 0.000000e+00 : f32
        %ge3A_229 = vector.broadcast %ge3A_228 : f32 to vector<16xf32>
        %ge3A_230 = arith.cmpf oge, %get3A_141, %ge3A_229 : vector<16xf32>
        %and3A_231 = arith.andi %ge3A_227, %ge3A_230 : vector<16xi1>
        %mul3A_232 = arith.constant 0.949999988 : f32
        %mul3A_233 = vector.broadcast %mul3A_232 : f32 to vector<16xf32>
        %mul3A_234 = arith.mulf %get3A_143, %mul3A_233 : vector<16xf32>
        %max3A_235 = arith.maximumf %mul3A_234, %get3A_141 : vector<16xf32>
        %select_n3A_236 = arith.select %and3A_231, %max3A_235, %get3A_143 : vector<16xi1>, vector<16xf32>
        %add3A_237 = arith.constant 64 : i32
        %add3A_238 = arith.addi %multiple_of3A_109, %add3A_237 : i32
        %swap3A_239 = arith.index_cast %add3A_238 : i32 to index
        %swap3A_240 = tpu.vector_load %arg13[%swap3A_239] {strides = array<i32>} : memref<4096xf32, #tpu.memory_space<vmem>>, vector<16xf32>,
        tpu.vector_store %arg13[%swap3A_239], %select_n3A_236 {strides = array<i32>} : memref<4096xf32, #tpu.memory_space<vmem>>, vector<16xf32>,
        %ge3A_241 = arith.constant 0.000000e+00 : f32
        %ge3A_242 = vector.broadcast %ge3A_241 : f32 to vector<16xf32>
        %ge3A_243 = arith.cmpf oge, %get3A_150, %ge3A_242 : vector<16xf32>
        %ge3A_244 = arith.constant 0.000000e+00 : f32
        %ge3A_245 = vector.broadcast %ge3A_244 : f32 to vector<16xf32>
        %ge3A_246 = arith.cmpf oge, %get3A_148, %ge3A_245 : vector<16xf32>
        %and3A_247 = arith.andi %ge3A_243, %ge3A_246 : vector<16xi1>
        %mul3A_248 = arith.constant 0.949999988 : f32
        %mul3A_249 = vector.broadcast %mul3A_248 : f32 to vector<16xf32>
        %mul3A_250 = arith.mulf %get3A_150, %mul3A_249 : vector<16xf32>
        %max3A_251 = arith.maximumf %mul3A_250, %get3A_148 : vector<16xf32>
        %select_n3A_252 = arith.select %and3A_247, %max3A_251, %get3A_150 : vector<16xi1>, vector<16xf32>
        %add3A_253 = arith.constant 80 : i32
        %add3A_254 = arith.addi %multiple_of3A_109, %add3A_253 : i32
        %swap3A_255 = arith.index_cast %add3A_254 : i32 to index
        %swap3A_256 = tpu.vector_load %arg13[%swap3A_255] {strides = array<i32>} : memref<4096xf32, #tpu.memory_space<vmem>>, vector<16xf32>,
        tpu.vector_store %arg13[%swap3A_255], %select_n3A_252 {strides = array<i32>} : memref<4096xf32, #tpu.memory_space<vmem>>, vector<16xf32>,
        %ge3A_257 = arith.constant 0.000000e+00 : f32
        %ge3A_258 = vector.broadcast %ge3A_257 : f32 to vector<16xf32>
        %ge3A_259 = arith.cmpf oge, %get3A_157, %ge3A_258 : vector<16xf32>
        %ge3A_260 = arith.constant 0.000000e+00 : f32
        %ge3A_261 = vector.broadcast %ge3A_260 : f32 to vector<16xf32>
        %ge3A_262 = arith.cmpf oge, %get3A_155, %ge3A_261 : vector<16xf32>
        %and3A_263 = arith.andi %ge3A_259, %ge3A_262 : vector<16xi1>
        %mul3A_264 = arith.constant 0.949999988 : f32
        %mul3A_265 = vector.broadcast %mul3A_264 : f32 to vector<16xf32>
        %mul3A_266 = arith.mulf %get3A_157, %mul3A_265 : vector<16xf32>
        %max3A_267 = arith.maximumf %mul3A_266, %get3A_155 : vector<16xf32>
        %select_n3A_268 = arith.select %and3A_263, %max3A_267, %get3A_157 : vector<16xi1>, vector<16xf32>
        %add3A_269 = arith.constant 96 : i32
        %add3A_270 = arith.addi %multiple_of3A_109, %add3A_269 : i32
        %swap3A_271 = arith.index_cast %add3A_270 : i32 to index
        %swap3A_272 = tpu.vector_load %arg13[%swap3A_271] {strides = array<i32>} : memref<4096xf32, #tpu.memory_space<vmem>>, vector<16xf32>,
        tpu.vector_store %arg13[%swap3A_271], %select_n3A_268 {strides = array<i32>} : memref<4096xf32, #tpu.memory_space<vmem>>, vector<16xf32>,
        %ge3A_273 = arith.constant 0.000000e+00 : f32
        %ge3A_274 = vector.broadcast %ge3A_273 : f32 to vector<16xf32>
        %ge3A_275 = arith.cmpf oge, %get3A_164, %ge3A_274 : vector<16xf32>
        %ge3A_276 = arith.constant 0.000000e+00 : f32
        %ge3A_277 = vector.broadcast %ge3A_276 : f32 to vector<16xf32>
        %ge3A_278 = arith.cmpf oge, %get3A_162, %ge3A_277 : vector<16xf32>
        %and3A_279 = arith.andi %ge3A_275, %ge3A_278 : vector<16xi1>
        %mul3A_280 = arith.constant 0.949999988 : f32
        %mul3A_281 = vector.broadcast %mul3A_280 : f32 to vector<16xf32>
        %mul3A_282 = arith.mulf %get3A_164, %mul3A_281 : vector<16xf32>
        %max3A_283 = arith.maximumf %mul3A_282, %get3A_162 : vector<16xf32>
        %select_n3A_284 = arith.select %and3A_279, %max3A_283, %get3A_164 : vector<16xi1>, vector<16xf32>
        %add3A_285 = arith.constant 112 : i32
        %add3A_286 = arith.addi %multiple_of3A_109, %add3A_285 : i32
        %swap3A_287 = arith.index_cast %add3A_286 : i32 to index
        %swap3A_288 = tpu.vector_load %arg13[%swap3A_287] {strides = array<i32>} : memref<4096xf32, #tpu.memory_space<vmem>>, vector<16xf32>,
        tpu.vector_store %arg13[%swap3A_287], %select_n3A_284 {strides = array<i32>} : memref<4096xf32, #tpu.memory_space<vmem>>, vector<16xf32>,
        %scan3A_289 = arith.constant 1 : i32
        %scan3A_290 = arith.addi %scan3A_106, %scan3A_289 : i32
        %mul3A_291 = arith.constant 128 : i32
        %mul3A_292 = arith.muli %scan3A_290, %mul3A_291 : i32
        %multiple_of3A_293 = tpu.assume_multiple %mul3A_292, 128 : i32
        %add3A_294 = arith.constant 0 : i32
        %add3A_295 = arith.addi %multiple_of3A_293, %add3A_294 : i32
        %add3A_296 = arith.addi %multiple_of3A, %add3A_295 : i32
        %get3A_297 = arith.index_cast %add3A_296 : i32 to index
        %get3A_298 = tpu.vector_load %arg6[%get3A_297] {strides = array<i32>} : memref<65536xf32, #tpu.memory_space<vmem>>, vector<16xf32>,
        %get3A_299 = arith.index_cast %add3A_295 : i32 to index
        %get3A_300 = tpu.vector_load %arg11[%get3A_299] {strides = array<i32>} : memref<4096xf32, #tpu.memory_space<vmem>>, vector<16xf32>,
        %add3A_301 = arith.constant 16 : i32
        %add3A_302 = arith.addi %multiple_of3A_293, %add3A_301 : i32
        %add3A_303 = arith.addi %multiple_of3A, %add3A_302 : i32
        %get3A_304 = arith.index_cast %add3A_303 : i32 to index
        %get3A_305 = tpu.vector_load %arg6[%get3A_304] {strides = array<i32>} : memref<65536xf32, #tpu.memory_space<vmem>>, vector<16xf32>,
        %get3A_306 = arith.index_cast %add3A_302 : i32 to index
        %get3A_307 = tpu.vector_load %arg11[%get3A_306] {strides = array<i32>} : memref<4096xf32, #tpu.memory_space<vmem>>, vector<16xf32>,
        %add3A_308 = arith.constant 32 : i32
        %add3A_309 = arith.addi %multiple_of3A_293, %add3A_308 : i32
        %add3A_310 = arith.addi %multiple_of3A, %add3A_309 : i32
        %get3A_311 = arith.index_cast %add3A_310 : i32 to index
        %get3A_312 = tpu.vector_load %arg6[%get3A_311] {strides = array<i32>} : memref<65536xf32, #tpu.memory_space<vmem>>, vector<16xf32>,
        %get3A_313 = arith.index_cast %add3A_309 : i32 to index
        %get3A_314 = tpu.vector_load %arg11[%get3A_313] {strides = array<i32>} : memref<4096xf32, #tpu.memory_space<vmem>>, vector<16xf32>,
        %add3A_315 = arith.constant 48 : i32
        %add3A_316 = arith.addi %multiple_of3A_293, %add3A_315 : i32
        %add3A_317 = arith.addi %multiple_of3A, %add3A_316 : i32
        %get3A_318 = arith.index_cast %add3A_317 : i32 to index
        %get3A_319 = tpu.vector_load %arg6[%get3A_318] {strides = array<i32>} : memref<65536xf32, #tpu.memory_space<vmem>>, vector<16xf32>,
        %get3A_320 = arith.index_cast %add3A_316 : i32 to index
        %get3A_321 = tpu.vector_load %arg11[%get3A_320] {strides = array<i32>} : memref<4096xf32, #tpu.memory_space<vmem>>, vector<16xf32>,
        %add3A_322 = arith.constant 64 : i32
        %add3A_323 = arith.addi %multiple_of3A_293, %add3A_322 : i32
        %add3A_324 = arith.addi %multiple_of3A, %add3A_323 : i32
        %get3A_325 = arith.index_cast %add3A_324 : i32 to index
        %get3A_326 = tpu.vector_load %arg6[%get3A_325] {strides = array<i32>} : memref<65536xf32, #tpu.memory_space<vmem>>, vector<16xf32>,
        %get3A_327 = arith.index_cast %add3A_323 : i32 to index
        %get3A_328 = tpu.vector_load %arg11[%get3A_327] {strides = array<i32>} : memref<4096xf32, #tpu.memory_space<vmem>>, vector<16xf32>,
        %add3A_329 = arith.constant 80 : i32
        %add3A_330 = arith.addi %multiple_of3A_293, %add3A_329 : i32
        %add3A_331 = arith.addi %multiple_of3A, %add3A_330 : i32
        %get3A_332 = arith.index_cast %add3A_331 : i32 to index
        %get3A_333 = tpu.vector_load %arg6[%get3A_332] {strides = array<i32>} : memref<65536xf32, #tpu.memory_space<vmem>>, vector<16xf32>,
        %get3A_334 = arith.index_cast %add3A_330 : i32 to index
        %get3A_335 = tpu.vector_load %arg11[%get3A_334] {strides = array<i32>} : memref<4096xf32, #tpu.memory_space<vmem>>, vector<16xf32>,
        %add3A_336 = arith.constant 96 : i32
        %add3A_337 = arith.addi %multiple_of3A_293, %add3A_336 : i32
        %add3A_338 = arith.addi %multiple_of3A, %add3A_337 : i32
        %get3A_339 = arith.index_cast %add3A_338 : i32 to index
        %get3A_340 = tpu.vector_load %arg6[%get3A_339] {strides = array<i32>} : memref<65536xf32, #tpu.memory_space<vmem>>, vector<16xf32>,
        %get3A_341 = arith.index_cast %add3A_337 : i32 to index
        %get3A_342 = tpu.vector_load %arg11[%get3A_341] {strides = array<i32>} : memref<4096xf32, #tpu.memory_space<vmem>>, vector<16xf32>,
        %add3A_343 = arith.constant 112 : i32
        %add3A_344 = arith.addi %multiple_of3A_293, %add3A_343 : i32
        %add3A_345 = arith.addi %multiple_of3A, %add3A_344 : i32
        %get3A_346 = arith.index_cast %add3A_345 : i32 to index
        %get3A_347 = tpu.vector_load %arg6[%get3A_346] {strides = array<i32>} : memref<65536xf32, #tpu.memory_space<vmem>>, vector<16xf32>,
        %get3A_348 = arith.index_cast %add3A_344 : i32 to index
        %get3A_349 = tpu.vector_load %arg11[%get3A_348] {strides = array<i32>} : memref<4096xf32, #tpu.memory_space<vmem>>, vector<16xf32>,
        %ge3A_350 = arith.constant 0.000000e+00 : f32
        %ge3A_351 = vector.broadcast %ge3A_350 : f32 to vector<16xf32>
        %ge3A_352 = arith.cmpf oge, %get3A_300, %ge3A_351 : vector<16xf32>
        %ge3A_353 = arith.constant 0.000000e+00 : f32
        %ge3A_354 = vector.broadcast %ge3A_353 : f32 to vector<16xf32>
        %ge3A_355 = arith.cmpf oge, %get3A_298, %ge3A_354 : vector<16xf32>
        %and3A_356 = arith.andi %ge3A_352, %ge3A_355 : vector<16xi1>
        %mul3A_357 = arith.constant 0.949999988 : f32
        %mul3A_358 = vector.broadcast %mul3A_357 : f32 to vector<16xf32>
        %mul3A_359 = arith.mulf %get3A_300, %mul3A_358 : vector<16xf32>
        %max3A_360 = arith.maximumf %mul3A_359, %get3A_298 : vector<16xf32>
        %select_n3A_361 = arith.select %and3A_356, %max3A_360, %get3A_300 : vector<16xi1>, vector<16xf32>
        %add3A_362 = arith.constant 0 : i32
        %add3A_363 = arith.addi %multiple_of3A_293, %add3A_362 : i32
        %swap3A_364 = arith.index_cast %add3A_363 : i32 to index
        %swap3A_365 = tpu.vector_load %arg13[%swap3A_364] {strides = array<i32>} : memref<4096xf32, #tpu.memory_space<vmem>>, vector<16xf32>,
        tpu.vector_store %arg13[%swap3A_364], %select_n3A_361 {strides = array<i32>} : memref<4096xf32, #tpu.memory_space<vmem>>, vector<16xf32>,
        %ge3A_366 = arith.constant 0.000000e+00 : f32
        %ge3A_367 = vector.broadcast %ge3A_366 : f32 to vector<16xf32>
        %ge3A_368 = arith.cmpf oge, %get3A_307, %ge3A_367 : vector<16xf32>
        %ge3A_369 = arith.constant 0.000000e+00 : f32
        %ge3A_370 = vector.broadcast %ge3A_369 : f32 to vector<16xf32>
        %ge3A_371 = arith.cmpf oge, %get3A_305, %ge3A_370 : vector<16xf32>
        %and3A_372 = arith.andi %ge3A_368, %ge3A_371 : vector<16xi1>
        %mul3A_373 = arith.constant 0.949999988 : f32
        %mul3A_374 = vector.broadcast %mul3A_373 : f32 to vector<16xf32>
        %mul3A_375 = arith.mulf %get3A_307, %mul3A_374 : vector<16xf32>
        %max3A_376 = arith.maximumf %mul3A_375, %get3A_305 : vector<16xf32>
        %select_n3A_377 = arith.select %and3A_372, %max3A_376, %get3A_307 : vector<16xi1>, vector<16xf32>
        %add3A_378 = arith.constant 16 : i32
        %add3A_379 = arith.addi %multiple_of3A_293, %add3A_378 : i32
        %swap3A_380 = arith.index_cast %add3A_379 : i32 to index
        %swap3A_381 = tpu.vector_load %arg13[%swap3A_380] {strides = array<i32>} : memref<4096xf32, #tpu.memory_space<vmem>>, vector<16xf32>,
        tpu.vector_store %arg13[%swap3A_380], %select_n3A_377 {strides = array<i32>} : memref<4096xf32, #tpu.memory_space<vmem>>, vector<16xf32>,
        %ge3A_382 = arith.constant 0.000000e+00 : f32
        %ge3A_383 = vector.broadcast %ge3A_382 : f32 to vector<16xf32>
        %ge3A_384 = arith.cmpf oge, %get3A_314, %ge3A_383 : vector<16xf32>
        %ge3A_385 = arith.constant 0.000000e+00 : f32
        %ge3A_386 = vector.broadcast %ge3A_385 : f32 to vector<16xf32>
        %ge3A_387 = arith.cmpf oge, %get3A_312, %ge3A_386 : vector<16xf32>
        %and3A_388 = arith.andi %ge3A_384, %ge3A_387 : vector<16xi1>
        %mul3A_389 = arith.constant 0.949999988 : f32
        %mul3A_390 = vector.broadcast %mul3A_389 : f32 to vector<16xf32>
        %mul3A_391 = arith.mulf %get3A_314, %mul3A_390 : vector<16xf32>
        %max3A_392 = arith.maximumf %mul3A_391, %get3A_312 : vector<16xf32>
        %select_n3A_393 = arith.select %and3A_388, %max3A_392, %get3A_314 : vector<16xi1>, vector<16xf32>
        %add3A_394 = arith.constant 32 : i32
        %add3A_395 = arith.addi %multiple_of3A_293, %add3A_394 : i32
        %swap3A_396 = arith.index_cast %add3A_395 : i32 to index
        %swap3A_397 = tpu.vector_load %arg13[%swap3A_396] {strides = array<i32>} : memref<4096xf32, #tpu.memory_space<vmem>>, vector<16xf32>,
        tpu.vector_store %arg13[%swap3A_396], %select_n3A_393 {strides = array<i32>} : memref<4096xf32, #tpu.memory_space<vmem>>, vector<16xf32>,
        %ge3A_398 = arith.constant 0.000000e+00 : f32
        %ge3A_399 = vector.broadcast %ge3A_398 : f32 to vector<16xf32>
        %ge3A_400 = arith.cmpf oge, %get3A_321, %ge3A_399 : vector<16xf32>
        %ge3A_401 = arith.constant 0.000000e+00 : f32
        %ge3A_402 = vector.broadcast %ge3A_401 : f32 to vector<16xf32>
        %ge3A_403 = arith.cmpf oge, %get3A_319, %ge3A_402 : vector<16xf32>
        %and3A_404 = arith.andi %ge3A_400, %ge3A_403 : vector<16xi1>
        %mul3A_405 = arith.constant 0.949999988 : f32
        %mul3A_406 = vector.broadcast %mul3A_405 : f32 to vector<16xf32>
        %mul3A_407 = arith.mulf %get3A_321, %mul3A_406 : vector<16xf32>
        %max3A_408 = arith.maximumf %mul3A_407, %get3A_319 : vector<16xf32>
        %select_n3A_409 = arith.select %and3A_404, %max3A_408, %get3A_321 : vector<16xi1>, vector<16xf32>
        %add3A_410 = arith.constant 48 : i32
        %add3A_411 = arith.addi %multiple_of3A_293, %add3A_410 : i32
        %swap3A_412 = arith.index_cast %add3A_411 : i32 to index
        %swap3A_413 = tpu.vector_load %arg13[%swap3A_412] {strides = array<i32>} : memref<4096xf32, #tpu.memory_space<vmem>>, vector<16xf32>,
        tpu.vector_store %arg13[%swap3A_412], %select_n3A_409 {strides = array<i32>} : memref<4096xf32, #tpu.memory_space<vmem>>, vector<16xf32>,
        %ge3A_414 = arith.constant 0.000000e+00 : f32
        %ge3A_415 = vector.broadcast %ge3A_414 : f32 to vector<16xf32>
        %ge3A_416 = arith.cmpf oge, %get3A_328, %ge3A_415 : vector<16xf32>
        %ge3A_417 = arith.constant 0.000000e+00 : f32
        %ge3A_418 = vector.broadcast %ge3A_417 : f32 to vector<16xf32>
        %ge3A_419 = arith.cmpf oge, %get3A_326, %ge3A_418 : vector<16xf32>
        %and3A_420 = arith.andi %ge3A_416, %ge3A_419 : vector<16xi1>
        %mul3A_421 = arith.constant 0.949999988 : f32
        %mul3A_422 = vector.broadcast %mul3A_421 : f32 to vector<16xf32>
        %mul3A_423 = arith.mulf %get3A_328, %mul3A_422 : vector<16xf32>
        %max3A_424 = arith.maximumf %mul3A_423, %get3A_326 : vector<16xf32>
        %select_n3A_425 = arith.select %and3A_420, %max3A_424, %get3A_328 : vector<16xi1>, vector<16xf32>
        %add3A_426 = arith.constant 64 : i32
        %add3A_427 = arith.addi %multiple_of3A_293, %add3A_426 : i32
        %swap3A_428 = arith.index_cast %add3A_427 : i32 to index
        %swap3A_429 = tpu.vector_load %arg13[%swap3A_428] {strides = array<i32>} : memref<4096xf32, #tpu.memory_space<vmem>>, vector<16xf32>,
        tpu.vector_store %arg13[%swap3A_428], %select_n3A_425 {strides = array<i32>} : memref<4096xf32, #tpu.memory_space<vmem>>, vector<16xf32>,
        %ge3A_430 = arith.constant 0.000000e+00 : f32
        %ge3A_431 = vector.broadcast %ge3A_430 : f32 to vector<16xf32>
        %ge3A_432 = arith.cmpf oge, %get3A_335, %ge3A_431 : vector<16xf32>
        %ge3A_433 = arith.constant 0.000000e+00 : f32
        %ge3A_434 = vector.broadcast %ge3A_433 : f32 to vector<16xf32>
        %ge3A_435 = arith.cmpf oge, %get3A_333, %ge3A_434 : vector<16xf32>
        %and3A_436 = arith.andi %ge3A_432, %ge3A_435 : vector<16xi1>
        %mul3A_437 = arith.constant 0.949999988 : f32
        %mul3A_438 = vector.broadcast %mul3A_437 : f32 to vector<16xf32>
        %mul3A_439 = arith.mulf %get3A_335, %mul3A_438 : vector<16xf32>
        %max3A_440 = arith.maximumf %mul3A_439, %get3A_333 : vector<16xf32>
        %select_n3A_441 = arith.select %and3A_436, %max3A_440, %get3A_335 : vector<16xi1>, vector<16xf32>
        %add3A_442 = arith.constant 80 : i32
        %add3A_443 = arith.addi %multiple_of3A_293, %add3A_442 : i32
        %swap3A_444 = arith.index_cast %add3A_443 : i32 to index
        %swap3A_445 = tpu.vector_load %arg13[%swap3A_444] {strides = array<i32>} : memref<4096xf32, #tpu.memory_space<vmem>>, vector<16xf32>,
        tpu.vector_store %arg13[%swap3A_444], %select_n3A_441 {strides = array<i32>} : memref<4096xf32, #tpu.memory_space<vmem>>, vector<16xf32>,
        %ge3A_446 = arith.constant 0.000000e+00 : f32
        %ge3A_447 = vector.broadcast %ge3A_446 : f32 to vector<16xf32>
        %ge3A_448 = arith.cmpf oge, %get3A_342, %ge3A_447 : vector<16xf32>
        %ge3A_449 = arith.constant 0.000000e+00 : f32
        %ge3A_450 = vector.broadcast %ge3A_449 : f32 to vector<16xf32>
        %ge3A_451 = arith.cmpf oge, %get3A_340, %ge3A_450 : vector<16xf32>
        %and3A_452 = arith.andi %ge3A_448, %ge3A_451 : vector<16xi1>
        %mul3A_453 = arith.constant 0.949999988 : f32
        %mul3A_454 = vector.broadcast %mul3A_453 : f32 to vector<16xf32>
        %mul3A_455 = arith.mulf %get3A_342, %mul3A_454 : vector<16xf32>
        %max3A_456 = arith.maximumf %mul3A_455, %get3A_340 : vector<16xf32>
        %select_n3A_457 = arith.select %and3A_452, %max3A_456, %get3A_342 : vector<16xi1>, vector<16xf32>
        %add3A_458 = arith.constant 96 : i32
        %add3A_459 = arith.addi %multiple_of3A_293, %add3A_458 : i32
        %swap3A_460 = arith.index_cast %add3A_459 : i32 to index
        %swap3A_461 = tpu.vector_load %arg13[%swap3A_460] {strides = array<i32>} : memref<4096xf32, #tpu.memory_space<vmem>>, vector<16xf32>,
        tpu.vector_store %arg13[%swap3A_460], %select_n3A_457 {strides = array<i32>} : memref<4096xf32, #tpu.memory_space<vmem>>, vector<16xf32>,
        %ge3A_462 = arith.constant 0.000000e+00 : f32
        %ge3A_463 = vector.broadcast %ge3A_462 : f32 to vector<16xf32>
        %ge3A_464 = arith.cmpf oge, %get3A_349, %ge3A_463 : vector<16xf32>
        %ge3A_465 = arith.constant 0.000000e+00 : f32
        %ge3A_466 = vector.broadcast %ge3A_465 : f32 to vector<16xf32>
        %ge3A_467 = arith.cmpf oge, %get3A_347, %ge3A_466 : vector<16xf32>
        %and3A_468 = arith.andi %ge3A_464, %ge3A_467 : vector<16xi1>
        %mul3A_469 = arith.constant 0.949999988 : f32
        %mul3A_470 = vector.broadcast %mul3A_469 : f32 to vector<16xf32>
        %mul3A_471 = arith.mulf %get3A_349, %mul3A_470 : vector<16xf32>
        %max3A_472 = arith.maximumf %mul3A_471, %get3A_347 : vector<16xf32>
        %select_n3A_473 = arith.select %and3A_468, %max3A_472, %get3A_349 : vector<16xi1>, vector<16xf32>
        %add3A_474 = arith.constant 112 : i32
        %add3A_475 = arith.addi %multiple_of3A_293, %add3A_474 : i32
        %swap3A_476 = arith.index_cast %add3A_475 : i32 to index
        %swap3A_477 = tpu.vector_load %arg13[%swap3A_476] {strides = array<i32>} : memref<4096xf32, #tpu.memory_space<vmem>>, vector<16xf32>,
        tpu.vector_store %arg13[%swap3A_476], %select_n3A_473 {strides = array<i32>} : memref<4096xf32, #tpu.memory_space<vmem>>, vector<16xf32>,
        %scan3A_478 = arith.constant 2 : i32
        %scan3A_479 = arith.addi %scan3A_106, %scan3A_478 : i32
        %mul3A_480 = arith.constant 128 : i32
        %mul3A_481 = arith.muli %scan3A_479, %mul3A_480 : i32
        %multiple_of3A_482 = tpu.assume_multiple %mul3A_481, 128 : i32
        %add3A_483 = arith.constant 0 : i32
        %add3A_484 = arith.addi %multiple_of3A_482, %add3A_483 : i32
        %add3A_485 = arith.addi %multiple_of3A, %add3A_484 : i32
        %get3A_486 = arith.index_cast %add3A_485 : i32 to index
        %get3A_487 = tpu.vector_load %arg6[%get3A_486] {strides = array<i32>} : memref<65536xf32, #tpu.memory_space<vmem>>, vector<16xf32>,
        %get3A_488 = arith.index_cast %add3A_484 : i32 to index
        %get3A_489 = tpu.vector_load %arg11[%get3A_488] {strides = array<i32>} : memref<4096xf32, #tpu.memory_space<vmem>>, vector<16xf32>,
        %add3A_490 = arith.constant 16 : i32
        %add3A_491 = arith.addi %multiple_of3A_482, %add3A_490 : i32
        %add3A_492 = arith.addi %multiple_of3A, %add3A_491 : i32
        %get3A_493 = arith.index_cast %add3A_492 : i32 to index
        %get3A_494 = tpu.vector_load %arg6[%get3A_493] {strides = array<i32>} : memref<65536xf32, #tpu.memory_space<vmem>>, vector<16xf32>,
        %get3A_495 = arith.index_cast %add3A_491 : i32 to index
        %get3A_496 = tpu.vector_load %arg11[%get3A_495] {strides = array<i32>} : memref<4096xf32, #tpu.memory_space<vmem>>, vector<16xf32>,
        %add3A_497 = arith.constant 32 : i32
        %add3A_498 = arith.addi %multiple_of3A_482, %add3A_497 : i32
        %add3A_499 = arith.addi %multiple_of3A, %add3A_498 : i32
        %get3A_500 = arith.index_cast %add3A_499 : i32 to index
        %get3A_501 = tpu.vector_load %arg6[%get3A_500] {strides = array<i32>} : memref<65536xf32, #tpu.memory_space<vmem>>, vector<16xf32>,
        %get3A_502 = arith.index_cast %add3A_498 : i32 to index
        %get3A_503 = tpu.vector_load %arg11[%get3A_502] {strides = array<i32>} : memref<4096xf32, #tpu.memory_space<vmem>>, vector<16xf32>,
        %add3A_504 = arith.constant 48 : i32
        %add3A_505 = arith.addi %multiple_of3A_482, %add3A_504 : i32
        %add3A_506 = arith.addi %multiple_of3A, %add3A_505 : i32
        %get3A_507 = arith.index_cast %add3A_506 : i32 to index
        %get3A_508 = tpu.vector_load %arg6[%get3A_507] {strides = array<i32>} : memref<65536xf32, #tpu.memory_space<vmem>>, vector<16xf32>,
        %get3A_509 = arith.index_cast %add3A_505 : i32 to index
        %get3A_510 = tpu.vector_load %arg11[%get3A_509] {strides = array<i32>} : memref<4096xf32, #tpu.memory_space<vmem>>, vector<16xf32>,
        %add3A_511 = arith.constant 64 : i32
        %add3A_512 = arith.addi %multiple_of3A_482, %add3A_511 : i32
        %add3A_513 = arith.addi %multiple_of3A, %add3A_512 : i32
        %get3A_514 = arith.index_cast %add3A_513 : i32 to index
        %get3A_515 = tpu.vector_load %arg6[%get3A_514] {strides = array<i32>} : memref<65536xf32, #tpu.memory_space<vmem>>, vector<16xf32>,
        %get3A_516 = arith.index_cast %add3A_512 : i32 to index
        %get3A_517 = tpu.vector_load %arg11[%get3A_516] {strides = array<i32>} : memref<4096xf32, #tpu.memory_space<vmem>>, vector<16xf32>,
        %add3A_518 = arith.constant 80 : i32
        %add3A_519 = arith.addi %multiple_of3A_482, %add3A_518 : i32
        %add3A_520 = arith.addi %multiple_of3A, %add3A_519 : i32
        %get3A_521 = arith.index_cast %add3A_520 : i32 to index
        %get3A_522 = tpu.vector_load %arg6[%get3A_521] {strides = array<i32>} : memref<65536xf32, #tpu.memory_space<vmem>>, vector<16xf32>,
        %get3A_523 = arith.index_cast %add3A_519 : i32 to index
        %get3A_524 = tpu.vector_load %arg11[%get3A_523] {strides = array<i32>} : memref<4096xf32, #tpu.memory_space<vmem>>, vector<16xf32>,
        %add3A_525 = arith.constant 96 : i32
        %add3A_526 = arith.addi %multiple_of3A_482, %add3A_525 : i32
        %add3A_527 = arith.addi %multiple_of3A, %add3A_526 : i32
        %get3A_528 = arith.index_cast %add3A_527 : i32 to index
        %get3A_529 = tpu.vector_load %arg6[%get3A_528] {strides = array<i32>} : memref<65536xf32, #tpu.memory_space<vmem>>, vector<16xf32>,
        %get3A_530 = arith.index_cast %add3A_526 : i32 to index
        %get3A_531 = tpu.vector_load %arg11[%get3A_530] {strides = array<i32>} : memref<4096xf32, #tpu.memory_space<vmem>>, vector<16xf32>,
        %add3A_532 = arith.constant 112 : i32
        %add3A_533 = arith.addi %multiple_of3A_482, %add3A_532 : i32
        %add3A_534 = arith.addi %multiple_of3A, %add3A_533 : i32
        %get3A_535 = arith.index_cast %add3A_534 : i32 to index
        %get3A_536 = tpu.vector_load %arg6[%get3A_535] {strides = array<i32>} : memref<65536xf32, #tpu.memory_space<vmem>>, vector<16xf32>,
        %get3A_537 = arith.index_cast %add3A_533 : i32 to index
        %get3A_538 = tpu.vector_load %arg11[%get3A_537] {strides = array<i32>} : memref<4096xf32, #tpu.memory_space<vmem>>, vector<16xf32>,
        %ge3A_539 = arith.constant 0.000000e+00 : f32
        %ge3A_540 = vector.broadcast %ge3A_539 : f32 to vector<16xf32>
        %ge3A_541 = arith.cmpf oge, %get3A_489, %ge3A_540 : vector<16xf32>
        %ge3A_542 = arith.constant 0.000000e+00 : f32
        %ge3A_543 = vector.broadcast %ge3A_542 : f32 to vector<16xf32>
        %ge3A_544 = arith.cmpf oge, %get3A_487, %ge3A_543 : vector<16xf32>
        %and3A_545 = arith.andi %ge3A_541, %ge3A_544 : vector<16xi1>
        %mul3A_546 = arith.constant 0.949999988 : f32
        %mul3A_547 = vector.broadcast %mul3A_546 : f32 to vector<16xf32>
        %mul3A_548 = arith.mulf %get3A_489, %mul3A_547 : vector<16xf32>
        %max3A_549 = arith.maximumf %mul3A_548, %get3A_487 : vector<16xf32>
        %select_n3A_550 = arith.select %and3A_545, %max3A_549, %get3A_489 : vector<16xi1>, vector<16xf32>
        %add3A_551 = arith.constant 0 : i32
        %add3A_552 = arith.addi %multiple_of3A_482, %add3A_551 : i32
        %swap3A_553 = arith.index_cast %add3A_552 : i32 to index
        %swap3A_554 = tpu.vector_load %arg13[%swap3A_553] {strides = array<i32>} : memref<4096xf32, #tpu.memory_space<vmem>>, vector<16xf32>,
        tpu.vector_store %arg13[%swap3A_553], %select_n3A_550 {strides = array<i32>} : memref<4096xf32, #tpu.memory_space<vmem>>, vector<16xf32>,
        %ge3A_555 = arith.constant 0.000000e+00 : f32
        %ge3A_556 = vector.broadcast %ge3A_555 : f32 to vector<16xf32>
        %ge3A_557 = arith.cmpf oge, %get3A_496, %ge3A_556 : vector<16xf32>
        %ge3A_558 = arith.constant 0.000000e+00 : f32
        %ge3A_559 = vector.broadcast %ge3A_558 : f32 to vector<16xf32>
        %ge3A_560 = arith.cmpf oge, %get3A_494, %ge3A_559 : vector<16xf32>
        %and3A_561 = arith.andi %ge3A_557, %ge3A_560 : vector<16xi1>
        %mul3A_562 = arith.constant 0.949999988 : f32
        %mul3A_563 = vector.broadcast %mul3A_562 : f32 to vector<16xf32>
        %mul3A_564 = arith.mulf %get3A_496, %mul3A_563 : vector<16xf32>
        %max3A_565 = arith.maximumf %mul3A_564, %get3A_494 : vector<16xf32>
        %select_n3A_566 = arith.select %and3A_561, %max3A_565, %get3A_496 : vector<16xi1>, vector<16xf32>
        %add3A_567 = arith.constant 16 : i32
        %add3A_568 = arith.addi %multiple_of3A_482, %add3A_567 : i32
        %swap3A_569 = arith.index_cast %add3A_568 : i32 to index
        %swap3A_570 = tpu.vector_load %arg13[%swap3A_569] {strides = array<i32>} : memref<4096xf32, #tpu.memory_space<vmem>>, vector<16xf32>,
        tpu.vector_store %arg13[%swap3A_569], %select_n3A_566 {strides = array<i32>} : memref<4096xf32, #tpu.memory_space<vmem>>, vector<16xf32>,
        %ge3A_571 = arith.constant 0.000000e+00 : f32
        %ge3A_572 = vector.broadcast %ge3A_571 : f32 to vector<16xf32>
        %ge3A_573 = arith.cmpf oge, %get3A_503, %ge3A_572 : vector<16xf32>
        %ge3A_574 = arith.constant 0.000000e+00 : f32
        %ge3A_575 = vector.broadcast %ge3A_574 : f32 to vector<16xf32>
        %ge3A_576 = arith.cmpf oge, %get3A_501, %ge3A_575 : vector<16xf32>
        %and3A_577 = arith.andi %ge3A_573, %ge3A_576 : vector<16xi1>
        %mul3A_578 = arith.constant 0.949999988 : f32
        %mul3A_579 = vector.broadcast %mul3A_578 : f32 to vector<16xf32>
        %mul3A_580 = arith.mulf %get3A_503, %mul3A_579 : vector<16xf32>
        %max3A_581 = arith.maximumf %mul3A_580, %get3A_501 : vector<16xf32>
        %select_n3A_582 = arith.select %and3A_577, %max3A_581, %get3A_503 : vector<16xi1>, vector<16xf32>
        %add3A_583 = arith.constant 32 : i32
        %add3A_584 = arith.addi %multiple_of3A_482, %add3A_583 : i32
        %swap3A_585 = arith.index_cast %add3A_584 : i32 to index
        %swap3A_586 = tpu.vector_load %arg13[%swap3A_585] {strides = array<i32>} : memref<4096xf32, #tpu.memory_space<vmem>>, vector<16xf32>,
        tpu.vector_store %arg13[%swap3A_585], %select_n3A_582 {strides = array<i32>} : memref<4096xf32, #tpu.memory_space<vmem>>, vector<16xf32>,
        %ge3A_587 = arith.constant 0.000000e+00 : f32
        %ge3A_588 = vector.broadcast %ge3A_587 : f32 to vector<16xf32>
        %ge3A_589 = arith.cmpf oge, %get3A_510, %ge3A_588 : vector<16xf32>
        %ge3A_590 = arith.constant 0.000000e+00 : f32
        %ge3A_591 = vector.broadcast %ge3A_590 : f32 to vector<16xf32>
        %ge3A_592 = arith.cmpf oge, %get3A_508, %ge3A_591 : vector<16xf32>
        %and3A_593 = arith.andi %ge3A_589, %ge3A_592 : vector<16xi1>
        %mul3A_594 = arith.constant 0.949999988 : f32
        %mul3A_595 = vector.broadcast %mul3A_594 : f32 to vector<16xf32>
        %mul3A_596 = arith.mulf %get3A_510, %mul3A_595 : vector<16xf32>
        %max3A_597 = arith.maximumf %mul3A_596, %get3A_508 : vector<16xf32>
        %select_n3A_598 = arith.select %and3A_593, %max3A_597, %get3A_510 : vector<16xi1>, vector<16xf32>
        %add3A_599 = arith.constant 48 : i32
        %add3A_600 = arith.addi %multiple_of3A_482, %add3A_599 : i32
        %swap3A_601 = arith.index_cast %add3A_600 : i32 to index
        %swap3A_602 = tpu.vector_load %arg13[%swap3A_601] {strides = array<i32>} : memref<4096xf32, #tpu.memory_space<vmem>>, vector<16xf32>,
        tpu.vector_store %arg13[%swap3A_601], %select_n3A_598 {strides = array<i32>} : memref<4096xf32, #tpu.memory_space<vmem>>, vector<16xf32>,
        %ge3A_603 = arith.constant 0.000000e+00 : f32
        %ge3A_604 = vector.broadcast %ge3A_603 : f32 to vector<16xf32>
        %ge3A_605 = arith.cmpf oge, %get3A_517, %ge3A_604 : vector<16xf32>
        %ge3A_606 = arith.constant 0.000000e+00 : f32
        %ge3A_607 = vector.broadcast %ge3A_606 : f32 to vector<16xf32>
        %ge3A_608 = arith.cmpf oge, %get3A_515, %ge3A_607 : vector<16xf32>
        %and3A_609 = arith.andi %ge3A_605, %ge3A_608 : vector<16xi1>
        %mul3A_610 = arith.constant 0.949999988 : f32
        %mul3A_611 = vector.broadcast %mul3A_610 : f32 to vector<16xf32>
        %mul3A_612 = arith.mulf %get3A_517, %mul3A_611 : vector<16xf32>
        %max3A_613 = arith.maximumf %mul3A_612, %get3A_515 : vector<16xf32>
        %select_n3A_614 = arith.select %and3A_609, %max3A_613, %get3A_517 : vector<16xi1>, vector<16xf32>
        %add3A_615 = arith.constant 64 : i32
        %add3A_616 = arith.addi %multiple_of3A_482, %add3A_615 : i32
        %swap3A_617 = arith.index_cast %add3A_616 : i32 to index
        %swap3A_618 = tpu.vector_load %arg13[%swap3A_617] {strides = array<i32>} : memref<4096xf32, #tpu.memory_space<vmem>>, vector<16xf32>,
        tpu.vector_store %arg13[%swap3A_617], %select_n3A_614 {strides = array<i32>} : memref<4096xf32, #tpu.memory_space<vmem>>, vector<16xf32>,
        %ge3A_619 = arith.constant 0.000000e+00 : f32
        %ge3A_620 = vector.broadcast %ge3A_619 : f32 to vector<16xf32>
        %ge3A_621 = arith.cmpf oge, %get3A_524, %ge3A_620 : vector<16xf32>
        %ge3A_622 = arith.constant 0.000000e+00 : f32
        %ge3A_623 = vector.broadcast %ge3A_622 : f32 to vector<16xf32>
        %ge3A_624 = arith.cmpf oge, %get3A_522, %ge3A_623 : vector<16xf32>
        %and3A_625 = arith.andi %ge3A_621, %ge3A_624 : vector<16xi1>
        %mul3A_626 = arith.constant 0.949999988 : f32
        %mul3A_627 = vector.broadcast %mul3A_626 : f32 to vector<16xf32>
        %mul3A_628 = arith.mulf %get3A_524, %mul3A_627 : vector<16xf32>
        %max3A_629 = arith.maximumf %mul3A_628, %get3A_522 : vector<16xf32>
        %select_n3A_630 = arith.select %and3A_625, %max3A_629, %get3A_524 : vector<16xi1>, vector<16xf32>
        %add3A_631 = arith.constant 80 : i32
        %add3A_632 = arith.addi %multiple_of3A_482, %add3A_631 : i32
        %swap3A_633 = arith.index_cast %add3A_632 : i32 to index
        %swap3A_634 = tpu.vector_load %arg13[%swap3A_633] {strides = array<i32>} : memref<4096xf32, #tpu.memory_space<vmem>>, vector<16xf32>,
        tpu.vector_store %arg13[%swap3A_633], %select_n3A_630 {strides = array<i32>} : memref<4096xf32, #tpu.memory_space<vmem>>, vector<16xf32>,
        %ge3A_635 = arith.constant 0.000000e+00 : f32
        %ge3A_636 = vector.broadcast %ge3A_635 : f32 to vector<16xf32>
        %ge3A_637 = arith.cmpf oge, %get3A_531, %ge3A_636 : vector<16xf32>
        %ge3A_638 = arith.constant 0.000000e+00 : f32
        %ge3A_639 = vector.broadcast %ge3A_638 : f32 to vector<16xf32>
        %ge3A_640 = arith.cmpf oge, %get3A_529, %ge3A_639 : vector<16xf32>
        %and3A_641 = arith.andi %ge3A_637, %ge3A_640 : vector<16xi1>
        %mul3A_642 = arith.constant 0.949999988 : f32
        %mul3A_643 = vector.broadcast %mul3A_642 : f32 to vector<16xf32>
        %mul3A_644 = arith.mulf %get3A_531, %mul3A_643 : vector<16xf32>
        %max3A_645 = arith.maximumf %mul3A_644, %get3A_529 : vector<16xf32>
        %select_n3A_646 = arith.select %and3A_641, %max3A_645, %get3A_531 : vector<16xi1>, vector<16xf32>
        %add3A_647 = arith.constant 96 : i32
        %add3A_648 = arith.addi %multiple_of3A_482, %add3A_647 : i32
        %swap3A_649 = arith.index_cast %add3A_648 : i32 to index
        %swap3A_650 = tpu.vector_load %arg13[%swap3A_649] {strides = array<i32>} : memref<4096xf32, #tpu.memory_space<vmem>>, vector<16xf32>,
        tpu.vector_store %arg13[%swap3A_649], %select_n3A_646 {strides = array<i32>} : memref<4096xf32, #tpu.memory_space<vmem>>, vector<16xf32>,
        %ge3A_651 = arith.constant 0.000000e+00 : f32
        %ge3A_652 = vector.broadcast %ge3A_651 : f32 to vector<16xf32>
        %ge3A_653 = arith.cmpf oge, %get3A_538, %ge3A_652 : vector<16xf32>
        %ge3A_654 = arith.constant 0.000000e+00 : f32
        %ge3A_655 = vector.broadcast %ge3A_654 : f32 to vector<16xf32>
        %ge3A_656 = arith.cmpf oge, %get3A_536, %ge3A_655 : vector<16xf32>
        %and3A_657 = arith.andi %ge3A_653, %ge3A_656 : vector<16xi1>
        %mul3A_658 = arith.constant 0.949999988 : f32
        %mul3A_659 = vector.broadcast %mul3A_658 : f32 to vector<16xf32>
        %mul3A_660 = arith.mulf %get3A_538, %mul3A_659 : vector<16xf32>
        %max3A_661 = arith.maximumf %mul3A_660, %get3A_536 : vector<16xf32>
        %select_n3A_662 = arith.select %and3A_657, %max3A_661, %get3A_538 : vector<16xi1>, vector<16xf32>
        %add3A_663 = arith.constant 112 : i32
        %add3A_664 = arith.addi %multiple_of3A_482, %add3A_663 : i32
        %swap3A_665 = arith.index_cast %add3A_664 : i32 to index
        %swap3A_666 = tpu.vector_load %arg13[%swap3A_665] {strides = array<i32>} : memref<4096xf32, #tpu.memory_space<vmem>>, vector<16xf32>,
        tpu.vector_store %arg13[%swap3A_665], %select_n3A_662 {strides = array<i32>} : memref<4096xf32, #tpu.memory_space<vmem>>, vector<16xf32>,
        %scan3A_667 = arith.constant 3 : i32
        %scan3A_668 = arith.addi %scan3A_106, %scan3A_667 : i32
        %mul3A_669 = arith.constant 128 : i32
        %mul3A_670 = arith.muli %scan3A_668, %mul3A_669 : i32
        %multiple_of3A_671 = tpu.assume_multiple %mul3A_670, 128 : i32
        %add3A_672 = arith.constant 0 : i32
        %add3A_673 = arith.addi %multiple_of3A_671, %add3A_672 : i32
        %add3A_674 = arith.addi %multiple_of3A, %add3A_673 : i32
        %get3A_675 = arith.index_cast %add3A_674 : i32 to index
        %get3A_676 = tpu.vector_load %arg6[%get3A_675] {strides = array<i32>} : memref<65536xf32, #tpu.memory_space<vmem>>, vector<16xf32>,
        %get3A_677 = arith.index_cast %add3A_673 : i32 to index
        %get3A_678 = tpu.vector_load %arg11[%get3A_677] {strides = array<i32>} : memref<4096xf32, #tpu.memory_space<vmem>>, vector<16xf32>,
        %add3A_679 = arith.constant 16 : i32
        %add3A_680 = arith.addi %multiple_of3A_671, %add3A_679 : i32
        %add3A_681 = arith.addi %multiple_of3A, %add3A_680 : i32
        %get3A_682 = arith.index_cast %add3A_681 : i32 to index
        %get3A_683 = tpu.vector_load %arg6[%get3A_682] {strides = array<i32>} : memref<65536xf32, #tpu.memory_space<vmem>>, vector<16xf32>,
        %get3A_684 = arith.index_cast %add3A_680 : i32 to index
        %get3A_685 = tpu.vector_load %arg11[%get3A_684] {strides = array<i32>} : memref<4096xf32, #tpu.memory_space<vmem>>, vector<16xf32>,
        %add3A_686 = arith.constant 32 : i32
        %add3A_687 = arith.addi %multiple_of3A_671, %add3A_686 : i32
        %add3A_688 = arith.addi %multiple_of3A, %add3A_687 : i32
        %get3A_689 = arith.index_cast %add3A_688 : i32 to index
        %get3A_690 = tpu.vector_load %arg6[%get3A_689] {strides = array<i32>} : memref<65536xf32, #tpu.memory_space<vmem>>, vector<16xf32>,
        %get3A_691 = arith.index_cast %add3A_687 : i32 to index
        %get3A_692 = tpu.vector_load %arg11[%get3A_691] {strides = array<i32>} : memref<4096xf32, #tpu.memory_space<vmem>>, vector<16xf32>,
        %add3A_693 = arith.constant 48 : i32
        %add3A_694 = arith.addi %multiple_of3A_671, %add3A_693 : i32
        %add3A_695 = arith.addi %multiple_of3A, %add3A_694 : i32
        %get3A_696 = arith.index_cast %add3A_695 : i32 to index
        %get3A_697 = tpu.vector_load %arg6[%get3A_696] {strides = array<i32>} : memref<65536xf32, #tpu.memory_space<vmem>>, vector<16xf32>,
        %get3A_698 = arith.index_cast %add3A_694 : i32 to index
        %get3A_699 = tpu.vector_load %arg11[%get3A_698] {strides = array<i32>} : memref<4096xf32, #tpu.memory_space<vmem>>, vector<16xf32>,
        %add3A_700 = arith.constant 64 : i32
        %add3A_701 = arith.addi %multiple_of3A_671, %add3A_700 : i32
        %add3A_702 = arith.addi %multiple_of3A, %add3A_701 : i32
        %get3A_703 = arith.index_cast %add3A_702 : i32 to index
        %get3A_704 = tpu.vector_load %arg6[%get3A_703] {strides = array<i32>} : memref<65536xf32, #tpu.memory_space<vmem>>, vector<16xf32>,
        %get3A_705 = arith.index_cast %add3A_701 : i32 to index
        %get3A_706 = tpu.vector_load %arg11[%get3A_705] {strides = array<i32>} : memref<4096xf32, #tpu.memory_space<vmem>>, vector<16xf32>,
        %add3A_707 = arith.constant 80 : i32
        %add3A_708 = arith.addi %multiple_of3A_671, %add3A_707 : i32
        %add3A_709 = arith.addi %multiple_of3A, %add3A_708 : i32
        %get3A_710 = arith.index_cast %add3A_709 : i32 to index
        %get3A_711 = tpu.vector_load %arg6[%get3A_710] {strides = array<i32>} : memref<65536xf32, #tpu.memory_space<vmem>>, vector<16xf32>,
        %get3A_712 = arith.index_cast %add3A_708 : i32 to index
        %get3A_713 = tpu.vector_load %arg11[%get3A_712] {strides = array<i32>} : memref<4096xf32, #tpu.memory_space<vmem>>, vector<16xf32>,
        %add3A_714 = arith.constant 96 : i32
        %add3A_715 = arith.addi %multiple_of3A_671, %add3A_714 : i32
        %add3A_716 = arith.addi %multiple_of3A, %add3A_715 : i32
        %get3A_717 = arith.index_cast %add3A_716 : i32 to index
        %get3A_718 = tpu.vector_load %arg6[%get3A_717] {strides = array<i32>} : memref<65536xf32, #tpu.memory_space<vmem>>, vector<16xf32>,
        %get3A_719 = arith.index_cast %add3A_715 : i32 to index
        %get3A_720 = tpu.vector_load %arg11[%get3A_719] {strides = array<i32>} : memref<4096xf32, #tpu.memory_space<vmem>>, vector<16xf32>,
        %add3A_721 = arith.constant 112 : i32
        %add3A_722 = arith.addi %multiple_of3A_671, %add3A_721 : i32
        %add3A_723 = arith.addi %multiple_of3A, %add3A_722 : i32
        %get3A_724 = arith.index_cast %add3A_723 : i32 to index
        %get3A_725 = tpu.vector_load %arg6[%get3A_724] {strides = array<i32>} : memref<65536xf32, #tpu.memory_space<vmem>>, vector<16xf32>,
        %get3A_726 = arith.index_cast %add3A_722 : i32 to index
        %get3A_727 = tpu.vector_load %arg11[%get3A_726] {strides = array<i32>} : memref<4096xf32, #tpu.memory_space<vmem>>, vector<16xf32>,
        %ge3A_728 = arith.constant 0.000000e+00 : f32
        %ge3A_729 = vector.broadcast %ge3A_728 : f32 to vector<16xf32>
        %ge3A_730 = arith.cmpf oge, %get3A_678, %ge3A_729 : vector<16xf32>
        %ge3A_731 = arith.constant 0.000000e+00 : f32
        %ge3A_732 = vector.broadcast %ge3A_731 : f32 to vector<16xf32>
        %ge3A_733 = arith.cmpf oge, %get3A_676, %ge3A_732 : vector<16xf32>
        %and3A_734 = arith.andi %ge3A_730, %ge3A_733 : vector<16xi1>
        %mul3A_735 = arith.constant 0.949999988 : f32
        %mul3A_736 = vector.broadcast %mul3A_735 : f32 to vector<16xf32>
        %mul3A_737 = arith.mulf %get3A_678, %mul3A_736 : vector<16xf32>
        %max3A_738 = arith.maximumf %mul3A_737, %get3A_676 : vector<16xf32>
        %select_n3A_739 = arith.select %and3A_734, %max3A_738, %get3A_678 : vector<16xi1>, vector<16xf32>
        %add3A_740 = arith.constant 0 : i32
        %add3A_741 = arith.addi %multiple_of3A_671, %add3A_740 : i32
        %swap3A_742 = arith.index_cast %add3A_741 : i32 to index
        %swap3A_743 = tpu.vector_load %arg13[%swap3A_742] {strides = array<i32>} : memref<4096xf32, #tpu.memory_space<vmem>>, vector<16xf32>,
        tpu.vector_store %arg13[%swap3A_742], %select_n3A_739 {strides = array<i32>} : memref<4096xf32, #tpu.memory_space<vmem>>, vector<16xf32>,
        %ge3A_744 = arith.constant 0.000000e+00 : f32
        %ge3A_745 = vector.broadcast %ge3A_744 : f32 to vector<16xf32>
        %ge3A_746 = arith.cmpf oge, %get3A_685, %ge3A_745 : vector<16xf32>
        %ge3A_747 = arith.constant 0.000000e+00 : f32
        %ge3A_748 = vector.broadcast %ge3A_747 : f32 to vector<16xf32>
        %ge3A_749 = arith.cmpf oge, %get3A_683, %ge3A_748 : vector<16xf32>
        %and3A_750 = arith.andi %ge3A_746, %ge3A_749 : vector<16xi1>
        %mul3A_751 = arith.constant 0.949999988 : f32
        %mul3A_752 = vector.broadcast %mul3A_751 : f32 to vector<16xf32>
        %mul3A_753 = arith.mulf %get3A_685, %mul3A_752 : vector<16xf32>
        %max3A_754 = arith.maximumf %mul3A_753, %get3A_683 : vector<16xf32>
        %select_n3A_755 = arith.select %and3A_750, %max3A_754, %get3A_685 : vector<16xi1>, vector<16xf32>
        %add3A_756 = arith.constant 16 : i32
        %add3A_757 = arith.addi %multiple_of3A_671, %add3A_756 : i32
        %swap3A_758 = arith.index_cast %add3A_757 : i32 to index
        %swap3A_759 = tpu.vector_load %arg13[%swap3A_758] {strides = array<i32>} : memref<4096xf32, #tpu.memory_space<vmem>>, vector<16xf32>,
        tpu.vector_store %arg13[%swap3A_758], %select_n3A_755 {strides = array<i32>} : memref<4096xf32, #tpu.memory_space<vmem>>, vector<16xf32>,
        %ge3A_760 = arith.constant 0.000000e+00 : f32
        %ge3A_761 = vector.broadcast %ge3A_760 : f32 to vector<16xf32>
        %ge3A_762 = arith.cmpf oge, %get3A_692, %ge3A_761 : vector<16xf32>
        %ge3A_763 = arith.constant 0.000000e+00 : f32
        %ge3A_764 = vector.broadcast %ge3A_763 : f32 to vector<16xf32>
        %ge3A_765 = arith.cmpf oge, %get3A_690, %ge3A_764 : vector<16xf32>
        %and3A_766 = arith.andi %ge3A_762, %ge3A_765 : vector<16xi1>
        %mul3A_767 = arith.constant 0.949999988 : f32
        %mul3A_768 = vector.broadcast %mul3A_767 : f32 to vector<16xf32>
        %mul3A_769 = arith.mulf %get3A_692, %mul3A_768 : vector<16xf32>
        %max3A_770 = arith.maximumf %mul3A_769, %get3A_690 : vector<16xf32>
        %select_n3A_771 = arith.select %and3A_766, %max3A_770, %get3A_692 : vector<16xi1>, vector<16xf32>
        %add3A_772 = arith.constant 32 : i32
        %add3A_773 = arith.addi %multiple_of3A_671, %add3A_772 : i32
        %swap3A_774 = arith.index_cast %add3A_773 : i32 to index
        %swap3A_775 = tpu.vector_load %arg13[%swap3A_774] {strides = array<i32>} : memref<4096xf32, #tpu.memory_space<vmem>>, vector<16xf32>,
        tpu.vector_store %arg13[%swap3A_774], %select_n3A_771 {strides = array<i32>} : memref<4096xf32, #tpu.memory_space<vmem>>, vector<16xf32>,
        %ge3A_776 = arith.constant 0.000000e+00 : f32
        %ge3A_777 = vector.broadcast %ge3A_776 : f32 to vector<16xf32>
        %ge3A_778 = arith.cmpf oge, %get3A_699, %ge3A_777 : vector<16xf32>
        %ge3A_779 = arith.constant 0.000000e+00 : f32
        %ge3A_780 = vector.broadcast %ge3A_779 : f32 to vector<16xf32>
        %ge3A_781 = arith.cmpf oge, %get3A_697, %ge3A_780 : vector<16xf32>
        %and3A_782 = arith.andi %ge3A_778, %ge3A_781 : vector<16xi1>
        %mul3A_783 = arith.constant 0.949999988 : f32
        %mul3A_784 = vector.broadcast %mul3A_783 : f32 to vector<16xf32>
        %mul3A_785 = arith.mulf %get3A_699, %mul3A_784 : vector<16xf32>
        %max3A_786 = arith.maximumf %mul3A_785, %get3A_697 : vector<16xf32>
        %select_n3A_787 = arith.select %and3A_782, %max3A_786, %get3A_699 : vector<16xi1>, vector<16xf32>
        %add3A_788 = arith.constant 48 : i32
        %add3A_789 = arith.addi %multiple_of3A_671, %add3A_788 : i32
        %swap3A_790 = arith.index_cast %add3A_789 : i32 to index
        %swap3A_791 = tpu.vector_load %arg13[%swap3A_790] {strides = array<i32>} : memref<4096xf32, #tpu.memory_space<vmem>>, vector<16xf32>,
        tpu.vector_store %arg13[%swap3A_790], %select_n3A_787 {strides = array<i32>} : memref<4096xf32, #tpu.memory_space<vmem>>, vector<16xf32>,
        %ge3A_792 = arith.constant 0.000000e+00 : f32
        %ge3A_793 = vector.broadcast %ge3A_792 : f32 to vector<16xf32>
        %ge3A_794 = arith.cmpf oge, %get3A_706, %ge3A_793 : vector<16xf32>
        %ge3A_795 = arith.constant 0.000000e+00 : f32
        %ge3A_796 = vector.broadcast %ge3A_795 : f32 to vector<16xf32>
        %ge3A_797 = arith.cmpf oge, %get3A_704, %ge3A_796 : vector<16xf32>
        %and3A_798 = arith.andi %ge3A_794, %ge3A_797 : vector<16xi1>
        %mul3A_799 = arith.constant 0.949999988 : f32
        %mul3A_800 = vector.broadcast %mul3A_799 : f32 to vector<16xf32>
        %mul3A_801 = arith.mulf %get3A_706, %mul3A_800 : vector<16xf32>
        %max3A_802 = arith.maximumf %mul3A_801, %get3A_704 : vector<16xf32>
        %select_n3A_803 = arith.select %and3A_798, %max3A_802, %get3A_706 : vector<16xi1>, vector<16xf32>
        %add3A_804 = arith.constant 64 : i32
        %add3A_805 = arith.addi %multiple_of3A_671, %add3A_804 : i32
        %swap3A_806 = arith.index_cast %add3A_805 : i32 to index
        %swap3A_807 = tpu.vector_load %arg13[%swap3A_806] {strides = array<i32>} : memref<4096xf32, #tpu.memory_space<vmem>>, vector<16xf32>,
        tpu.vector_store %arg13[%swap3A_806], %select_n3A_803 {strides = array<i32>} : memref<4096xf32, #tpu.memory_space<vmem>>, vector<16xf32>,
        %ge3A_808 = arith.constant 0.000000e+00 : f32
        %ge3A_809 = vector.broadcast %ge3A_808 : f32 to vector<16xf32>
        %ge3A_810 = arith.cmpf oge, %get3A_713, %ge3A_809 : vector<16xf32>
        %ge3A_811 = arith.constant 0.000000e+00 : f32
        %ge3A_812 = vector.broadcast %ge3A_811 : f32 to vector<16xf32>
        %ge3A_813 = arith.cmpf oge, %get3A_711, %ge3A_812 : vector<16xf32>
        %and3A_814 = arith.andi %ge3A_810, %ge3A_813 : vector<16xi1>
        %mul3A_815 = arith.constant 0.949999988 : f32
        %mul3A_816 = vector.broadcast %mul3A_815 : f32 to vector<16xf32>
        %mul3A_817 = arith.mulf %get3A_713, %mul3A_816 : vector<16xf32>
        %max3A_818 = arith.maximumf %mul3A_817, %get3A_711 : vector<16xf32>
        %select_n3A_819 = arith.select %and3A_814, %max3A_818, %get3A_713 : vector<16xi1>, vector<16xf32>
        %add3A_820 = arith.constant 80 : i32
        %add3A_821 = arith.addi %multiple_of3A_671, %add3A_820 : i32
        %swap3A_822 = arith.index_cast %add3A_821 : i32 to index
        %swap3A_823 = tpu.vector_load %arg13[%swap3A_822] {strides = array<i32>} : memref<4096xf32, #tpu.memory_space<vmem>>, vector<16xf32>,
        tpu.vector_store %arg13[%swap3A_822], %select_n3A_819 {strides = array<i32>} : memref<4096xf32, #tpu.memory_space<vmem>>, vector<16xf32>,
        %ge3A_824 = arith.constant 0.000000e+00 : f32
        %ge3A_825 = vector.broadcast %ge3A_824 : f32 to vector<16xf32>
        %ge3A_826 = arith.cmpf oge, %get3A_720, %ge3A_825 : vector<16xf32>
        %ge3A_827 = arith.constant 0.000000e+00 : f32
        %ge3A_828 = vector.broadcast %ge3A_827 : f32 to vector<16xf32>
        %ge3A_829 = arith.cmpf oge, %get3A_718, %ge3A_828 : vector<16xf32>
        %and3A_830 = arith.andi %ge3A_826, %ge3A_829 : vector<16xi1>
        %mul3A_831 = arith.constant 0.949999988 : f32
        %mul3A_832 = vector.broadcast %mul3A_831 : f32 to vector<16xf32>
        %mul3A_833 = arith.mulf %get3A_720, %mul3A_832 : vector<16xf32>
        %max3A_834 = arith.maximumf %mul3A_833, %get3A_718 : vector<16xf32>
        %select_n3A_835 = arith.select %and3A_830, %max3A_834, %get3A_720 : vector<16xi1>, vector<16xf32>
        %add3A_836 = arith.constant 96 : i32
        %add3A_837 = arith.addi %multiple_of3A_671, %add3A_836 : i32
        %swap3A_838 = arith.index_cast %add3A_837 : i32 to index
        %swap3A_839 = tpu.vector_load %arg13[%swap3A_838] {strides = array<i32>} : memref<4096xf32, #tpu.memory_space<vmem>>, vector<16xf32>,
        tpu.vector_store %arg13[%swap3A_838], %select_n3A_835 {strides = array<i32>} : memref<4096xf32, #tpu.memory_space<vmem>>, vector<16xf32>,
        %ge3A_840 = arith.constant 0.000000e+00 : f32
        %ge3A_841 = vector.broadcast %ge3A_840 : f32 to vector<16xf32>
        %ge3A_842 = arith.cmpf oge, %get3A_727, %ge3A_841 : vector<16xf32>
        %ge3A_843 = arith.constant 0.000000e+00 : f32
        %ge3A_844 = vector.broadcast %ge3A_843 : f32 to vector<16xf32>
        %ge3A_845 = arith.cmpf oge, %get3A_725, %ge3A_844 : vector<16xf32>
        %and3A_846 = arith.andi %ge3A_842, %ge3A_845 : vector<16xi1>
        %mul3A_847 = arith.constant 0.949999988 : f32
        %mul3A_848 = vector.broadcast %mul3A_847 : f32 to vector<16xf32>
        %mul3A_849 = arith.mulf %get3A_727, %mul3A_848 : vector<16xf32>
        %max3A_850 = arith.maximumf %mul3A_849, %get3A_725 : vector<16xf32>
        %select_n3A_851 = arith.select %and3A_846, %max3A_850, %get3A_727 : vector<16xi1>, vector<16xf32>
        %add3A_852 = arith.constant 112 : i32
        %add3A_853 = arith.addi %multiple_of3A_671, %add3A_852 : i32
        %swap3A_854 = arith.index_cast %add3A_853 : i32 to index
        %swap3A_855 = tpu.vector_load %arg13[%swap3A_854] {strides = array<i32>} : memref<4096xf32, #tpu.memory_space<vmem>>, vector<16xf32>,
        tpu.vector_store %arg13[%swap3A_854], %select_n3A_851 {strides = array<i32>} : memref<4096xf32, #tpu.memory_space<vmem>>, vector<16xf32>,
      }
      %scan3A_65 = arith.constant 32 : i32
      %add3A_66 = arith.addi %mul3A_2, %multiple_of3A : i32
      %dma_start3A_67 = tpu.memref_slice %arg5[%add3A_66] : memref<2097152xf32, #tpu.memory_space<hbm>> -> memref<4096xf32, #tpu.memory_space<hbm>>
      %dma_start3A_68 = tpu.memref_slice %arg5[%add3A_66] : memref<2097152xf32, #tpu.memory_space<hbm>> -> memref<4096xf32, #tpu.memory_space<hbm>>
      tpu.enqueue_dma source(%arg13 : memref<4096xf32, #tpu.memory_space<vmem>>) target(%dma_start3A_68 : memref<4096xf32, #tpu.memory_space<hbm>>) target_semaphore(%arg19 : memref<!tpu.dma_semaphore, #tpu.memory_space<semaphore_mem>>)
      %add3A_69 = arith.constant 2 : i32
      %add3A_70 = arith.addi %add3A_52, %add3A_69 : i32
      %lt3A = arith.constant 16 : i32
      %lt3A_71 = arith.cmpi slt, %add3A_70, %lt3A : i32
      %convert_element_type3A_72 = arith.extui %lt3A_71 : i1 to i32
      %cond3A_73 = arith.constant 0 : i32
      %cond3A_74 = arith.cmpi ne, %convert_element_type3A_72, %cond3A_73 : i32
      scf.if %cond3A_74 {
        %add3A_106 = arith.constant 2 : i32
        %add3A_107 = arith.addi %add3A_52, %add3A_106 : i32
        %mul3A_108 = arith.constant 4096 : i32
        %mul3A_109 = arith.muli %add3A_107, %mul3A_108 : i32
        %multiple_of3A_110 = tpu.assume_multiple %mul3A_109, 4096 : i32
        %add3A_111 = arith.addi %mul3A_2, %multiple_of3A_110 : i32
        %dma_start3A_112 = tpu.memref_slice %arg2[%add3A_111] : memref<2097152xf32, #tpu.memory_space<hbm>> -> memref<4096xf32, #tpu.memory_space<hbm>>
        %dma_start3A_113 = tpu.memref_slice %arg2[%add3A_111] : memref<2097152xf32, #tpu.memory_space<hbm>> -> memref<4096xf32, #tpu.memory_space<hbm>>
        tpu.enqueue_dma source(%dma_start3A_113 : memref<4096xf32, #tpu.memory_space<hbm>>) target(%arg11 : memref<4096xf32, #tpu.memory_space<vmem>>) target_semaphore(%arg17 : memref<!tpu.dma_semaphore, #tpu.memory_space<semaphore_mem>>)
      } else {
      }
      %mul3A_75 = arith.constant 2 : i32
      %mul3A_76 = arith.muli %mul3A_75, %scan3A_48 : i32
      %add3A_77 = arith.constant 1 : i32
      %add3A_78 = arith.addi %mul3A_76, %add3A_77 : i32
      %mul3A_79 = arith.constant 4096 : i32
      %mul3A_80 = arith.muli %add3A_78, %mul3A_79 : i32
      %multiple_of3A_81 = tpu.assume_multiple %mul3A_80, 4096 : i32
      %dma_wait3A_82 = arith.constant 0 : i32
      %dma_wait3A_83 = tpu.memref_slice %arg2[%dma_wait3A_82] : memref<2097152xf32, #tpu.memory_space<hbm>> -> memref<4096xf32, #tpu.memory_space<hbm>>
      %dma_wait3A_84 = arith.constant 0 : i32
      %dma_wait3A_85 = tpu.memref_slice %arg2[%dma_wait3A_84] : memref<2097152xf32, #tpu.memory_space<hbm>> -> memref<4096xf32, #tpu.memory_space<hbm>>
      tpu.wait_dma2 semaphore(%arg18 : memref<!tpu.dma_semaphore, #tpu.memory_space<semaphore_mem>>) src(%dma_wait3A_85 : memref<4096xf32, #tpu.memory_space<hbm>>) dst(%arg12 : memref<4096xf32, #tpu.memory_space<vmem>>)
      %ge3A_86 = arith.constant 2 : i32
      %ge3A_87 = arith.cmpi sge, %add3A_78, %ge3A_86 : i32
      %convert_element_type3A_88 = arith.extui %ge3A_87 : i1 to i32
      %cond3A_89 = arith.constant 0 : i32
      %cond3A_90 = arith.cmpi ne, %convert_element_type3A_88, %cond3A_89 : i32
      scf.if %cond3A_90 {
        %dma_wait3A_106 = arith.constant 0 : i32
        %dma_wait3A_107 = tpu.memref_slice %arg5[%dma_wait3A_106] : memref<2097152xf32, #tpu.memory_space<hbm>> -> memref<4096xf32, #tpu.memory_space<hbm>>
        %dma_wait3A_108 = arith.constant 0 : i32
        %dma_wait3A_109 = tpu.memref_slice %arg5[%dma_wait3A_108] : memref<2097152xf32, #tpu.memory_space<hbm>> -> memref<4096xf32, #tpu.memory_space<hbm>>
        tpu.wait_dma2 semaphore(%arg20 : memref<!tpu.dma_semaphore, #tpu.memory_space<semaphore_mem>>) src(%arg14 : memref<4096xf32, #tpu.memory_space<vmem>>) dst(%dma_wait3A_109 : memref<4096xf32, #tpu.memory_space<hbm>>)
      } else {
      }
      %scan3A_91 = arith.constant 0 : i32
      %scan3A_92 = arith.constant 32 : i32
      %scan3A_93 = arith.addi %scan3A_91, %scan3A_92 : i32
      %scan3A_94 = arith.constant 4 : i32
      scf.for %scan3A_106 = %scan3A_91 to %scan3A_93 step %scan3A_94  : i32 {
        %mul3A_107 = arith.constant 128 : i32
        %mul3A_108 = arith.muli %scan3A_106, %mul3A_107 : i32
        %multiple_of3A_109 = tpu.assume_multiple %mul3A_108, 128 : i32
        %add3A_110 = arith.constant 0 : i32
        %add3A_111 = arith.addi %multiple_of3A_109, %add3A_110 : i32
        %add3A_112 = arith.addi %multiple_of3A_81, %add3A_111 : i32
        %get3A = arith.index_cast %add3A_112 : i32 to index
        %get3A_113 = tpu.vector_load %arg6[%get3A] {strides = array<i32>} : memref<65536xf32, #tpu.memory_space<vmem>>, vector<16xf32>,
        %get3A_114 = arith.index_cast %add3A_111 : i32 to index
        %get3A_115 = tpu.vector_load %arg12[%get3A_114] {strides = array<i32>} : memref<4096xf32, #tpu.memory_space<vmem>>, vector<16xf32>,
        %add3A_116 = arith.constant 16 : i32
        %add3A_117 = arith.addi %multiple_of3A_109, %add3A_116 : i32
        %add3A_118 = arith.addi %multiple_of3A_81, %add3A_117 : i32
        %get3A_119 = arith.index_cast %add3A_118 : i32 to index
        %get3A_120 = tpu.vector_load %arg6[%get3A_119] {strides = array<i32>} : memref<65536xf32, #tpu.memory_space<vmem>>, vector<16xf32>,
        %get3A_121 = arith.index_cast %add3A_117 : i32 to index
        %get3A_122 = tpu.vector_load %arg12[%get3A_121] {strides = array<i32>} : memref<4096xf32, #tpu.memory_space<vmem>>, vector<16xf32>,
        %add3A_123 = arith.constant 32 : i32
        %add3A_124 = arith.addi %multiple_of3A_109, %add3A_123 : i32
        %add3A_125 = arith.addi %multiple_of3A_81, %add3A_124 : i32
        %get3A_126 = arith.index_cast %add3A_125 : i32 to index
        %get3A_127 = tpu.vector_load %arg6[%get3A_126] {strides = array<i32>} : memref<65536xf32, #tpu.memory_space<vmem>>, vector<16xf32>,
        %get3A_128 = arith.index_cast %add3A_124 : i32 to index
        %get3A_129 = tpu.vector_load %arg12[%get3A_128] {strides = array<i32>} : memref<4096xf32, #tpu.memory_space<vmem>>, vector<16xf32>,
        %add3A_130 = arith.constant 48 : i32
        %add3A_131 = arith.addi %multiple_of3A_109, %add3A_130 : i32
        %add3A_132 = arith.addi %multiple_of3A_81, %add3A_131 : i32
        %get3A_133 = arith.index_cast %add3A_132 : i32 to index
        %get3A_134 = tpu.vector_load %arg6[%get3A_133] {strides = array<i32>} : memref<65536xf32, #tpu.memory_space<vmem>>, vector<16xf32>,
        %get3A_135 = arith.index_cast %add3A_131 : i32 to index
        %get3A_136 = tpu.vector_load %arg12[%get3A_135] {strides = array<i32>} : memref<4096xf32, #tpu.memory_space<vmem>>, vector<16xf32>,
        %add3A_137 = arith.constant 64 : i32
        %add3A_138 = arith.addi %multiple_of3A_109, %add3A_137 : i32
        %add3A_139 = arith.addi %multiple_of3A_81, %add3A_138 : i32
        %get3A_140 = arith.index_cast %add3A_139 : i32 to index
        %get3A_141 = tpu.vector_load %arg6[%get3A_140] {strides = array<i32>} : memref<65536xf32, #tpu.memory_space<vmem>>, vector<16xf32>,
        %get3A_142 = arith.index_cast %add3A_138 : i32 to index
        %get3A_143 = tpu.vector_load %arg12[%get3A_142] {strides = array<i32>} : memref<4096xf32, #tpu.memory_space<vmem>>, vector<16xf32>,
        %add3A_144 = arith.constant 80 : i32
        %add3A_145 = arith.addi %multiple_of3A_109, %add3A_144 : i32
        %add3A_146 = arith.addi %multiple_of3A_81, %add3A_145 : i32
        %get3A_147 = arith.index_cast %add3A_146 : i32 to index
        %get3A_148 = tpu.vector_load %arg6[%get3A_147] {strides = array<i32>} : memref<65536xf32, #tpu.memory_space<vmem>>, vector<16xf32>,
        %get3A_149 = arith.index_cast %add3A_145 : i32 to index
        %get3A_150 = tpu.vector_load %arg12[%get3A_149] {strides = array<i32>} : memref<4096xf32, #tpu.memory_space<vmem>>, vector<16xf32>,
        %add3A_151 = arith.constant 96 : i32
        %add3A_152 = arith.addi %multiple_of3A_109, %add3A_151 : i32
        %add3A_153 = arith.addi %multiple_of3A_81, %add3A_152 : i32
        %get3A_154 = arith.index_cast %add3A_153 : i32 to index
        %get3A_155 = tpu.vector_load %arg6[%get3A_154] {strides = array<i32>} : memref<65536xf32, #tpu.memory_space<vmem>>, vector<16xf32>,
        %get3A_156 = arith.index_cast %add3A_152 : i32 to index
        %get3A_157 = tpu.vector_load %arg12[%get3A_156] {strides = array<i32>} : memref<4096xf32, #tpu.memory_space<vmem>>, vector<16xf32>,
        %add3A_158 = arith.constant 112 : i32
        %add3A_159 = arith.addi %multiple_of3A_109, %add3A_158 : i32
        %add3A_160 = arith.addi %multiple_of3A_81, %add3A_159 : i32
        %get3A_161 = arith.index_cast %add3A_160 : i32 to index
        %get3A_162 = tpu.vector_load %arg6[%get3A_161] {strides = array<i32>} : memref<65536xf32, #tpu.memory_space<vmem>>, vector<16xf32>,
        %get3A_163 = arith.index_cast %add3A_159 : i32 to index
        %get3A_164 = tpu.vector_load %arg12[%get3A_163] {strides = array<i32>} : memref<4096xf32, #tpu.memory_space<vmem>>, vector<16xf32>,
        %ge3A_165 = arith.constant 0.000000e+00 : f32
        %ge3A_166 = vector.broadcast %ge3A_165 : f32 to vector<16xf32>
        %ge3A_167 = arith.cmpf oge, %get3A_115, %ge3A_166 : vector<16xf32>
        %ge3A_168 = arith.constant 0.000000e+00 : f32
        %ge3A_169 = vector.broadcast %ge3A_168 : f32 to vector<16xf32>
        %ge3A_170 = arith.cmpf oge, %get3A_113, %ge3A_169 : vector<16xf32>
        %and3A = arith.andi %ge3A_167, %ge3A_170 : vector<16xi1>
        %mul3A_171 = arith.constant 0.949999988 : f32
        %mul3A_172 = vector.broadcast %mul3A_171 : f32 to vector<16xf32>
        %mul3A_173 = arith.mulf %get3A_115, %mul3A_172 : vector<16xf32>
        %max3A = arith.maximumf %mul3A_173, %get3A_113 : vector<16xf32>
        %select_n3A = arith.select %and3A, %max3A, %get3A_115 : vector<16xi1>, vector<16xf32>
        %add3A_174 = arith.constant 0 : i32
        %add3A_175 = arith.addi %multiple_of3A_109, %add3A_174 : i32
        %swap3A = arith.index_cast %add3A_175 : i32 to index
        %swap3A_176 = tpu.vector_load %arg14[%swap3A] {strides = array<i32>} : memref<4096xf32, #tpu.memory_space<vmem>>, vector<16xf32>,
        tpu.vector_store %arg14[%swap3A], %select_n3A {strides = array<i32>} : memref<4096xf32, #tpu.memory_space<vmem>>, vector<16xf32>,
        %ge3A_177 = arith.constant 0.000000e+00 : f32
        %ge3A_178 = vector.broadcast %ge3A_177 : f32 to vector<16xf32>
        %ge3A_179 = arith.cmpf oge, %get3A_122, %ge3A_178 : vector<16xf32>
        %ge3A_180 = arith.constant 0.000000e+00 : f32
        %ge3A_181 = vector.broadcast %ge3A_180 : f32 to vector<16xf32>
        %ge3A_182 = arith.cmpf oge, %get3A_120, %ge3A_181 : vector<16xf32>
        %and3A_183 = arith.andi %ge3A_179, %ge3A_182 : vector<16xi1>
        %mul3A_184 = arith.constant 0.949999988 : f32
        %mul3A_185 = vector.broadcast %mul3A_184 : f32 to vector<16xf32>
        %mul3A_186 = arith.mulf %get3A_122, %mul3A_185 : vector<16xf32>
        %max3A_187 = arith.maximumf %mul3A_186, %get3A_120 : vector<16xf32>
        %select_n3A_188 = arith.select %and3A_183, %max3A_187, %get3A_122 : vector<16xi1>, vector<16xf32>
        %add3A_189 = arith.constant 16 : i32
        %add3A_190 = arith.addi %multiple_of3A_109, %add3A_189 : i32
        %swap3A_191 = arith.index_cast %add3A_190 : i32 to index
        %swap3A_192 = tpu.vector_load %arg14[%swap3A_191] {strides = array<i32>} : memref<4096xf32, #tpu.memory_space<vmem>>, vector<16xf32>,
        tpu.vector_store %arg14[%swap3A_191], %select_n3A_188 {strides = array<i32>} : memref<4096xf32, #tpu.memory_space<vmem>>, vector<16xf32>,
        %ge3A_193 = arith.constant 0.000000e+00 : f32
        %ge3A_194 = vector.broadcast %ge3A_193 : f32 to vector<16xf32>
        %ge3A_195 = arith.cmpf oge, %get3A_129, %ge3A_194 : vector<16xf32>
        %ge3A_196 = arith.constant 0.000000e+00 : f32
        %ge3A_197 = vector.broadcast %ge3A_196 : f32 to vector<16xf32>
        %ge3A_198 = arith.cmpf oge, %get3A_127, %ge3A_197 : vector<16xf32>
        %and3A_199 = arith.andi %ge3A_195, %ge3A_198 : vector<16xi1>
        %mul3A_200 = arith.constant 0.949999988 : f32
        %mul3A_201 = vector.broadcast %mul3A_200 : f32 to vector<16xf32>
        %mul3A_202 = arith.mulf %get3A_129, %mul3A_201 : vector<16xf32>
        %max3A_203 = arith.maximumf %mul3A_202, %get3A_127 : vector<16xf32>
        %select_n3A_204 = arith.select %and3A_199, %max3A_203, %get3A_129 : vector<16xi1>, vector<16xf32>
        %add3A_205 = arith.constant 32 : i32
        %add3A_206 = arith.addi %multiple_of3A_109, %add3A_205 : i32
        %swap3A_207 = arith.index_cast %add3A_206 : i32 to index
        %swap3A_208 = tpu.vector_load %arg14[%swap3A_207] {strides = array<i32>} : memref<4096xf32, #tpu.memory_space<vmem>>, vector<16xf32>,
        tpu.vector_store %arg14[%swap3A_207], %select_n3A_204 {strides = array<i32>} : memref<4096xf32, #tpu.memory_space<vmem>>, vector<16xf32>,
        %ge3A_209 = arith.constant 0.000000e+00 : f32
        %ge3A_210 = vector.broadcast %ge3A_209 : f32 to vector<16xf32>
        %ge3A_211 = arith.cmpf oge, %get3A_136, %ge3A_210 : vector<16xf32>
        %ge3A_212 = arith.constant 0.000000e+00 : f32
        %ge3A_213 = vector.broadcast %ge3A_212 : f32 to vector<16xf32>
        %ge3A_214 = arith.cmpf oge, %get3A_134, %ge3A_213 : vector<16xf32>
        %and3A_215 = arith.andi %ge3A_211, %ge3A_214 : vector<16xi1>
        %mul3A_216 = arith.constant 0.949999988 : f32
        %mul3A_217 = vector.broadcast %mul3A_216 : f32 to vector<16xf32>
        %mul3A_218 = arith.mulf %get3A_136, %mul3A_217 : vector<16xf32>
        %max3A_219 = arith.maximumf %mul3A_218, %get3A_134 : vector<16xf32>
        %select_n3A_220 = arith.select %and3A_215, %max3A_219, %get3A_136 : vector<16xi1>, vector<16xf32>
        %add3A_221 = arith.constant 48 : i32
        %add3A_222 = arith.addi %multiple_of3A_109, %add3A_221 : i32
        %swap3A_223 = arith.index_cast %add3A_222 : i32 to index
        %swap3A_224 = tpu.vector_load %arg14[%swap3A_223] {strides = array<i32>} : memref<4096xf32, #tpu.memory_space<vmem>>, vector<16xf32>,
        tpu.vector_store %arg14[%swap3A_223], %select_n3A_220 {strides = array<i32>} : memref<4096xf32, #tpu.memory_space<vmem>>, vector<16xf32>,
        %ge3A_225 = arith.constant 0.000000e+00 : f32
        %ge3A_226 = vector.broadcast %ge3A_225 : f32 to vector<16xf32>
        %ge3A_227 = arith.cmpf oge, %get3A_143, %ge3A_226 : vector<16xf32>
        %ge3A_228 = arith.constant 0.000000e+00 : f32
        %ge3A_229 = vector.broadcast %ge3A_228 : f32 to vector<16xf32>
        %ge3A_230 = arith.cmpf oge, %get3A_141, %ge3A_229 : vector<16xf32>
        %and3A_231 = arith.andi %ge3A_227, %ge3A_230 : vector<16xi1>
        %mul3A_232 = arith.constant 0.949999988 : f32
        %mul3A_233 = vector.broadcast %mul3A_232 : f32 to vector<16xf32>
        %mul3A_234 = arith.mulf %get3A_143, %mul3A_233 : vector<16xf32>
        %max3A_235 = arith.maximumf %mul3A_234, %get3A_141 : vector<16xf32>
        %select_n3A_236 = arith.select %and3A_231, %max3A_235, %get3A_143 : vector<16xi1>, vector<16xf32>
        %add3A_237 = arith.constant 64 : i32
        %add3A_238 = arith.addi %multiple_of3A_109, %add3A_237 : i32
        %swap3A_239 = arith.index_cast %add3A_238 : i32 to index
        %swap3A_240 = tpu.vector_load %arg14[%swap3A_239] {strides = array<i32>} : memref<4096xf32, #tpu.memory_space<vmem>>, vector<16xf32>,
        tpu.vector_store %arg14[%swap3A_239], %select_n3A_236 {strides = array<i32>} : memref<4096xf32, #tpu.memory_space<vmem>>, vector<16xf32>,
        %ge3A_241 = arith.constant 0.000000e+00 : f32
        %ge3A_242 = vector.broadcast %ge3A_241 : f32 to vector<16xf32>
        %ge3A_243 = arith.cmpf oge, %get3A_150, %ge3A_242 : vector<16xf32>
        %ge3A_244 = arith.constant 0.000000e+00 : f32
        %ge3A_245 = vector.broadcast %ge3A_244 : f32 to vector<16xf32>
        %ge3A_246 = arith.cmpf oge, %get3A_148, %ge3A_245 : vector<16xf32>
        %and3A_247 = arith.andi %ge3A_243, %ge3A_246 : vector<16xi1>
        %mul3A_248 = arith.constant 0.949999988 : f32
        %mul3A_249 = vector.broadcast %mul3A_248 : f32 to vector<16xf32>
        %mul3A_250 = arith.mulf %get3A_150, %mul3A_249 : vector<16xf32>
        %max3A_251 = arith.maximumf %mul3A_250, %get3A_148 : vector<16xf32>
        %select_n3A_252 = arith.select %and3A_247, %max3A_251, %get3A_150 : vector<16xi1>, vector<16xf32>
        %add3A_253 = arith.constant 80 : i32
        %add3A_254 = arith.addi %multiple_of3A_109, %add3A_253 : i32
        %swap3A_255 = arith.index_cast %add3A_254 : i32 to index
        %swap3A_256 = tpu.vector_load %arg14[%swap3A_255] {strides = array<i32>} : memref<4096xf32, #tpu.memory_space<vmem>>, vector<16xf32>,
        tpu.vector_store %arg14[%swap3A_255], %select_n3A_252 {strides = array<i32>} : memref<4096xf32, #tpu.memory_space<vmem>>, vector<16xf32>,
        %ge3A_257 = arith.constant 0.000000e+00 : f32
        %ge3A_258 = vector.broadcast %ge3A_257 : f32 to vector<16xf32>
        %ge3A_259 = arith.cmpf oge, %get3A_157, %ge3A_258 : vector<16xf32>
        %ge3A_260 = arith.constant 0.000000e+00 : f32
        %ge3A_261 = vector.broadcast %ge3A_260 : f32 to vector<16xf32>
        %ge3A_262 = arith.cmpf oge, %get3A_155, %ge3A_261 : vector<16xf32>
        %and3A_263 = arith.andi %ge3A_259, %ge3A_262 : vector<16xi1>
        %mul3A_264 = arith.constant 0.949999988 : f32
        %mul3A_265 = vector.broadcast %mul3A_264 : f32 to vector<16xf32>
        %mul3A_266 = arith.mulf %get3A_157, %mul3A_265 : vector<16xf32>
        %max3A_267 = arith.maximumf %mul3A_266, %get3A_155 : vector<16xf32>
        %select_n3A_268 = arith.select %and3A_263, %max3A_267, %get3A_157 : vector<16xi1>, vector<16xf32>
        %add3A_269 = arith.constant 96 : i32
        %add3A_270 = arith.addi %multiple_of3A_109, %add3A_269 : i32
        %swap3A_271 = arith.index_cast %add3A_270 : i32 to index
        %swap3A_272 = tpu.vector_load %arg14[%swap3A_271] {strides = array<i32>} : memref<4096xf32, #tpu.memory_space<vmem>>, vector<16xf32>,
        tpu.vector_store %arg14[%swap3A_271], %select_n3A_268 {strides = array<i32>} : memref<4096xf32, #tpu.memory_space<vmem>>, vector<16xf32>,
        %ge3A_273 = arith.constant 0.000000e+00 : f32
        %ge3A_274 = vector.broadcast %ge3A_273 : f32 to vector<16xf32>
        %ge3A_275 = arith.cmpf oge, %get3A_164, %ge3A_274 : vector<16xf32>
        %ge3A_276 = arith.constant 0.000000e+00 : f32
        %ge3A_277 = vector.broadcast %ge3A_276 : f32 to vector<16xf32>
        %ge3A_278 = arith.cmpf oge, %get3A_162, %ge3A_277 : vector<16xf32>
        %and3A_279 = arith.andi %ge3A_275, %ge3A_278 : vector<16xi1>
        %mul3A_280 = arith.constant 0.949999988 : f32
        %mul3A_281 = vector.broadcast %mul3A_280 : f32 to vector<16xf32>
        %mul3A_282 = arith.mulf %get3A_164, %mul3A_281 : vector<16xf32>
        %max3A_283 = arith.maximumf %mul3A_282, %get3A_162 : vector<16xf32>
        %select_n3A_284 = arith.select %and3A_279, %max3A_283, %get3A_164 : vector<16xi1>, vector<16xf32>
        %add3A_285 = arith.constant 112 : i32
        %add3A_286 = arith.addi %multiple_of3A_109, %add3A_285 : i32
        %swap3A_287 = arith.index_cast %add3A_286 : i32 to index
        %swap3A_288 = tpu.vector_load %arg14[%swap3A_287] {strides = array<i32>} : memref<4096xf32, #tpu.memory_space<vmem>>, vector<16xf32>,
        tpu.vector_store %arg14[%swap3A_287], %select_n3A_284 {strides = array<i32>} : memref<4096xf32, #tpu.memory_space<vmem>>, vector<16xf32>,
        %scan3A_289 = arith.constant 1 : i32
        %scan3A_290 = arith.addi %scan3A_106, %scan3A_289 : i32
        %mul3A_291 = arith.constant 128 : i32
        %mul3A_292 = arith.muli %scan3A_290, %mul3A_291 : i32
        %multiple_of3A_293 = tpu.assume_multiple %mul3A_292, 128 : i32
        %add3A_294 = arith.constant 0 : i32
        %add3A_295 = arith.addi %multiple_of3A_293, %add3A_294 : i32
        %add3A_296 = arith.addi %multiple_of3A_81, %add3A_295 : i32
        %get3A_297 = arith.index_cast %add3A_296 : i32 to index
        %get3A_298 = tpu.vector_load %arg6[%get3A_297] {strides = array<i32>} : memref<65536xf32, #tpu.memory_space<vmem>>, vector<16xf32>,
        %get3A_299 = arith.index_cast %add3A_295 : i32 to index
        %get3A_300 = tpu.vector_load %arg12[%get3A_299] {strides = array<i32>} : memref<4096xf32, #tpu.memory_space<vmem>>, vector<16xf32>,
        %add3A_301 = arith.constant 16 : i32
        %add3A_302 = arith.addi %multiple_of3A_293, %add3A_301 : i32
        %add3A_303 = arith.addi %multiple_of3A_81, %add3A_302 : i32
        %get3A_304 = arith.index_cast %add3A_303 : i32 to index
        %get3A_305 = tpu.vector_load %arg6[%get3A_304] {strides = array<i32>} : memref<65536xf32, #tpu.memory_space<vmem>>, vector<16xf32>,
        %get3A_306 = arith.index_cast %add3A_302 : i32 to index
        %get3A_307 = tpu.vector_load %arg12[%get3A_306] {strides = array<i32>} : memref<4096xf32, #tpu.memory_space<vmem>>, vector<16xf32>,
        %add3A_308 = arith.constant 32 : i32
        %add3A_309 = arith.addi %multiple_of3A_293, %add3A_308 : i32
        %add3A_310 = arith.addi %multiple_of3A_81, %add3A_309 : i32
        %get3A_311 = arith.index_cast %add3A_310 : i32 to index
        %get3A_312 = tpu.vector_load %arg6[%get3A_311] {strides = array<i32>} : memref<65536xf32, #tpu.memory_space<vmem>>, vector<16xf32>,
        %get3A_313 = arith.index_cast %add3A_309 : i32 to index
        %get3A_314 = tpu.vector_load %arg12[%get3A_313] {strides = array<i32>} : memref<4096xf32, #tpu.memory_space<vmem>>, vector<16xf32>,
        %add3A_315 = arith.constant 48 : i32
        %add3A_316 = arith.addi %multiple_of3A_293, %add3A_315 : i32
        %add3A_317 = arith.addi %multiple_of3A_81, %add3A_316 : i32
        %get3A_318 = arith.index_cast %add3A_317 : i32 to index
        %get3A_319 = tpu.vector_load %arg6[%get3A_318] {strides = array<i32>} : memref<65536xf32, #tpu.memory_space<vmem>>, vector<16xf32>,
        %get3A_320 = arith.index_cast %add3A_316 : i32 to index
        %get3A_321 = tpu.vector_load %arg12[%get3A_320] {strides = array<i32>} : memref<4096xf32, #tpu.memory_space<vmem>>, vector<16xf32>,
        %add3A_322 = arith.constant 64 : i32
        %add3A_323 = arith.addi %multiple_of3A_293, %add3A_322 : i32
        %add3A_324 = arith.addi %multiple_of3A_81, %add3A_323 : i32
        %get3A_325 = arith.index_cast %add3A_324 : i32 to index
        %get3A_326 = tpu.vector_load %arg6[%get3A_325] {strides = array<i32>} : memref<65536xf32, #tpu.memory_space<vmem>>, vector<16xf32>,
        %get3A_327 = arith.index_cast %add3A_323 : i32 to index
        %get3A_328 = tpu.vector_load %arg12[%get3A_327] {strides = array<i32>} : memref<4096xf32, #tpu.memory_space<vmem>>, vector<16xf32>,
        %add3A_329 = arith.constant 80 : i32
        %add3A_330 = arith.addi %multiple_of3A_293, %add3A_329 : i32
        %add3A_331 = arith.addi %multiple_of3A_81, %add3A_330 : i32
        %get3A_332 = arith.index_cast %add3A_331 : i32 to index
        %get3A_333 = tpu.vector_load %arg6[%get3A_332] {strides = array<i32>} : memref<65536xf32, #tpu.memory_space<vmem>>, vector<16xf32>,
        %get3A_334 = arith.index_cast %add3A_330 : i32 to index
        %get3A_335 = tpu.vector_load %arg12[%get3A_334] {strides = array<i32>} : memref<4096xf32, #tpu.memory_space<vmem>>, vector<16xf32>,
        %add3A_336 = arith.constant 96 : i32
        %add3A_337 = arith.addi %multiple_of3A_293, %add3A_336 : i32
        %add3A_338 = arith.addi %multiple_of3A_81, %add3A_337 : i32
        %get3A_339 = arith.index_cast %add3A_338 : i32 to index
        %get3A_340 = tpu.vector_load %arg6[%get3A_339] {strides = array<i32>} : memref<65536xf32, #tpu.memory_space<vmem>>, vector<16xf32>,
        %get3A_341 = arith.index_cast %add3A_337 : i32 to index
        %get3A_342 = tpu.vector_load %arg12[%get3A_341] {strides = array<i32>} : memref<4096xf32, #tpu.memory_space<vmem>>, vector<16xf32>,
        %add3A_343 = arith.constant 112 : i32
        %add3A_344 = arith.addi %multiple_of3A_293, %add3A_343 : i32
        %add3A_345 = arith.addi %multiple_of3A_81, %add3A_344 : i32
        %get3A_346 = arith.index_cast %add3A_345 : i32 to index
        %get3A_347 = tpu.vector_load %arg6[%get3A_346] {strides = array<i32>} : memref<65536xf32, #tpu.memory_space<vmem>>, vector<16xf32>,
        %get3A_348 = arith.index_cast %add3A_344 : i32 to index
        %get3A_349 = tpu.vector_load %arg12[%get3A_348] {strides = array<i32>} : memref<4096xf32, #tpu.memory_space<vmem>>, vector<16xf32>,
        %ge3A_350 = arith.constant 0.000000e+00 : f32
        %ge3A_351 = vector.broadcast %ge3A_350 : f32 to vector<16xf32>
        %ge3A_352 = arith.cmpf oge, %get3A_300, %ge3A_351 : vector<16xf32>
        %ge3A_353 = arith.constant 0.000000e+00 : f32
        %ge3A_354 = vector.broadcast %ge3A_353 : f32 to vector<16xf32>
        %ge3A_355 = arith.cmpf oge, %get3A_298, %ge3A_354 : vector<16xf32>
        %and3A_356 = arith.andi %ge3A_352, %ge3A_355 : vector<16xi1>
        %mul3A_357 = arith.constant 0.949999988 : f32
        %mul3A_358 = vector.broadcast %mul3A_357 : f32 to vector<16xf32>
        %mul3A_359 = arith.mulf %get3A_300, %mul3A_358 : vector<16xf32>
        %max3A_360 = arith.maximumf %mul3A_359, %get3A_298 : vector<16xf32>
        %select_n3A_361 = arith.select %and3A_356, %max3A_360, %get3A_300 : vector<16xi1>, vector<16xf32>
        %add3A_362 = arith.constant 0 : i32
        %add3A_363 = arith.addi %multiple_of3A_293, %add3A_362 : i32
        %swap3A_364 = arith.index_cast %add3A_363 : i32 to index
        %swap3A_365 = tpu.vector_load %arg14[%swap3A_364] {strides = array<i32>} : memref<4096xf32, #tpu.memory_space<vmem>>, vector<16xf32>,
        tpu.vector_store %arg14[%swap3A_364], %select_n3A_361 {strides = array<i32>} : memref<4096xf32, #tpu.memory_space<vmem>>, vector<16xf32>,
        %ge3A_366 = arith.constant 0.000000e+00 : f32
        %ge3A_367 = vector.broadcast %ge3A_366 : f32 to vector<16xf32>
        %ge3A_368 = arith.cmpf oge, %get3A_307, %ge3A_367 : vector<16xf32>
        %ge3A_369 = arith.constant 0.000000e+00 : f32
        %ge3A_370 = vector.broadcast %ge3A_369 : f32 to vector<16xf32>
        %ge3A_371 = arith.cmpf oge, %get3A_305, %ge3A_370 : vector<16xf32>
        %and3A_372 = arith.andi %ge3A_368, %ge3A_371 : vector<16xi1>
        %mul3A_373 = arith.constant 0.949999988 : f32
        %mul3A_374 = vector.broadcast %mul3A_373 : f32 to vector<16xf32>
        %mul3A_375 = arith.mulf %get3A_307, %mul3A_374 : vector<16xf32>
        %max3A_376 = arith.maximumf %mul3A_375, %get3A_305 : vector<16xf32>
        %select_n3A_377 = arith.select %and3A_372, %max3A_376, %get3A_307 : vector<16xi1>, vector<16xf32>
        %add3A_378 = arith.constant 16 : i32
        %add3A_379 = arith.addi %multiple_of3A_293, %add3A_378 : i32
        %swap3A_380 = arith.index_cast %add3A_379 : i32 to index
        %swap3A_381 = tpu.vector_load %arg14[%swap3A_380] {strides = array<i32>} : memref<4096xf32, #tpu.memory_space<vmem>>, vector<16xf32>,
        tpu.vector_store %arg14[%swap3A_380], %select_n3A_377 {strides = array<i32>} : memref<4096xf32, #tpu.memory_space<vmem>>, vector<16xf32>,
        %ge3A_382 = arith.constant 0.000000e+00 : f32
        %ge3A_383 = vector.broadcast %ge3A_382 : f32 to vector<16xf32>
        %ge3A_384 = arith.cmpf oge, %get3A_314, %ge3A_383 : vector<16xf32>
        %ge3A_385 = arith.constant 0.000000e+00 : f32
        %ge3A_386 = vector.broadcast %ge3A_385 : f32 to vector<16xf32>
        %ge3A_387 = arith.cmpf oge, %get3A_312, %ge3A_386 : vector<16xf32>
        %and3A_388 = arith.andi %ge3A_384, %ge3A_387 : vector<16xi1>
        %mul3A_389 = arith.constant 0.949999988 : f32
        %mul3A_390 = vector.broadcast %mul3A_389 : f32 to vector<16xf32>
        %mul3A_391 = arith.mulf %get3A_314, %mul3A_390 : vector<16xf32>
        %max3A_392 = arith.maximumf %mul3A_391, %get3A_312 : vector<16xf32>
        %select_n3A_393 = arith.select %and3A_388, %max3A_392, %get3A_314 : vector<16xi1>, vector<16xf32>
        %add3A_394 = arith.constant 32 : i32
        %add3A_395 = arith.addi %multiple_of3A_293, %add3A_394 : i32
        %swap3A_396 = arith.index_cast %add3A_395 : i32 to index
        %swap3A_397 = tpu.vector_load %arg14[%swap3A_396] {strides = array<i32>} : memref<4096xf32, #tpu.memory_space<vmem>>, vector<16xf32>,
        tpu.vector_store %arg14[%swap3A_396], %select_n3A_393 {strides = array<i32>} : memref<4096xf32, #tpu.memory_space<vmem>>, vector<16xf32>,
        %ge3A_398 = arith.constant 0.000000e+00 : f32
        %ge3A_399 = vector.broadcast %ge3A_398 : f32 to vector<16xf32>
        %ge3A_400 = arith.cmpf oge, %get3A_321, %ge3A_399 : vector<16xf32>
        %ge3A_401 = arith.constant 0.000000e+00 : f32
        %ge3A_402 = vector.broadcast %ge3A_401 : f32 to vector<16xf32>
        %ge3A_403 = arith.cmpf oge, %get3A_319, %ge3A_402 : vector<16xf32>
        %and3A_404 = arith.andi %ge3A_400, %ge3A_403 : vector<16xi1>
        %mul3A_405 = arith.constant 0.949999988 : f32
        %mul3A_406 = vector.broadcast %mul3A_405 : f32 to vector<16xf32>
        %mul3A_407 = arith.mulf %get3A_321, %mul3A_406 : vector<16xf32>
        %max3A_408 = arith.maximumf %mul3A_407, %get3A_319 : vector<16xf32>
        %select_n3A_409 = arith.select %and3A_404, %max3A_408, %get3A_321 : vector<16xi1>, vector<16xf32>
        %add3A_410 = arith.constant 48 : i32
        %add3A_411 = arith.addi %multiple_of3A_293, %add3A_410 : i32
        %swap3A_412 = arith.index_cast %add3A_411 : i32 to index
        %swap3A_413 = tpu.vector_load %arg14[%swap3A_412] {strides = array<i32>} : memref<4096xf32, #tpu.memory_space<vmem>>, vector<16xf32>,
        tpu.vector_store %arg14[%swap3A_412], %select_n3A_409 {strides = array<i32>} : memref<4096xf32, #tpu.memory_space<vmem>>, vector<16xf32>,
        %ge3A_414 = arith.constant 0.000000e+00 : f32
        %ge3A_415 = vector.broadcast %ge3A_414 : f32 to vector<16xf32>
        %ge3A_416 = arith.cmpf oge, %get3A_328, %ge3A_415 : vector<16xf32>
        %ge3A_417 = arith.constant 0.000000e+00 : f32
        %ge3A_418 = vector.broadcast %ge3A_417 : f32 to vector<16xf32>
        %ge3A_419 = arith.cmpf oge, %get3A_326, %ge3A_418 : vector<16xf32>
        %and3A_420 = arith.andi %ge3A_416, %ge3A_419 : vector<16xi1>
        %mul3A_421 = arith.constant 0.949999988 : f32
        %mul3A_422 = vector.broadcast %mul3A_421 : f32 to vector<16xf32>
        %mul3A_423 = arith.mulf %get3A_328, %mul3A_422 : vector<16xf32>
        %max3A_424 = arith.maximumf %mul3A_423, %get3A_326 : vector<16xf32>
        %select_n3A_425 = arith.select %and3A_420, %max3A_424, %get3A_328 : vector<16xi1>, vector<16xf32>
        %add3A_426 = arith.constant 64 : i32
        %add3A_427 = arith.addi %multiple_of3A_293, %add3A_426 : i32
        %swap3A_428 = arith.index_cast %add3A_427 : i32 to index
        %swap3A_429 = tpu.vector_load %arg14[%swap3A_428] {strides = array<i32>} : memref<4096xf32, #tpu.memory_space<vmem>>, vector<16xf32>,
        tpu.vector_store %arg14[%swap3A_428], %select_n3A_425 {strides = array<i32>} : memref<4096xf32, #tpu.memory_space<vmem>>, vector<16xf32>,
        %ge3A_430 = arith.constant 0.000000e+00 : f32
        %ge3A_431 = vector.broadcast %ge3A_430 : f32 to vector<16xf32>
        %ge3A_432 = arith.cmpf oge, %get3A_335, %ge3A_431 : vector<16xf32>
        %ge3A_433 = arith.constant 0.000000e+00 : f32
        %ge3A_434 = vector.broadcast %ge3A_433 : f32 to vector<16xf32>
        %ge3A_435 = arith.cmpf oge, %get3A_333, %ge3A_434 : vector<16xf32>
        %and3A_436 = arith.andi %ge3A_432, %ge3A_435 : vector<16xi1>
        %mul3A_437 = arith.constant 0.949999988 : f32
        %mul3A_438 = vector.broadcast %mul3A_437 : f32 to vector<16xf32>
        %mul3A_439 = arith.mulf %get3A_335, %mul3A_438 : vector<16xf32>
        %max3A_440 = arith.maximumf %mul3A_439, %get3A_333 : vector<16xf32>
        %select_n3A_441 = arith.select %and3A_436, %max3A_440, %get3A_335 : vector<16xi1>, vector<16xf32>
        %add3A_442 = arith.constant 80 : i32
        %add3A_443 = arith.addi %multiple_of3A_293, %add3A_442 : i32
        %swap3A_444 = arith.index_cast %add3A_443 : i32 to index
        %swap3A_445 = tpu.vector_load %arg14[%swap3A_444] {strides = array<i32>} : memref<4096xf32, #tpu.memory_space<vmem>>, vector<16xf32>,
        tpu.vector_store %arg14[%swap3A_444], %select_n3A_441 {strides = array<i32>} : memref<4096xf32, #tpu.memory_space<vmem>>, vector<16xf32>,
        %ge3A_446 = arith.constant 0.000000e+00 : f32
        %ge3A_447 = vector.broadcast %ge3A_446 : f32 to vector<16xf32>
        %ge3A_448 = arith.cmpf oge, %get3A_342, %ge3A_447 : vector<16xf32>
        %ge3A_449 = arith.constant 0.000000e+00 : f32
        %ge3A_450 = vector.broadcast %ge3A_449 : f32 to vector<16xf32>
        %ge3A_451 = arith.cmpf oge, %get3A_340, %ge3A_450 : vector<16xf32>
        %and3A_452 = arith.andi %ge3A_448, %ge3A_451 : vector<16xi1>
        %mul3A_453 = arith.constant 0.949999988 : f32
        %mul3A_454 = vector.broadcast %mul3A_453 : f32 to vector<16xf32>
        %mul3A_455 = arith.mulf %get3A_342, %mul3A_454 : vector<16xf32>
        %max3A_456 = arith.maximumf %mul3A_455, %get3A_340 : vector<16xf32>
        %select_n3A_457 = arith.select %and3A_452, %max3A_456, %get3A_342 : vector<16xi1>, vector<16xf32>
        %add3A_458 = arith.constant 96 : i32
        %add3A_459 = arith.addi %multiple_of3A_293, %add3A_458 : i32
        %swap3A_460 = arith.index_cast %add3A_459 : i32 to index
        %swap3A_461 = tpu.vector_load %arg14[%swap3A_460] {strides = array<i32>} : memref<4096xf32, #tpu.memory_space<vmem>>, vector<16xf32>,
        tpu.vector_store %arg14[%swap3A_460], %select_n3A_457 {strides = array<i32>} : memref<4096xf32, #tpu.memory_space<vmem>>, vector<16xf32>,
        %ge3A_462 = arith.constant 0.000000e+00 : f32
        %ge3A_463 = vector.broadcast %ge3A_462 : f32 to vector<16xf32>
        %ge3A_464 = arith.cmpf oge, %get3A_349, %ge3A_463 : vector<16xf32>
        %ge3A_465 = arith.constant 0.000000e+00 : f32
        %ge3A_466 = vector.broadcast %ge3A_465 : f32 to vector<16xf32>
        %ge3A_467 = arith.cmpf oge, %get3A_347, %ge3A_466 : vector<16xf32>
        %and3A_468 = arith.andi %ge3A_464, %ge3A_467 : vector<16xi1>
        %mul3A_469 = arith.constant 0.949999988 : f32
        %mul3A_470 = vector.broadcast %mul3A_469 : f32 to vector<16xf32>
        %mul3A_471 = arith.mulf %get3A_349, %mul3A_470 : vector<16xf32>
        %max3A_472 = arith.maximumf %mul3A_471, %get3A_347 : vector<16xf32>
        %select_n3A_473 = arith.select %and3A_468, %max3A_472, %get3A_349 : vector<16xi1>, vector<16xf32>
        %add3A_474 = arith.constant 112 : i32
        %add3A_475 = arith.addi %multiple_of3A_293, %add3A_474 : i32
        %swap3A_476 = arith.index_cast %add3A_475 : i32 to index
        %swap3A_477 = tpu.vector_load %arg14[%swap3A_476] {strides = array<i32>} : memref<4096xf32, #tpu.memory_space<vmem>>, vector<16xf32>,
        tpu.vector_store %arg14[%swap3A_476], %select_n3A_473 {strides = array<i32>} : memref<4096xf32, #tpu.memory_space<vmem>>, vector<16xf32>,
        %scan3A_478 = arith.constant 2 : i32
        %scan3A_479 = arith.addi %scan3A_106, %scan3A_478 : i32
        %mul3A_480 = arith.constant 128 : i32
        %mul3A_481 = arith.muli %scan3A_479, %mul3A_480 : i32
        %multiple_of3A_482 = tpu.assume_multiple %mul3A_481, 128 : i32
        %add3A_483 = arith.constant 0 : i32
        %add3A_484 = arith.addi %multiple_of3A_482, %add3A_483 : i32
        %add3A_485 = arith.addi %multiple_of3A_81, %add3A_484 : i32
        %get3A_486 = arith.index_cast %add3A_485 : i32 to index
        %get3A_487 = tpu.vector_load %arg6[%get3A_486] {strides = array<i32>} : memref<65536xf32, #tpu.memory_space<vmem>>, vector<16xf32>,
        %get3A_488 = arith.index_cast %add3A_484 : i32 to index
        %get3A_489 = tpu.vector_load %arg12[%get3A_488] {strides = array<i32>} : memref<4096xf32, #tpu.memory_space<vmem>>, vector<16xf32>,
        %add3A_490 = arith.constant 16 : i32
        %add3A_491 = arith.addi %multiple_of3A_482, %add3A_490 : i32
        %add3A_492 = arith.addi %multiple_of3A_81, %add3A_491 : i32
        %get3A_493 = arith.index_cast %add3A_492 : i32 to index
        %get3A_494 = tpu.vector_load %arg6[%get3A_493] {strides = array<i32>} : memref<65536xf32, #tpu.memory_space<vmem>>, vector<16xf32>,
        %get3A_495 = arith.index_cast %add3A_491 : i32 to index
        %get3A_496 = tpu.vector_load %arg12[%get3A_495] {strides = array<i32>} : memref<4096xf32, #tpu.memory_space<vmem>>, vector<16xf32>,
        %add3A_497 = arith.constant 32 : i32
        %add3A_498 = arith.addi %multiple_of3A_482, %add3A_497 : i32
        %add3A_499 = arith.addi %multiple_of3A_81, %add3A_498 : i32
        %get3A_500 = arith.index_cast %add3A_499 : i32 to index
        %get3A_501 = tpu.vector_load %arg6[%get3A_500] {strides = array<i32>} : memref<65536xf32, #tpu.memory_space<vmem>>, vector<16xf32>,
        %get3A_502 = arith.index_cast %add3A_498 : i32 to index
        %get3A_503 = tpu.vector_load %arg12[%get3A_502] {strides = array<i32>} : memref<4096xf32, #tpu.memory_space<vmem>>, vector<16xf32>,
        %add3A_504 = arith.constant 48 : i32
        %add3A_505 = arith.addi %multiple_of3A_482, %add3A_504 : i32
        %add3A_506 = arith.addi %multiple_of3A_81, %add3A_505 : i32
        %get3A_507 = arith.index_cast %add3A_506 : i32 to index
        %get3A_508 = tpu.vector_load %arg6[%get3A_507] {strides = array<i32>} : memref<65536xf32, #tpu.memory_space<vmem>>, vector<16xf32>,
        %get3A_509 = arith.index_cast %add3A_505 : i32 to index
        %get3A_510 = tpu.vector_load %arg12[%get3A_509] {strides = array<i32>} : memref<4096xf32, #tpu.memory_space<vmem>>, vector<16xf32>,
        %add3A_511 = arith.constant 64 : i32
        %add3A_512 = arith.addi %multiple_of3A_482, %add3A_511 : i32
        %add3A_513 = arith.addi %multiple_of3A_81, %add3A_512 : i32
        %get3A_514 = arith.index_cast %add3A_513 : i32 to index
        %get3A_515 = tpu.vector_load %arg6[%get3A_514] {strides = array<i32>} : memref<65536xf32, #tpu.memory_space<vmem>>, vector<16xf32>,
        %get3A_516 = arith.index_cast %add3A_512 : i32 to index
        %get3A_517 = tpu.vector_load %arg12[%get3A_516] {strides = array<i32>} : memref<4096xf32, #tpu.memory_space<vmem>>, vector<16xf32>,
        %add3A_518 = arith.constant 80 : i32
        %add3A_519 = arith.addi %multiple_of3A_482, %add3A_518 : i32
        %add3A_520 = arith.addi %multiple_of3A_81, %add3A_519 : i32
        %get3A_521 = arith.index_cast %add3A_520 : i32 to index
        %get3A_522 = tpu.vector_load %arg6[%get3A_521] {strides = array<i32>} : memref<65536xf32, #tpu.memory_space<vmem>>, vector<16xf32>,
        %get3A_523 = arith.index_cast %add3A_519 : i32 to index
        %get3A_524 = tpu.vector_load %arg12[%get3A_523] {strides = array<i32>} : memref<4096xf32, #tpu.memory_space<vmem>>, vector<16xf32>,
        %add3A_525 = arith.constant 96 : i32
        %add3A_526 = arith.addi %multiple_of3A_482, %add3A_525 : i32
        %add3A_527 = arith.addi %multiple_of3A_81, %add3A_526 : i32
        %get3A_528 = arith.index_cast %add3A_527 : i32 to index
        %get3A_529 = tpu.vector_load %arg6[%get3A_528] {strides = array<i32>} : memref<65536xf32, #tpu.memory_space<vmem>>, vector<16xf32>,
        %get3A_530 = arith.index_cast %add3A_526 : i32 to index
        %get3A_531 = tpu.vector_load %arg12[%get3A_530] {strides = array<i32>} : memref<4096xf32, #tpu.memory_space<vmem>>, vector<16xf32>,
        %add3A_532 = arith.constant 112 : i32
        %add3A_533 = arith.addi %multiple_of3A_482, %add3A_532 : i32
        %add3A_534 = arith.addi %multiple_of3A_81, %add3A_533 : i32
        %get3A_535 = arith.index_cast %add3A_534 : i32 to index
        %get3A_536 = tpu.vector_load %arg6[%get3A_535] {strides = array<i32>} : memref<65536xf32, #tpu.memory_space<vmem>>, vector<16xf32>,
        %get3A_537 = arith.index_cast %add3A_533 : i32 to index
        %get3A_538 = tpu.vector_load %arg12[%get3A_537] {strides = array<i32>} : memref<4096xf32, #tpu.memory_space<vmem>>, vector<16xf32>,
        %ge3A_539 = arith.constant 0.000000e+00 : f32
        %ge3A_540 = vector.broadcast %ge3A_539 : f32 to vector<16xf32>
        %ge3A_541 = arith.cmpf oge, %get3A_489, %ge3A_540 : vector<16xf32>
        %ge3A_542 = arith.constant 0.000000e+00 : f32
        %ge3A_543 = vector.broadcast %ge3A_542 : f32 to vector<16xf32>
        %ge3A_544 = arith.cmpf oge, %get3A_487, %ge3A_543 : vector<16xf32>
        %and3A_545 = arith.andi %ge3A_541, %ge3A_544 : vector<16xi1>
        %mul3A_546 = arith.constant 0.949999988 : f32
        %mul3A_547 = vector.broadcast %mul3A_546 : f32 to vector<16xf32>
        %mul3A_548 = arith.mulf %get3A_489, %mul3A_547 : vector<16xf32>
        %max3A_549 = arith.maximumf %mul3A_548, %get3A_487 : vector<16xf32>
        %select_n3A_550 = arith.select %and3A_545, %max3A_549, %get3A_489 : vector<16xi1>, vector<16xf32>
        %add3A_551 = arith.constant 0 : i32
        %add3A_552 = arith.addi %multiple_of3A_482, %add3A_551 : i32
        %swap3A_553 = arith.index_cast %add3A_552 : i32 to index
        %swap3A_554 = tpu.vector_load %arg14[%swap3A_553] {strides = array<i32>} : memref<4096xf32, #tpu.memory_space<vmem>>, vector<16xf32>,
        tpu.vector_store %arg14[%swap3A_553], %select_n3A_550 {strides = array<i32>} : memref<4096xf32, #tpu.memory_space<vmem>>, vector<16xf32>,
        %ge3A_555 = arith.constant 0.000000e+00 : f32
        %ge3A_556 = vector.broadcast %ge3A_555 : f32 to vector<16xf32>
        %ge3A_557 = arith.cmpf oge, %get3A_496, %ge3A_556 : vector<16xf32>
        %ge3A_558 = arith.constant 0.000000e+00 : f32
        %ge3A_559 = vector.broadcast %ge3A_558 : f32 to vector<16xf32>
        %ge3A_560 = arith.cmpf oge, %get3A_494, %ge3A_559 : vector<16xf32>
        %and3A_561 = arith.andi %ge3A_557, %ge3A_560 : vector<16xi1>
        %mul3A_562 = arith.constant 0.949999988 : f32
        %mul3A_563 = vector.broadcast %mul3A_562 : f32 to vector<16xf32>
        %mul3A_564 = arith.mulf %get3A_496, %mul3A_563 : vector<16xf32>
        %max3A_565 = arith.maximumf %mul3A_564, %get3A_494 : vector<16xf32>
        %select_n3A_566 = arith.select %and3A_561, %max3A_565, %get3A_496 : vector<16xi1>, vector<16xf32>
        %add3A_567 = arith.constant 16 : i32
        %add3A_568 = arith.addi %multiple_of3A_482, %add3A_567 : i32
        %swap3A_569 = arith.index_cast %add3A_568 : i32 to index
        %swap3A_570 = tpu.vector_load %arg14[%swap3A_569] {strides = array<i32>} : memref<4096xf32, #tpu.memory_space<vmem>>, vector<16xf32>,
        tpu.vector_store %arg14[%swap3A_569], %select_n3A_566 {strides = array<i32>} : memref<4096xf32, #tpu.memory_space<vmem>>, vector<16xf32>,
        %ge3A_571 = arith.constant 0.000000e+00 : f32
        %ge3A_572 = vector.broadcast %ge3A_571 : f32 to vector<16xf32>
        %ge3A_573 = arith.cmpf oge, %get3A_503, %ge3A_572 : vector<16xf32>
        %ge3A_574 = arith.constant 0.000000e+00 : f32
        %ge3A_575 = vector.broadcast %ge3A_574 : f32 to vector<16xf32>
        %ge3A_576 = arith.cmpf oge, %get3A_501, %ge3A_575 : vector<16xf32>
        %and3A_577 = arith.andi %ge3A_573, %ge3A_576 : vector<16xi1>
        %mul3A_578 = arith.constant 0.949999988 : f32
        %mul3A_579 = vector.broadcast %mul3A_578 : f32 to vector<16xf32>
        %mul3A_580 = arith.mulf %get3A_503, %mul3A_579 : vector<16xf32>
        %max3A_581 = arith.maximumf %mul3A_580, %get3A_501 : vector<16xf32>
        %select_n3A_582 = arith.select %and3A_577, %max3A_581, %get3A_503 : vector<16xi1>, vector<16xf32>
        %add3A_583 = arith.constant 32 : i32
        %add3A_584 = arith.addi %multiple_of3A_482, %add3A_583 : i32
        %swap3A_585 = arith.index_cast %add3A_584 : i32 to index
        %swap3A_586 = tpu.vector_load %arg14[%swap3A_585] {strides = array<i32>} : memref<4096xf32, #tpu.memory_space<vmem>>, vector<16xf32>,
        tpu.vector_store %arg14[%swap3A_585], %select_n3A_582 {strides = array<i32>} : memref<4096xf32, #tpu.memory_space<vmem>>, vector<16xf32>,
        %ge3A_587 = arith.constant 0.000000e+00 : f32
        %ge3A_588 = vector.broadcast %ge3A_587 : f32 to vector<16xf32>
        %ge3A_589 = arith.cmpf oge, %get3A_510, %ge3A_588 : vector<16xf32>
        %ge3A_590 = arith.constant 0.000000e+00 : f32
        %ge3A_591 = vector.broadcast %ge3A_590 : f32 to vector<16xf32>
        %ge3A_592 = arith.cmpf oge, %get3A_508, %ge3A_591 : vector<16xf32>
        %and3A_593 = arith.andi %ge3A_589, %ge3A_592 : vector<16xi1>
        %mul3A_594 = arith.constant 0.949999988 : f32
        %mul3A_595 = vector.broadcast %mul3A_594 : f32 to vector<16xf32>
        %mul3A_596 = arith.mulf %get3A_510, %mul3A_595 : vector<16xf32>
        %max3A_597 = arith.maximumf %mul3A_596, %get3A_508 : vector<16xf32>
        %select_n3A_598 = arith.select %and3A_593, %max3A_597, %get3A_510 : vector<16xi1>, vector<16xf32>
        %add3A_599 = arith.constant 48 : i32
        %add3A_600 = arith.addi %multiple_of3A_482, %add3A_599 : i32
        %swap3A_601 = arith.index_cast %add3A_600 : i32 to index
        %swap3A_602 = tpu.vector_load %arg14[%swap3A_601] {strides = array<i32>} : memref<4096xf32, #tpu.memory_space<vmem>>, vector<16xf32>,
        tpu.vector_store %arg14[%swap3A_601], %select_n3A_598 {strides = array<i32>} : memref<4096xf32, #tpu.memory_space<vmem>>, vector<16xf32>,
        %ge3A_603 = arith.constant 0.000000e+00 : f32
        %ge3A_604 = vector.broadcast %ge3A_603 : f32 to vector<16xf32>
        %ge3A_605 = arith.cmpf oge, %get3A_517, %ge3A_604 : vector<16xf32>
        %ge3A_606 = arith.constant 0.000000e+00 : f32
        %ge3A_607 = vector.broadcast %ge3A_606 : f32 to vector<16xf32>
        %ge3A_608 = arith.cmpf oge, %get3A_515, %ge3A_607 : vector<16xf32>
        %and3A_609 = arith.andi %ge3A_605, %ge3A_608 : vector<16xi1>
        %mul3A_610 = arith.constant 0.949999988 : f32
        %mul3A_611 = vector.broadcast %mul3A_610 : f32 to vector<16xf32>
        %mul3A_612 = arith.mulf %get3A_517, %mul3A_611 : vector<16xf32>
        %max3A_613 = arith.maximumf %mul3A_612, %get3A_515 : vector<16xf32>
        %select_n3A_614 = arith.select %and3A_609, %max3A_613, %get3A_517 : vector<16xi1>, vector<16xf32>
        %add3A_615 = arith.constant 64 : i32
        %add3A_616 = arith.addi %multiple_of3A_482, %add3A_615 : i32
        %swap3A_617 = arith.index_cast %add3A_616 : i32 to index
        %swap3A_618 = tpu.vector_load %arg14[%swap3A_617] {strides = array<i32>} : memref<4096xf32, #tpu.memory_space<vmem>>, vector<16xf32>,
        tpu.vector_store %arg14[%swap3A_617], %select_n3A_614 {strides = array<i32>} : memref<4096xf32, #tpu.memory_space<vmem>>, vector<16xf32>,
        %ge3A_619 = arith.constant 0.000000e+00 : f32
        %ge3A_620 = vector.broadcast %ge3A_619 : f32 to vector<16xf32>
        %ge3A_621 = arith.cmpf oge, %get3A_524, %ge3A_620 : vector<16xf32>
        %ge3A_622 = arith.constant 0.000000e+00 : f32
        %ge3A_623 = vector.broadcast %ge3A_622 : f32 to vector<16xf32>
        %ge3A_624 = arith.cmpf oge, %get3A_522, %ge3A_623 : vector<16xf32>
        %and3A_625 = arith.andi %ge3A_621, %ge3A_624 : vector<16xi1>
        %mul3A_626 = arith.constant 0.949999988 : f32
        %mul3A_627 = vector.broadcast %mul3A_626 : f32 to vector<16xf32>
        %mul3A_628 = arith.mulf %get3A_524, %mul3A_627 : vector<16xf32>
        %max3A_629 = arith.maximumf %mul3A_628, %get3A_522 : vector<16xf32>
        %select_n3A_630 = arith.select %and3A_625, %max3A_629, %get3A_524 : vector<16xi1>, vector<16xf32>
        %add3A_631 = arith.constant 80 : i32
        %add3A_632 = arith.addi %multiple_of3A_482, %add3A_631 : i32
        %swap3A_633 = arith.index_cast %add3A_632 : i32 to index
        %swap3A_634 = tpu.vector_load %arg14[%swap3A_633] {strides = array<i32>} : memref<4096xf32, #tpu.memory_space<vmem>>, vector<16xf32>,
        tpu.vector_store %arg14[%swap3A_633], %select_n3A_630 {strides = array<i32>} : memref<4096xf32, #tpu.memory_space<vmem>>, vector<16xf32>,
        %ge3A_635 = arith.constant 0.000000e+00 : f32
        %ge3A_636 = vector.broadcast %ge3A_635 : f32 to vector<16xf32>
        %ge3A_637 = arith.cmpf oge, %get3A_531, %ge3A_636 : vector<16xf32>
        %ge3A_638 = arith.constant 0.000000e+00 : f32
        %ge3A_639 = vector.broadcast %ge3A_638 : f32 to vector<16xf32>
        %ge3A_640 = arith.cmpf oge, %get3A_529, %ge3A_639 : vector<16xf32>
        %and3A_641 = arith.andi %ge3A_637, %ge3A_640 : vector<16xi1>
        %mul3A_642 = arith.constant 0.949999988 : f32
        %mul3A_643 = vector.broadcast %mul3A_642 : f32 to vector<16xf32>
        %mul3A_644 = arith.mulf %get3A_531, %mul3A_643 : vector<16xf32>
        %max3A_645 = arith.maximumf %mul3A_644, %get3A_529 : vector<16xf32>
        %select_n3A_646 = arith.select %and3A_641, %max3A_645, %get3A_531 : vector<16xi1>, vector<16xf32>
        %add3A_647 = arith.constant 96 : i32
        %add3A_648 = arith.addi %multiple_of3A_482, %add3A_647 : i32
        %swap3A_649 = arith.index_cast %add3A_648 : i32 to index
        %swap3A_650 = tpu.vector_load %arg14[%swap3A_649] {strides = array<i32>} : memref<4096xf32, #tpu.memory_space<vmem>>, vector<16xf32>,
        tpu.vector_store %arg14[%swap3A_649], %select_n3A_646 {strides = array<i32>} : memref<4096xf32, #tpu.memory_space<vmem>>, vector<16xf32>,
        %ge3A_651 = arith.constant 0.000000e+00 : f32
        %ge3A_652 = vector.broadcast %ge3A_651 : f32 to vector<16xf32>
        %ge3A_653 = arith.cmpf oge, %get3A_538, %ge3A_652 : vector<16xf32>
        %ge3A_654 = arith.constant 0.000000e+00 : f32
        %ge3A_655 = vector.broadcast %ge3A_654 : f32 to vector<16xf32>
        %ge3A_656 = arith.cmpf oge, %get3A_536, %ge3A_655 : vector<16xf32>
        %and3A_657 = arith.andi %ge3A_653, %ge3A_656 : vector<16xi1>
        %mul3A_658 = arith.constant 0.949999988 : f32
        %mul3A_659 = vector.broadcast %mul3A_658 : f32 to vector<16xf32>
        %mul3A_660 = arith.mulf %get3A_538, %mul3A_659 : vector<16xf32>
        %max3A_661 = arith.maximumf %mul3A_660, %get3A_536 : vector<16xf32>
        %select_n3A_662 = arith.select %and3A_657, %max3A_661, %get3A_538 : vector<16xi1>, vector<16xf32>
        %add3A_663 = arith.constant 112 : i32
        %add3A_664 = arith.addi %multiple_of3A_482, %add3A_663 : i32
        %swap3A_665 = arith.index_cast %add3A_664 : i32 to index
        %swap3A_666 = tpu.vector_load %arg14[%swap3A_665] {strides = array<i32>} : memref<4096xf32, #tpu.memory_space<vmem>>, vector<16xf32>,
        tpu.vector_store %arg14[%swap3A_665], %select_n3A_662 {strides = array<i32>} : memref<4096xf32, #tpu.memory_space<vmem>>, vector<16xf32>,
        %scan3A_667 = arith.constant 3 : i32
        %scan3A_668 = arith.addi %scan3A_106, %scan3A_667 : i32
        %mul3A_669 = arith.constant 128 : i32
        %mul3A_670 = arith.muli %scan3A_668, %mul3A_669 : i32
        %multiple_of3A_671 = tpu.assume_multiple %mul3A_670, 128 : i32
        %add3A_672 = arith.constant 0 : i32
        %add3A_673 = arith.addi %multiple_of3A_671, %add3A_672 : i32
        %add3A_674 = arith.addi %multiple_of3A_81, %add3A_673 : i32
        %get3A_675 = arith.index_cast %add3A_674 : i32 to index
        %get3A_676 = tpu.vector_load %arg6[%get3A_675] {strides = array<i32>} : memref<65536xf32, #tpu.memory_space<vmem>>, vector<16xf32>,
        %get3A_677 = arith.index_cast %add3A_673 : i32 to index
        %get3A_678 = tpu.vector_load %arg12[%get3A_677] {strides = array<i32>} : memref<4096xf32, #tpu.memory_space<vmem>>, vector<16xf32>,
        %add3A_679 = arith.constant 16 : i32
        %add3A_680 = arith.addi %multiple_of3A_671, %add3A_679 : i32
        %add3A_681 = arith.addi %multiple_of3A_81, %add3A_680 : i32
        %get3A_682 = arith.index_cast %add3A_681 : i32 to index
        %get3A_683 = tpu.vector_load %arg6[%get3A_682] {strides = array<i32>} : memref<65536xf32, #tpu.memory_space<vmem>>, vector<16xf32>,
        %get3A_684 = arith.index_cast %add3A_680 : i32 to index
        %get3A_685 = tpu.vector_load %arg12[%get3A_684] {strides = array<i32>} : memref<4096xf32, #tpu.memory_space<vmem>>, vector<16xf32>,
        %add3A_686 = arith.constant 32 : i32
        %add3A_687 = arith.addi %multiple_of3A_671, %add3A_686 : i32
        %add3A_688 = arith.addi %multiple_of3A_81, %add3A_687 : i32
        %get3A_689 = arith.index_cast %add3A_688 : i32 to index
        %get3A_690 = tpu.vector_load %arg6[%get3A_689] {strides = array<i32>} : memref<65536xf32, #tpu.memory_space<vmem>>, vector<16xf32>,
        %get3A_691 = arith.index_cast %add3A_687 : i32 to index
        %get3A_692 = tpu.vector_load %arg12[%get3A_691] {strides = array<i32>} : memref<4096xf32, #tpu.memory_space<vmem>>, vector<16xf32>,
        %add3A_693 = arith.constant 48 : i32
        %add3A_694 = arith.addi %multiple_of3A_671, %add3A_693 : i32
        %add3A_695 = arith.addi %multiple_of3A_81, %add3A_694 : i32
        %get3A_696 = arith.index_cast %add3A_695 : i32 to index
        %get3A_697 = tpu.vector_load %arg6[%get3A_696] {strides = array<i32>} : memref<65536xf32, #tpu.memory_space<vmem>>, vector<16xf32>,
        %get3A_698 = arith.index_cast %add3A_694 : i32 to index
        %get3A_699 = tpu.vector_load %arg12[%get3A_698] {strides = array<i32>} : memref<4096xf32, #tpu.memory_space<vmem>>, vector<16xf32>,
        %add3A_700 = arith.constant 64 : i32
        %add3A_701 = arith.addi %multiple_of3A_671, %add3A_700 : i32
        %add3A_702 = arith.addi %multiple_of3A_81, %add3A_701 : i32
        %get3A_703 = arith.index_cast %add3A_702 : i32 to index
        %get3A_704 = tpu.vector_load %arg6[%get3A_703] {strides = array<i32>} : memref<65536xf32, #tpu.memory_space<vmem>>, vector<16xf32>,
        %get3A_705 = arith.index_cast %add3A_701 : i32 to index
        %get3A_706 = tpu.vector_load %arg12[%get3A_705] {strides = array<i32>} : memref<4096xf32, #tpu.memory_space<vmem>>, vector<16xf32>,
        %add3A_707 = arith.constant 80 : i32
        %add3A_708 = arith.addi %multiple_of3A_671, %add3A_707 : i32
        %add3A_709 = arith.addi %multiple_of3A_81, %add3A_708 : i32
        %get3A_710 = arith.index_cast %add3A_709 : i32 to index
        %get3A_711 = tpu.vector_load %arg6[%get3A_710] {strides = array<i32>} : memref<65536xf32, #tpu.memory_space<vmem>>, vector<16xf32>,
        %get3A_712 = arith.index_cast %add3A_708 : i32 to index
        %get3A_713 = tpu.vector_load %arg12[%get3A_712] {strides = array<i32>} : memref<4096xf32, #tpu.memory_space<vmem>>, vector<16xf32>,
        %add3A_714 = arith.constant 96 : i32
        %add3A_715 = arith.addi %multiple_of3A_671, %add3A_714 : i32
        %add3A_716 = arith.addi %multiple_of3A_81, %add3A_715 : i32
        %get3A_717 = arith.index_cast %add3A_716 : i32 to index
        %get3A_718 = tpu.vector_load %arg6[%get3A_717] {strides = array<i32>} : memref<65536xf32, #tpu.memory_space<vmem>>, vector<16xf32>,
        %get3A_719 = arith.index_cast %add3A_715 : i32 to index
        %get3A_720 = tpu.vector_load %arg12[%get3A_719] {strides = array<i32>} : memref<4096xf32, #tpu.memory_space<vmem>>, vector<16xf32>,
        %add3A_721 = arith.constant 112 : i32
        %add3A_722 = arith.addi %multiple_of3A_671, %add3A_721 : i32
        %add3A_723 = arith.addi %multiple_of3A_81, %add3A_722 : i32
        %get3A_724 = arith.index_cast %add3A_723 : i32 to index
        %get3A_725 = tpu.vector_load %arg6[%get3A_724] {strides = array<i32>} : memref<65536xf32, #tpu.memory_space<vmem>>, vector<16xf32>,
        %get3A_726 = arith.index_cast %add3A_722 : i32 to index
        %get3A_727 = tpu.vector_load %arg12[%get3A_726] {strides = array<i32>} : memref<4096xf32, #tpu.memory_space<vmem>>, vector<16xf32>,
        %ge3A_728 = arith.constant 0.000000e+00 : f32
        %ge3A_729 = vector.broadcast %ge3A_728 : f32 to vector<16xf32>
        %ge3A_730 = arith.cmpf oge, %get3A_678, %ge3A_729 : vector<16xf32>
        %ge3A_731 = arith.constant 0.000000e+00 : f32
        %ge3A_732 = vector.broadcast %ge3A_731 : f32 to vector<16xf32>
        %ge3A_733 = arith.cmpf oge, %get3A_676, %ge3A_732 : vector<16xf32>
        %and3A_734 = arith.andi %ge3A_730, %ge3A_733 : vector<16xi1>
        %mul3A_735 = arith.constant 0.949999988 : f32
        %mul3A_736 = vector.broadcast %mul3A_735 : f32 to vector<16xf32>
        %mul3A_737 = arith.mulf %get3A_678, %mul3A_736 : vector<16xf32>
        %max3A_738 = arith.maximumf %mul3A_737, %get3A_676 : vector<16xf32>
        %select_n3A_739 = arith.select %and3A_734, %max3A_738, %get3A_678 : vector<16xi1>, vector<16xf32>
        %add3A_740 = arith.constant 0 : i32
        %add3A_741 = arith.addi %multiple_of3A_671, %add3A_740 : i32
        %swap3A_742 = arith.index_cast %add3A_741 : i32 to index
        %swap3A_743 = tpu.vector_load %arg14[%swap3A_742] {strides = array<i32>} : memref<4096xf32, #tpu.memory_space<vmem>>, vector<16xf32>,
        tpu.vector_store %arg14[%swap3A_742], %select_n3A_739 {strides = array<i32>} : memref<4096xf32, #tpu.memory_space<vmem>>, vector<16xf32>,
        %ge3A_744 = arith.constant 0.000000e+00 : f32
        %ge3A_745 = vector.broadcast %ge3A_744 : f32 to vector<16xf32>
        %ge3A_746 = arith.cmpf oge, %get3A_685, %ge3A_745 : vector<16xf32>
        %ge3A_747 = arith.constant 0.000000e+00 : f32
        %ge3A_748 = vector.broadcast %ge3A_747 : f32 to vector<16xf32>
        %ge3A_749 = arith.cmpf oge, %get3A_683, %ge3A_748 : vector<16xf32>
        %and3A_750 = arith.andi %ge3A_746, %ge3A_749 : vector<16xi1>
        %mul3A_751 = arith.constant 0.949999988 : f32
        %mul3A_752 = vector.broadcast %mul3A_751 : f32 to vector<16xf32>
        %mul3A_753 = arith.mulf %get3A_685, %mul3A_752 : vector<16xf32>
        %max3A_754 = arith.maximumf %mul3A_753, %get3A_683 : vector<16xf32>
        %select_n3A_755 = arith.select %and3A_750, %max3A_754, %get3A_685 : vector<16xi1>, vector<16xf32>
        %add3A_756 = arith.constant 16 : i32
        %add3A_757 = arith.addi %multiple_of3A_671, %add3A_756 : i32
        %swap3A_758 = arith.index_cast %add3A_757 : i32 to index
        %swap3A_759 = tpu.vector_load %arg14[%swap3A_758] {strides = array<i32>} : memref<4096xf32, #tpu.memory_space<vmem>>, vector<16xf32>,
        tpu.vector_store %arg14[%swap3A_758], %select_n3A_755 {strides = array<i32>} : memref<4096xf32, #tpu.memory_space<vmem>>, vector<16xf32>,
        %ge3A_760 = arith.constant 0.000000e+00 : f32
        %ge3A_761 = vector.broadcast %ge3A_760 : f32 to vector<16xf32>
        %ge3A_762 = arith.cmpf oge, %get3A_692, %ge3A_761 : vector<16xf32>
        %ge3A_763 = arith.constant 0.000000e+00 : f32
        %ge3A_764 = vector.broadcast %ge3A_763 : f32 to vector<16xf32>
        %ge3A_765 = arith.cmpf oge, %get3A_690, %ge3A_764 : vector<16xf32>
        %and3A_766 = arith.andi %ge3A_762, %ge3A_765 : vector<16xi1>
        %mul3A_767 = arith.constant 0.949999988 : f32
        %mul3A_768 = vector.broadcast %mul3A_767 : f32 to vector<16xf32>
        %mul3A_769 = arith.mulf %get3A_692, %mul3A_768 : vector<16xf32>
        %max3A_770 = arith.maximumf %mul3A_769, %get3A_690 : vector<16xf32>
        %select_n3A_771 = arith.select %and3A_766, %max3A_770, %get3A_692 : vector<16xi1>, vector<16xf32>
        %add3A_772 = arith.constant 32 : i32
        %add3A_773 = arith.addi %multiple_of3A_671, %add3A_772 : i32
        %swap3A_774 = arith.index_cast %add3A_773 : i32 to index
        %swap3A_775 = tpu.vector_load %arg14[%swap3A_774] {strides = array<i32>} : memref<4096xf32, #tpu.memory_space<vmem>>, vector<16xf32>,
        tpu.vector_store %arg14[%swap3A_774], %select_n3A_771 {strides = array<i32>} : memref<4096xf32, #tpu.memory_space<vmem>>, vector<16xf32>,
        %ge3A_776 = arith.constant 0.000000e+00 : f32
        %ge3A_777 = vector.broadcast %ge3A_776 : f32 to vector<16xf32>
        %ge3A_778 = arith.cmpf oge, %get3A_699, %ge3A_777 : vector<16xf32>
        %ge3A_779 = arith.constant 0.000000e+00 : f32
        %ge3A_780 = vector.broadcast %ge3A_779 : f32 to vector<16xf32>
        %ge3A_781 = arith.cmpf oge, %get3A_697, %ge3A_780 : vector<16xf32>
        %and3A_782 = arith.andi %ge3A_778, %ge3A_781 : vector<16xi1>
        %mul3A_783 = arith.constant 0.949999988 : f32
        %mul3A_784 = vector.broadcast %mul3A_783 : f32 to vector<16xf32>
        %mul3A_785 = arith.mulf %get3A_699, %mul3A_784 : vector<16xf32>
        %max3A_786 = arith.maximumf %mul3A_785, %get3A_697 : vector<16xf32>
        %select_n3A_787 = arith.select %and3A_782, %max3A_786, %get3A_699 : vector<16xi1>, vector<16xf32>
        %add3A_788 = arith.constant 48 : i32
        %add3A_789 = arith.addi %multiple_of3A_671, %add3A_788 : i32
        %swap3A_790 = arith.index_cast %add3A_789 : i32 to index
        %swap3A_791 = tpu.vector_load %arg14[%swap3A_790] {strides = array<i32>} : memref<4096xf32, #tpu.memory_space<vmem>>, vector<16xf32>,
        tpu.vector_store %arg14[%swap3A_790], %select_n3A_787 {strides = array<i32>} : memref<4096xf32, #tpu.memory_space<vmem>>, vector<16xf32>,
        %ge3A_792 = arith.constant 0.000000e+00 : f32
        %ge3A_793 = vector.broadcast %ge3A_792 : f32 to vector<16xf32>
        %ge3A_794 = arith.cmpf oge, %get3A_706, %ge3A_793 : vector<16xf32>
        %ge3A_795 = arith.constant 0.000000e+00 : f32
        %ge3A_796 = vector.broadcast %ge3A_795 : f32 to vector<16xf32>
        %ge3A_797 = arith.cmpf oge, %get3A_704, %ge3A_796 : vector<16xf32>
        %and3A_798 = arith.andi %ge3A_794, %ge3A_797 : vector<16xi1>
        %mul3A_799 = arith.constant 0.949999988 : f32
        %mul3A_800 = vector.broadcast %mul3A_799 : f32 to vector<16xf32>
        %mul3A_801 = arith.mulf %get3A_706, %mul3A_800 : vector<16xf32>
        %max3A_802 = arith.maximumf %mul3A_801, %get3A_704 : vector<16xf32>
        %select_n3A_803 = arith.select %and3A_798, %max3A_802, %get3A_706 : vector<16xi1>, vector<16xf32>
        %add3A_804 = arith.constant 64 : i32
        %add3A_805 = arith.addi %multiple_of3A_671, %add3A_804 : i32
        %swap3A_806 = arith.index_cast %add3A_805 : i32 to index
        %swap3A_807 = tpu.vector_load %arg14[%swap3A_806] {strides = array<i32>} : memref<4096xf32, #tpu.memory_space<vmem>>, vector<16xf32>,
        tpu.vector_store %arg14[%swap3A_806], %select_n3A_803 {strides = array<i32>} : memref<4096xf32, #tpu.memory_space<vmem>>, vector<16xf32>,
        %ge3A_808 = arith.constant 0.000000e+00 : f32
        %ge3A_809 = vector.broadcast %ge3A_808 : f32 to vector<16xf32>
        %ge3A_810 = arith.cmpf oge, %get3A_713, %ge3A_809 : vector<16xf32>
        %ge3A_811 = arith.constant 0.000000e+00 : f32
        %ge3A_812 = vector.broadcast %ge3A_811 : f32 to vector<16xf32>
        %ge3A_813 = arith.cmpf oge, %get3A_711, %ge3A_812 : vector<16xf32>
        %and3A_814 = arith.andi %ge3A_810, %ge3A_813 : vector<16xi1>
        %mul3A_815 = arith.constant 0.949999988 : f32
        %mul3A_816 = vector.broadcast %mul3A_815 : f32 to vector<16xf32>
        %mul3A_817 = arith.mulf %get3A_713, %mul3A_816 : vector<16xf32>
        %max3A_818 = arith.maximumf %mul3A_817, %get3A_711 : vector<16xf32>
        %select_n3A_819 = arith.select %and3A_814, %max3A_818, %get3A_713 : vector<16xi1>, vector<16xf32>
        %add3A_820 = arith.constant 80 : i32
        %add3A_821 = arith.addi %multiple_of3A_671, %add3A_820 : i32
        %swap3A_822 = arith.index_cast %add3A_821 : i32 to index
        %swap3A_823 = tpu.vector_load %arg14[%swap3A_822] {strides = array<i32>} : memref<4096xf32, #tpu.memory_space<vmem>>, vector<16xf32>,
        tpu.vector_store %arg14[%swap3A_822], %select_n3A_819 {strides = array<i32>} : memref<4096xf32, #tpu.memory_space<vmem>>, vector<16xf32>,
        %ge3A_824 = arith.constant 0.000000e+00 : f32
        %ge3A_825 = vector.broadcast %ge3A_824 : f32 to vector<16xf32>
        %ge3A_826 = arith.cmpf oge, %get3A_720, %ge3A_825 : vector<16xf32>
        %ge3A_827 = arith.constant 0.000000e+00 : f32
        %ge3A_828 = vector.broadcast %ge3A_827 : f32 to vector<16xf32>
        %ge3A_829 = arith.cmpf oge, %get3A_718, %ge3A_828 : vector<16xf32>
        %and3A_830 = arith.andi %ge3A_826, %ge3A_829 : vector<16xi1>
        %mul3A_831 = arith.constant 0.949999988 : f32
        %mul3A_832 = vector.broadcast %mul3A_831 : f32 to vector<16xf32>
        %mul3A_833 = arith.mulf %get3A_720, %mul3A_832 : vector<16xf32>
        %max3A_834 = arith.maximumf %mul3A_833, %get3A_718 : vector<16xf32>
        %select_n3A_835 = arith.select %and3A_830, %max3A_834, %get3A_720 : vector<16xi1>, vector<16xf32>
        %add3A_836 = arith.constant 96 : i32
        %add3A_837 = arith.addi %multiple_of3A_671, %add3A_836 : i32
        %swap3A_838 = arith.index_cast %add3A_837 : i32 to index
        %swap3A_839 = tpu.vector_load %arg14[%swap3A_838] {strides = array<i32>} : memref<4096xf32, #tpu.memory_space<vmem>>, vector<16xf32>,
        tpu.vector_store %arg14[%swap3A_838], %select_n3A_835 {strides = array<i32>} : memref<4096xf32, #tpu.memory_space<vmem>>, vector<16xf32>,
        %ge3A_840 = arith.constant 0.000000e+00 : f32
        %ge3A_841 = vector.broadcast %ge3A_840 : f32 to vector<16xf32>
        %ge3A_842 = arith.cmpf oge, %get3A_727, %ge3A_841 : vector<16xf32>
        %ge3A_843 = arith.constant 0.000000e+00 : f32
        %ge3A_844 = vector.broadcast %ge3A_843 : f32 to vector<16xf32>
        %ge3A_845 = arith.cmpf oge, %get3A_725, %ge3A_844 : vector<16xf32>
        %and3A_846 = arith.andi %ge3A_842, %ge3A_845 : vector<16xi1>
        %mul3A_847 = arith.constant 0.949999988 : f32
        %mul3A_848 = vector.broadcast %mul3A_847 : f32 to vector<16xf32>
        %mul3A_849 = arith.mulf %get3A_727, %mul3A_848 : vector<16xf32>
        %max3A_850 = arith.maximumf %mul3A_849, %get3A_725 : vector<16xf32>
        %select_n3A_851 = arith.select %and3A_846, %max3A_850, %get3A_727 : vector<16xi1>, vector<16xf32>
        %add3A_852 = arith.constant 112 : i32
        %add3A_853 = arith.addi %multiple_of3A_671, %add3A_852 : i32
        %swap3A_854 = arith.index_cast %add3A_853 : i32 to index
        %swap3A_855 = tpu.vector_load %arg14[%swap3A_854] {strides = array<i32>} : memref<4096xf32, #tpu.memory_space<vmem>>, vector<16xf32>,
        tpu.vector_store %arg14[%swap3A_854], %select_n3A_851 {strides = array<i32>} : memref<4096xf32, #tpu.memory_space<vmem>>, vector<16xf32>,
      }
      %scan3A_95 = arith.constant 32 : i32
      %add3A_96 = arith.addi %mul3A_2, %multiple_of3A_81 : i32
      %dma_start3A_97 = tpu.memref_slice %arg5[%add3A_96] : memref<2097152xf32, #tpu.memory_space<hbm>> -> memref<4096xf32, #tpu.memory_space<hbm>>
      %dma_start3A_98 = tpu.memref_slice %arg5[%add3A_96] : memref<2097152xf32, #tpu.memory_space<hbm>> -> memref<4096xf32, #tpu.memory_space<hbm>>
      tpu.enqueue_dma source(%arg14 : memref<4096xf32, #tpu.memory_space<vmem>>) target(%dma_start3A_98 : memref<4096xf32, #tpu.memory_space<hbm>>) target_semaphore(%arg20 : memref<!tpu.dma_semaphore, #tpu.memory_space<semaphore_mem>>)
      %add3A_99 = arith.constant 2 : i32
      %add3A_100 = arith.addi %add3A_78, %add3A_99 : i32
      %lt3A_101 = arith.constant 16 : i32
      %lt3A_102 = arith.cmpi slt, %add3A_100, %lt3A_101 : i32
      %convert_element_type3A_103 = arith.extui %lt3A_102 : i1 to i32
      %cond3A_104 = arith.constant 0 : i32
      %cond3A_105 = arith.cmpi ne, %convert_element_type3A_103, %cond3A_104 : i32
      scf.if %cond3A_105 {
        %add3A_106 = arith.constant 2 : i32
        %add3A_107 = arith.addi %add3A_78, %add3A_106 : i32
        %mul3A_108 = arith.constant 4096 : i32
        %mul3A_109 = arith.muli %add3A_107, %mul3A_108 : i32
        %multiple_of3A_110 = tpu.assume_multiple %mul3A_109, 4096 : i32
        %add3A_111 = arith.addi %mul3A_2, %multiple_of3A_110 : i32
        %dma_start3A_112 = tpu.memref_slice %arg2[%add3A_111] : memref<2097152xf32, #tpu.memory_space<hbm>> -> memref<4096xf32, #tpu.memory_space<hbm>>
        %dma_start3A_113 = tpu.memref_slice %arg2[%add3A_111] : memref<2097152xf32, #tpu.memory_space<hbm>> -> memref<4096xf32, #tpu.memory_space<hbm>>
        tpu.enqueue_dma source(%dma_start3A_113 : memref<4096xf32, #tpu.memory_space<hbm>>) target(%arg12 : memref<4096xf32, #tpu.memory_space<vmem>>) target_semaphore(%arg18 : memref<!tpu.dma_semaphore, #tpu.memory_space<semaphore_mem>>)
      } else {
      }
    }
    %scan3A_40 = arith.constant 8 : i32
    %dma_wait3A = arith.constant 0 : i32
    %dma_wait3A_41 = tpu.memref_slice %arg5[%dma_wait3A] : memref<2097152xf32, #tpu.memory_space<hbm>> -> memref<4096xf32, #tpu.memory_space<hbm>>
    %dma_wait3A_42 = arith.constant 0 : i32
    %dma_wait3A_43 = tpu.memref_slice %arg5[%dma_wait3A_42] : memref<2097152xf32, #tpu.memory_space<hbm>> -> memref<4096xf32, #tpu.memory_space<hbm>>
    tpu.wait_dma2 semaphore(%arg19 : memref<!tpu.dma_semaphore, #tpu.memory_space<semaphore_mem>>) src(%arg13 : memref<4096xf32, #tpu.memory_space<vmem>>) dst(%dma_wait3A_43 : memref<4096xf32, #tpu.memory_space<hbm>>)
    %dma_wait3A_44 = arith.constant 0 : i32
    %dma_wait3A_45 = tpu.memref_slice %arg5[%dma_wait3A_44] : memref<2097152xf32, #tpu.memory_space<hbm>> -> memref<4096xf32, #tpu.memory_space<hbm>>
    %dma_wait3A_46 = arith.constant 0 : i32
    %dma_wait3A_47 = tpu.memref_slice %arg5[%dma_wait3A_46] : memref<2097152xf32, #tpu.memory_space<hbm>> -> memref<4096xf32, #tpu.memory_space<hbm>>
    tpu.wait_dma2 semaphore(%arg20 : memref<!tpu.dma_semaphore, #tpu.memory_space<semaphore_mem>>) src(%arg14 : memref<4096xf32, #tpu.memory_space<vmem>>) dst(%dma_wait3A_47 : memref<4096xf32, #tpu.memory_space<hbm>>)
    return
  }
}

</mosaic_0001>

<sc_bundles>
// kernel: _run.3.cloned.1.call-start
scs
__scs_entry_jumppad:
0x0: {  	(pc) =	sbr.rel $0x88, $3  }
0x1: {  	(tag) =	ssettag $0x0;
	lr =	simm.s32 $0x1  }
0x2: {  	[smem:$0x3F9E] =	sst lr;
	_ =	strace $0xD0000000  }
0x3: {  	_ = 	snop  }
0x4: {  	_ = 	snop  }
0x5: {  	_ = 	snop  }
0x6: {  	_ = 	snop  }
0x7: {  	_ = 	snop  }
__scs_overlays_trampoline_lowered:
0x8: {  	[smem:$0x3FAD] =	sst s0  }
0x9: {  	[smem:$0x3FAE] =	sst s1  }
0xa: {  	[smem:$0x3FAF] =	sst s2  }
0xb: {  	[smem:$0x3FB0] =	sst s3  }
0xc: {  	[smem:$0x3FB1] =	sst s4  }
0xd: {  	[smem:$0x3FB2] =	sst s5  }
0xe: {  	[smem:$0x3FB3] =	sst s6  }
0xf: {  	[smem:$0x3FB4] =	sst s7  }
0x10: {  	[smem:$0x3FB5] =	sst s8  }
0x11: {  	[smem:$0x3FB6] =	sst s9;
	s0 =	simm.s32 @!p0 $0x0  }
0x12: {  	s1 =	sld [smem:$0x3F9C];
	s0 =	simm.s32 @p0 $0x1  }
0x13: {  	[smem:$0x3FB7] =	sst s0;
	s0 =	simm.s32 @!p1 $0x0  }
0x14: {  	s2 =	sld [smem:$0x3F9B];
	s0 =	simm.s32 @p1 $0x1  }
0x15: {  	[smem:$0x3FB8] =	sst s0;
	s0 =	simm.s32 @!p2 $0x0  }
0x16: {  	s3 =	sld [smem:$0x3FDB];
	s0 =	simm.s32 @p2 $0x1  }
0x17: {  	s4 =	simm.s32 $0x1BF5;
	[smem:$0x3FBA] =	sst s0  }
0x18: {  	s0 =	sld [smem:$0x3F9D];
	_ =	swait.ge [sflag:s4], $0x0  }
0x19: {  	s7 =	sld [smem:$0x3F9E]  }
0x1a: {  	s8 =	sadd.s32 $0xFFFFE003, lr  }
0x1b: {  	s9 =	sadd.s32 $0xFFFFFEF7, lr;
	s5 =	simm.s32 $0xFFFFFFFF;
	p2 =	slt.u32 s8, $0xFFFFF086  }
0x1c: {  	p1 =	slt.u32 s9, $0xF7A;
	s5 =	simm.s32 @!p2 $0x0  }
0x1d: {  	s5 =	simm.s32 @p1 $0x1;
	p0 =	seq.s32 s7, s2  }
0x1e: {  	s7 =	smul.u32 @!p0 $0xF7A, s2;
	p2 =	seq.s32 @!p0 s5, $0x0  }
0x1f: {  	s9 =	smul.u32 $0xF7A, s1;
	s8 =	simm.s32 @!p0 $0x1BF5;
	p2 =	por !p2, p0  }
0x20: {  	[sflag:s8] =	ssyncset.s32 @!p0 $0xFFFFF086;
	s6 =	sadd.s32 @!p0 s3, s7;
	s7 =	simm.s32 @!p0 $0x108  }
0x21: {  	s3 =	sadd.s32 s3, s9;
	s6 =	sadd.s32 @!p0 $0x88, s6;
	s7 =	simm.s32 @p2 $0x1082  }
0x22: {  	[simem:s7], [sflag:s8] =	dma.local @!p0 [hbm:s6], $0xF7A  }
0x23: {  	s9 =	sor.u32 $0xD0000000, s2;
	s6 =	simm.s32 $0x108;
	_ =	swait.ge @!p0 [sflag:s8], $0x0  }
0x24: {  	s3 =	sadd.s32 $0x88, s3;
	s6 =	simm.s32 @!p1 $0x1082;
	[sflag:s4] =	ssyncset.s32 $0xFFFFF086  }
0x25: {  	[simem:s6], [sflag:s4] =	dma.local [hbm:s3], $0xF7A  }
0x26: {  	[smem:$0x3F9E] =	sst s1;
	(tag) =	ssettag s2;
	_ =	strace s9  }
0x27: {  	s1 =	sld [smem:$0x3FAE]  }
0x28: {  	s2 =	sld [smem:$0x3FAF]  }
0x29: {  	s4 =	sld [smem:$0x3FB1]  }
0x2a: {  	p0 =	seq.s32 s5, $0x0;
	s5 =	sld [smem:$0x3FB2]  }
0x2b: {  	s6 =	sld [smem:$0x3FB3]  }
0x2c: {  	s7 =	sld [smem:$0x3FB4]  }
0x2d: {  	s3 =	simm.s32 $0x108;
	s8 =	sld [smem:$0x3FB5]  }
0x2e: {  	s3 =	simm.s32 @!p0 $0x1082;
	s9 =	sld [smem:$0x3FB6]  }
0x2f: {  	lr =	sadd.s32 s0, s3;
	s0 =	sld [smem:$0x3FAD]  }
0x30: {  	s3 =	sld [smem:$0x3FB0]  }
0x31: {  	[smem:$0x3FB9] =	sst s10  }
0x32: {  	s10 =	sld [smem:$0x3FB7];
	_ =	sdelay $0x3  }
0x33: {  	p0 =	seq.s32 s10, $0x1;
	s10 =	sld [smem:$0x3FB9];
	_ =	sdelay $0x3  }
0x34: {  	[smem:$0x3FB9] =	sst s10  }
0x35: {  	s10 =	sld [smem:$0x3FB8];
	_ =	sdelay $0x3  }
0x36: {  	p1 =	seq.s32 s10, $0x1;
	s10 =	sld [smem:$0x3FB9];
	_ =	sdelay $0x3  }
0x37: {  	[smem:$0x3FB9] =	sst s10  }
0x38: {  	s10 =	sld [smem:$0x3FBA]  }
0x39: {  	_ = 	snop;
	(pc) =	sbr.ind lr, $3  }
0x3a: {  	_ = 	snop  }
0x3b: {  	_ = 	snop  }
0x3c: {  	p2 =	seq.s32 s10, $0x1;
	s10 =	sld [smem:$0x3FB9]  }
0x3d: {  	_ =	shalt  }
0x3e: {  	_ =	shalt  }
0x3f: {  	_ =	shalt  }
0x40: {  	_ =	shalt  }
0x41: {  	_ =	shalt  }
0x42: {  	_ =	shalt  }
0x43: {  	_ =	shalt  }
0x44: {  	_ =	shalt  }
0x45: {  	_ =	shalt  }
0x46: {  	_ =	shalt  }
0x47: {  	_ =	shalt  }
0x48: {  	_ =	shalt  }
0x49: {  	_ =	shalt  }
0x4a: {  	_ =	shalt  }
0x4b: {  	_ =	shalt  }
0x4c: {  	_ =	shalt  }
0x4d: {  	_ =	shalt  }
0x4e: {  	_ =	shalt  }
0x4f: {  	_ =	shalt  }
0x50: {  	_ =	shalt  }
0x51: {  	_ =	shalt  }
0x52: {  	_ =	shalt  }
0x53: {  	_ =	shalt  }
0x54: {  	_ =	shalt  }
0x55: {  	_ =	shalt  }
0x56: {  	_ =	shalt  }
0x57: {  	_ =	shalt  }
0x58: {  	_ =	shalt  }
0x59: {  	_ =	shalt  }
0x5a: {  	_ =	shalt  }
0x5b: {  	_ =	shalt  }
0x5c: {  	_ =	shalt  }
0x5d: {  	_ =	shalt  }
0x5e: {  	_ =	shalt  }
0x5f: {  	_ =	shalt  }
0x60: {  	_ =	shalt  }
0x61: {  	_ =	shalt  }
0x62: {  	_ =	shalt  }
0x63: {  	_ =	shalt  }
0x64: {  	_ =	shalt  }
0x65: {  	_ =	shalt  }
0x66: {  	_ =	shalt  }
0x67: {  	_ =	shalt  }
0x68: {  	_ =	shalt  }
0x69: {  	_ =	shalt  }
0x6a: {  	_ =	shalt  }
0x6b: {  	_ =	shalt  }
0x6c: {  	_ =	shalt  }
0x6d: {  	_ =	shalt  }
0x6e: {  	_ =	shalt  }
0x6f: {  	_ =	shalt  }
0x70: {  	_ =	shalt  }
0x71: {  	_ =	shalt  }
0x72: {  	_ =	shalt  }
0x73: {  	_ =	shalt  }
0x74: {  	_ =	shalt  }
0x75: {  	_ =	shalt  }
0x76: {  	_ =	shalt  }
0x77: {  	_ =	shalt  }
0x78: {  	_ =	shalt  }
0x79: {  	_ =	shalt  }
0x7a: {  	_ =	shalt  }
0x7b: {  	_ =	shalt  }
0x7c: {  	_ =	shalt  }
0x7d: {  	_ =	shalt  }
0x7e: {  	_ =	shalt  }
0x7f: {  	_ =	shalt  }
0x80: {  	_ =	shalt  }
0x81: {  	_ =	shalt  }
0x82: {  	_ =	shalt  }
0x83: {  	_ =	shalt  }
0x84: {  	_ =	shalt  }
0x85: {  	_ =	shalt  }
0x86: {  	_ =	shalt  }
0x87: {  	_ =	shalt  }
.Lfunc_end0:
.L_simem_size_0:
called_computation_lowered:
.L_overlay_start_0:
0x88: {  	s2 =	sld [smem:$0x3FD9]  }
0x89: {  	s3 =	sld [smem:$0x3FFE];
	_ =	sdelay $0x1  }
0x8a: {  	s1 =	srdreg.scid  }
0x8b: {  	s0 =	sand.u32 $0x1, s1  }
0x8c: {  	s18 =	sshll.u32 s0, $0xA;
	s2 =	sadd.s32 s3, s2  }
0x8d: {  	s2 =	sadd.s32 s2, s18  }
0x8e: {  	[smem:$0x3FC5] =	sst s2  }
0x8f: {  	_ = 	snop  }
0x90: {  	s2 =	sld [smem:$0x3FC9]  }
0x91: {  	s19 =	sld [smem:$0x3FC8]  }
0x92: {  	s4 =	sld [smem:$0x3FC7]  }
0x93: {  	s5 =	sld [smem:$0x3FD0];
	(tm) =	ssettm $0x1  }
0x94: {  	s6 =	sld [smem:$0x3FFB];
	_ =	sdelay $0x3  }
0x95: {  	_ =	strace s6  }
0x96: {  	s6 =	sld [smem:$0x3FFC];
	_ =	sdelay $0x3  }
0x97: {  	_ =	strace s6  }
0x98: {  	s6 =	sld [smem:$0x3FFD];
	_ =	sdelay $0x3  }
0x99: {  	_ =	strace s6  }
0x9a: {  	_ =	strace $0x8FFFFFFF  }
0x9b: {  	s20 =	sld [smem:$0x3FDB];
	_ =	sdelay $0x1  }
0x9c: {  	s7 =	simm.s32 $_scs_section_size  }
0x9d: {  	s8 =	simm.s32 $_size__tile_overlayer_lowered;
	s9 =	simm.s32 $_tile_overlayer_lowered  }
0x9e: {  	s23 =	simm.s32 $0x1BFF;
	s22 =	sshll.u32 s9, $0x1;
	s6 =	sadd.s32 s7, s20  }
0x9f: {  	s10 =	simm.s32 $0x0;
	s21 =	sshll.u32 s8, $0x1;
	s8 =	sadd.s32 s22, s6  }
0xa0: {  	[timem:s10], [sflag:s23] =	dma.local [hbm:s8], s21  }
0xa1: {  	_ =	swait.ge [sflag:s23], s21  }
0xa2: {  	s7 =	ssub.s32 $0x0, s21;
	[sflag:s23] =	ssyncset.done $0x0  }
0xa3: {  	[sflag:s23] =	ssyncadd.s32 s7;
	_ =	sdelay $0x1  }
0xa4: {  	s24 =	simm.s32 $0x1B8B  }
0xa5: {  	_ =	swait.ge [sflag:s24], $0x1  }
0xa6: {  	[sflag:s24] =	ssyncset.done $0x0  }
0xa7: {  	s25 =	simm.s32 $0x1B8E;
	[sflag:s24] =	ssyncadd.s32 $0xFFFFFFFF  }
0xa8: {  	s26 =	simm.s32 $execute0_lowered;
	[smem:$0x3FD2] =	sst s25  }
0xa9: {  	s7 =	sshll.u32 s26, $0x1;
	_ =	strace $0x80000046;
	[dreg:$0x1] =	wrdreg $0xFFFFFFFF  }
0xaa: {  	s28 =	simm.s32 $_size_execute0_lowered;
	s6 =	sadd.s32 s6, s7;
	[dreg:$0x0] =	wrdreg $0x0  }
0xab: {  	s7 =	sshll.u32 s28, $0x1;
	[dreg:$0x2] =	wrdreg s6  }
0xac: {  	[dreg:$0x3] =	wrdreg s7  }
0xad: {  	[dreg:$0x4] =	wrdreg $0xC0  }
0xae: {  	_ =	task [dreg:s10], $0x5FFFF  }
0xaf: {  	[dreg:$0x1] =	wrdreg $0xFFFFFFFF  }
0xb0: {  	[dreg:$0x0] =	wrdreg $0x60  }
0xb1: {  	[dreg:$0x2] =	wrdreg s2  }
0xb2: {  	[dreg:$0x3] =	wrdreg s19  }
0xb3: {  	[dreg:$0x4] =	wrdreg s4  }
0xb4: {  	[dreg:$0x5] =	wrdreg s5  }
0xb5: {  	[dreg:$0x6] =	wrdreg $0x9  }
0xb6: {  	_ =	task.clear_ibuf [dreg:s10], $0x7FFFF;
	_ =	strace $0x90000046  }
0xb7: {  	s29 =	simm.s32 $0x9;
	_ =	strace $0x80000048  }
0xb8: {  	_ =	swait.ge [sflag:s29], $0x1  }
0xb9: {  	[sflag:s29] =	ssyncadd.s32 $0xFFFFFFFF  }
0xba: {  	_ =	strace $0x90000048  }
0xbb: {  	_ =	sfence  }
0xbc: {  	s30 =	sld [smem:$0x0];
	_ =	sdelay $0x2  }
0xbd: {  	s31 =	sshll.u32 s1, $0xD;
	s1 =	sshrl.u32 s1, $0x2  }
0xbe: {  	s3 =	sand.u32 $0x4000, s31;
	s1 =	sadd.s32 s1, s30  }
0xbf: {  	s0 =	sor.u32 s3, s0;
	s1 =	sshll.u32 s1, $0x11  }
0xc0: {  	s0 =	sor.u32 s1, s0  }
0xc1: {  	s0 =	sadd.s32 $0x8F2B, s0  }
0xc2: {  	[sflag:s0] =	ssyncadd.remote.s32 $0x1  }
0xc3: {  	_ =	sfence.sel $0xFFFF  }
0xc4: {  	[dreg:$0x0] =	wrdreg $0xFFFFFFFF;
	(pc) =	sbr.abs _section_cstart, $3  }
0xc5: {  	[dreg:$0x1] =	wrdreg $0xFFFFFFFF  }
0xc6: {  	_ =	task.clear_ibuf [dreg:s10], $0x2FFFF;
	_ =	strace $0x9FFFFFFF  }
0xc7: {  	(tm) =	ssettm $0x7FFFFFFF  }
tec
execute0_lowered:
.L_overlay_start_1:
0x0: {  	(tag) =	ssettag $0x1  }
0x1: {  	s0 =	rddreg [dreg:$0x0]  }
0x2: {  	s3 =	rddreg [dreg:$0x1]  }
0x3: {  	s4 =	rddreg [dreg:$0x2];
	s1 =	srdreg.scid  }
0x4: {  	s5 =	rddreg [dreg:$0x3];
	s6 =	stileid.u32;
	s17 =	simm.s32 $0x14000  }
0x5: {  	s18 =	simm.s32 $0x16000;
	s19 =	simm.s32 $0x1;
	s20 =	simm.s32 $0x2  }
0x6: {  	s22 =	simm.s32 $0x19000;
	s23 =	simm.s32 $0x3;
	s28 =	simm.s32 $0x5  }
0x7: {  	s29 =	simm.s32 $0x6;
	s30 =	simm.s32 $0x0;
	s1 =	sand.u32 $0x1, s1  }
0x8: {  	s7 =	sshll.u32 s6, $0x10;
	s6 =	simm.s32 $0x0;
	s25 =	sadd.s32 $0x400, s3  }
0x9: {  	s26 =	sadd.s32 $0x400, s4;
	s2 =	sshll.u32 s1, $0x14;
	s1 =	ssub.s32 $0x2, s1  }
0xa: {  	[smem:$0x7FF] =	sst s6;
	s7 =	sor.u32 s7, s2;
	s24 =	sshrl.u32 s1, $0x1  }
.Ltmp0:
0xb: {  	_ =	strace $0x80000047;
	[dreg:$0x5] =	wrdreg s25;
	(pc) =	sbr.rel .LBB2_1-.Ltmp0, $4  }
0xc: {  	[dreg:$0x6] =	wrdreg s26;
	s25 =	simm.s32 $0x4;
	s8 =	sshrl.u32 s7, $0x3  }
0xd: {  	s26 =	simm.s32 $0x1B000;
	s1 =	ssub.s32 s1, s24;
	s8 =	sadd.s32 s0, s8  }
0xe: {  	s12 =	sor.u32 $0x2000, s7;
	s13 =	sor.u32 $0x3000, s7;
	s31 =	sadd.s32 $0x200, s8  }
0xf: {  	v1 =	vimm.f32 $-1.000000000e+00;
	s24 =	simm.s32 $0x1A000;
	v0 =	vmov s7;
	s14 =	smax.u32 s1, $0x1;
	[dreg:$0x7] =	wrdreg s31  }
.LBB2_17:
0x10: {  	s30 =	sadd.s32 $0x1, s30  }
0x11: {  	_ =	swait.ge [sflag:s28], $0x1000;
	p0 =	sne.s32 s30, s14  }
.Ltmp1:
0x12: {  	[sflag:s28] =	ssyncset.done $0x0;
	(pc) =	sbr.rel @!p0 .LBB2_18-.Ltmp1, $4  }
0x13: {  	[sflag:s28] =	ssyncadd.s32 $0xFFFFF000  }
0x14: {  	_ =	swait.ge [sflag:s29], $0x1000  }
0x15: {  	[sflag:s29] =	ssyncset.done $0x0  }
0x16: {  	[sflag:s29] =	ssyncadd.s32 $0xFFFFF000  }
.LBB2_1:
0x17: {  	s1 =	simm.s32 $0x10000  }
0x18: {  	[tilespmem:s1], [sflag:$0x1] =	stream.linear.gather [hbm4b:s3+s6], $0x2000, $0x38;
	[tilespmem:$0x1C000] =	vst v63  }
0x19: {  	s16 =	simm.s32 $0x12000  }
0x1a: {  	[tilespmem:s16], [sflag:$0x1] =	stream.linear.gather [hbm4b:s4+s6], $0x2000, $0x38;
	[tilespmem:$0x1C000] =	vst v63  }
0x1b: {  	s21 =	rddreg [dreg:$0x5]  }
0x1c: {  	[tilespmem:s17], [sflag:$0x2] =	stream.linear.gather [hbm4b:s21+s6], $0x2000, $0x38;
	[tilespmem:$0x1C000] =	vst v63  }
0x1d: {  	s31 =	rddreg [dreg:$0x6];
	s1 =	simm.s32 $0x40  }
0x1e: {  	[tilespmem:s18], [sflag:$0x2] =	stream.linear.gather [hbm4b:s31+s6], $0x2000, $0x38;
	[tilespmem:$0x1C000] =	vst v63  }
0x1f: {  	[tilespmem:s1+$0xFFFFFFC0] =	vst v1  }
0x20: {  	[tilespmem:s1+$0x30] =	vst v1  }
0x21: {  	[tilespmem:s1+$0x20] =	vst v1  }
0x22: {  	[tilespmem:s1+$0x10] =	vst v1  }
0x23: {  	[tilespmem:s1+$0x0] =	vst v1  }
0x24: {  	[tilespmem:s1+$0xFFFFFFF0] =	vst v1  }
0x25: {  	s2 =	simm.s32 $0x0;
	[tilespmem:s1+$0xFFFFFFE0] =	vst v1  }
.LBB2_2:
0x26: {  	s2 =	sadd.s32 $0x8, s2;
	[tilespmem:s1+$0xFFFFFFD0] =	vst v1;
	s1 =	sadd.s32 $0x80, s1  }
0x27: {  	[tilespmem:s1+$0xFFFFFFC0] =	vst v1;
	p0 =	slt.u32 s2, $0xFF8  }
0x28: {  	[tilespmem:s1+$0x30] =	vst v1  }
.Ltmp2:
0x29: {  	[tilespmem:s1+$0x20] =	vst v1;
	(pc) =	sbr.rel @p0 .LBB2_2-.Ltmp2, $4  }
0x2a: {  	[tilespmem:s1+$0x10] =	vst v1  }
0x2b: {  	[tilespmem:s1+$0x0] =	vst v1  }
0x2c: {  	[tilespmem:s1+$0xFFFFFFF0] =	vst v1  }
0x2d: {  	[tilespmem:s1+$0xFFFFFFE0] =	vst v1  }
0x2e: {  	[tilespmem:s1+$0xFFFFFFD0] =	vst v1;
	s1 =	simm.s32 $0x0  }
.LBB2_4:
0x2f: {  	_ =	swait.ge [sflag:s19], $0x2000  }
0x30: {  	[sflag:s19] =	ssyncset.done $0x0  }
0x31: {  	[sflag:s19] =	ssyncadd.s32 $0xFFFFE000  }
0x32: {  	_ =	swait.ge [sflag:s19], $0x2000  }
0x33: {  	s2 =	simm.s32 $0xFFFFFFFE;
	[sflag:s19] =	ssyncset.done $0x0  }
0x34: {  	s9 =	simm.s32 $0x10100;
	s10 =	simm.s32 $0x12100;
	[sflag:s19] =	ssyncadd.s32 $0xFFFFE000  }
.LBB2_5:
0x35: {  	v2 =	vld [tilespmem:s9+$0xFFFFFF00]  }
0x36: {  	v3 =	vld [tilespmem:s10+$0xFFFFFF00]  }
0x37: {  	v4 =	vld [tilespmem:s9+$0xFFFFFF10]  }
0x38: {  	v5 =	vld [tilespmem:s10+$0xFFFFFF10]  }
0x39: {  	v6 =	vld [tilespmem:s9+$0xFFFFFF20]  }
0x3a: {  	v7 =	vld [tilespmem:s10+$0xFFFFFF20]  }
0x3b: {  	v8 =	vld [tilespmem:s9+$0xFFFFFF30]  }
0x3c: {  	v9 =	vld [tilespmem:s10+$0xFFFFFF30]  }
0x3d: {  	v10 =	vld [tilespmem:s9+$0xFFFFFF40]  }
0x3e: {  	v12 =	vld [tilespmem:s9+$0xFFFFFF50]  }
0x3f: {  	v14 =	vld [tilespmem:s9+$0xFFFFFF60]  }
0x40: {  	v16 =	vld [tilespmem:s9+$0xFFFFFF70]  }
0x41: {  	v19 =	vld [tilespmem:s9+$0xFFFFFF80]  }
0x42: {  	v38 =	vld [tilespmem:s9+$0xFFFFFF90]  }
0x43: {  	v24 =	vld [tilespmem:s9+$0xFFFFFFA0];
	v18 =	vsub.s32 v2, v0  }
0x44: {  	v27 =	vld [tilespmem:s9+$0xFFFFFFB0];
	v2 =	vand.u32 $0x7F, v2;
	v21 =	vsub.s32 v4, v0;
	v4 =	vand.u32 $0x7F, v4  }
0x45: {  	v28 =	vld [tilespmem:s9+$0xFFFFFFC0];
	v40 =	vsub.s32 v6, v0;
	v6 =	vand.u32 $0x7F, v6;
	v42 =	vsub.s32 v8, v0  }
0x46: {  	v49 =	vld [tilespmem:s9+$0xFFFFFFD0];
	v8 =	vand.u32 $0x7F, v8;
	v26 =	vsub.s32 v10, v0;
	v10 =	vand.u32 $0x7F, v10  }
0x47: {  	v50 =	vld [tilespmem:s9+$0xFFFFFFE0];
	v46 =	vsub.s32 v12, v0;
	v12 =	vand.u32 $0x7F, v12;
	v48 =	vsub.s32 v14, v0  }
0x48: {  	v11 =	vld [tilespmem:s10+$0xFFFFFF40];
	v14 =	vand.u32 $0x7F, v14;
	v31 =	vsub.s32 v16, v0;
	v16 =	vand.u32 $0x7F, v16  }
0x49: {  	v13 =	vld [tilespmem:s10+$0xFFFFFF50];
	v52 =	vsub.s32 v19, v0;
	v19 =	vand.u32 $0x7F, v19;
	v54 =	vsub.s32 v38, v0  }
0x4a: {  	v15 =	vld [tilespmem:s10+$0xFFFFFF60];
	v36 =	vsub.s32 v24, v0;
	v56 =	vand.u32 $0x7F, v24;
	v57 =	vsub.s32 v27, v0  }
0x4b: {  	v17 =	vld [tilespmem:s10+$0xFFFFFF70];
	v59 =	vand.u32 $0x7F, v27;
	v60 =	vsub.s32 v28, v0;
	v62 =	vand.u32 $0x7F, v28  }
0x4c: {  	v22 =	vld [tilespmem:s10+$0xFFFFFF80];
	v63 =	vsub.s32 v49, v0;
	v24 =	vand.u32 $0x7F, v49;
	v28 =	vand.u32 $0x7F, v50  }
0x4d: {  	v23 =	vld [tilespmem:s10+$0xFFFFFF90];
	v20 =	vand.u32 $0xFFFFFF80, v18;
	vm1 =	vlt.u32 v18, $0x10000;
	vm0 =	vlt.u32 v21, $0x10000  }
0x4e: {  	v43 =	vld [tilespmem:s10+$0xFFFFFFA0];
	v39 =	vand.u32 $0xFFFFFF80, v21;
	v41 =	vand.u32 $0xFFFFFF80, v40;
	vm2 =	vlt.u32 v40, $0x10000  }
0x4f: {  	v44 =	vld [tilespmem:s10+$0xFFFFFFB0];
	v25 =	vand.u32 $0xFFFFFF80, v42;
	vm4 =	vlt.u32 v42, $0x10000;
	v2 =	vor.u32 v2, v20  }
0x50: {  	v29 =	vld [tilespmem:s10+$0xFFFFFFC0];
	vm3 =	vlt.u32 v26, $0x10000;
	v45 =	vand.u32 $0xFFFFFF80, v26;
	v4 =	vor.u32 v4, v39  }
0x51: {  	v32 =	vld [tilespmem:s10+$0xFFFFFFD0];
	v47 =	vand.u32 $0xFFFFFF80, v46;
	vm5 =	vlt.u32 v46, $0x10000;
	v6 =	vor.u32 v6, v41  }
0x52: {  	v33 =	vld [tilespmem:s10+$0xFFFFFFE0];
	v30 =	vand.u32 $0xFFFFFF80, v48;
	vm7 =	vlt.u32 v48, $0x10000;
	v8 =	vor.u32 v8, v25  }
0x53: {  	v34 =	vld [tilespmem:s9+$0xFFFFFFF0];
	vm6 =	vlt.u32 v31, $0x10000;
	v51 =	vand.u32 $0xFFFFFF80, v31;
	v10 =	vor.u32 v10, v45  }
0x54: {  	v55 =	vld [tilespmem:s10+$0xFFFFFFF0];
	v53 =	vand.u32 $0xFFFFFF80, v52;
	vm8 =	vlt.u32 v52, $0x10000;
	v12 =	vor.u32 v12, v47;
	[tilespmem:v2+s6+$0x0] =	vst.idx.msk vm1, v3  }
0x55: {  	v35 =	vand.u32 $0xFFFFFF80, v54;
	v18 =	vand.u32 $0x7F, v38;
	v14 =	vor.u32 v14, v30;
	[tilespmem:v4+s6+$0x0] =	vst.idx.msk vm0, v5  }
0x56: {  	vm9 =	vlt.u32 v54, $0x10000;
	vm15 =	vlt.u32 v36, $0x10000;
	v16 =	vor.u32 v16, v51;
	[tilespmem:v6+s6+$0x0] =	vst.idx.msk vm2, v7  }
0x57: {  	v58 =	vand.u32 $0xFFFFFF80, v57;
	vm10 =	vlt.u32 v57, $0x10000;
	v19 =	vor.u32 v19, v53;
	[tilespmem:v8+s6+$0x0] =	vst.idx.msk vm4, v9  }
0x58: {  	v61 =	vand.u32 $0xFFFFFF80, v60;
	v2 =	vor.u32 v18, v35;
	v3 =	vand.u32 $0xFFFFFF80, v36;
	[tilespmem:v10+s6+$0x0] =	vst.idx.msk vm3, v11  }
0x59: {  	vm11 =	vlt.u32 v60, $0x10000;
	v26 =	vsub.s32 v50, v0;
	v3 =	vor.u32 v56, v3;
	[tilespmem:v12+s6+$0x0] =	vst.idx.msk vm5, v13  }
0x5a: {  	vm12 =	vlt.u32 v63, $0x10000;
	v27 =	vand.u32 $0xFFFFFF80, v26;
	v4 =	vor.u32 v59, v58;
	[tilespmem:v14+s6+$0x0] =	vst.idx.msk vm7, v15  }
0x5b: {  	vm13 =	vlt.u32 v26, $0x10000;
	v18 =	vand.u32 $0xFFFFFF80, v63;
	v13 =	vor.u32 v62, v61;
	[tilespmem:v16+s6+$0x0] =	vst.idx.msk vm6, v17  }
0x5c: {  	v30 =	vsub.s32 v34, v0;
	v34 =	vand.u32 $0x7F, v34;
	v6 =	vor.u32 v24, v18;
	[tilespmem:v19+s6+$0x0] =	vst.idx.msk vm8, v22  }
0x5d: {  	vm14 =	vlt.u32 v30, $0x10000;
	v7 =	vor.u32 v28, v27;
	[tilespmem:v2+s6+$0x0] =	vst.idx.msk vm9, v23;
	v2 =	vand.u32 $0xFFFFFF80, v30  }
0x5e: {  	[tilespmem:v3+s6+$0x0] =	vst.idx.msk vm15, v43;
	v2 =	vor.u32 v34, v2  }
0x5f: {  	[tilespmem:v4+s6+$0x0] =	vst.idx.msk vm10, v44  }
0x60: {  	[tilespmem:v13+s6+$0x0] =	vst.idx.msk vm11, v29  }
0x61: {  	[tilespmem:v6+s6+$0x0] =	vst.idx.msk vm12, v32  }
0x62: {  	[tilespmem:v7+s6+$0x0] =	vst.idx.msk vm13, v33  }
0x63: {  	[tilespmem:v2+s6+$0x0] =	vst.idx.msk vm14, v55  }
0x64: {  	v2 =	vld [tilespmem:s9+$0x0]  }
0x65: {  	v3 =	vld [tilespmem:s10+$0x0]  }
0x66: {  	v4 =	vld [tilespmem:s9+$0x10]  }
0x67: {  	v5 =	vld [tilespmem:s10+$0x10]  }
0x68: {  	v6 =	vld [tilespmem:s9+$0x20]  }
0x69: {  	v7 =	vld [tilespmem:s10+$0x20]  }
0x6a: {  	v35 =	vld [tilespmem:s9+$0x30]  }
0x6b: {  	v9 =	vld [tilespmem:s10+$0x30]  }
0x6c: {  	v10 =	vld [tilespmem:s9+$0x40]  }
0x6d: {  	v11 =	vld [tilespmem:s10+$0x40]  }
0x6e: {  	v12 =	vld [tilespmem:s9+$0x50]  }
0x6f: {  	v13 =	vld [tilespmem:s10+$0x50]  }
0x70: {  	v14 =	vld [tilespmem:s9+$0x60]  }
0x71: {  	v16 =	vld [tilespmem:s9+$0x70]  }
0x72: {  	v19 =	vld [tilespmem:s9+$0x80];
	v36 =	vsub.s32 v2, v0  }
0x73: {  	v39 =	vld [tilespmem:s9+$0x90];
	v2 =	vand.u32 $0x7F, v2;
	v38 =	vsub.s32 v4, v0;
	v4 =	vand.u32 $0x7F, v4  }
0x74: {  	v15 =	vld [tilespmem:s10+$0x60];
	v48 =	vsub.s32 v6, v0;
	v6 =	vand.u32 $0x7F, v6;
	v51 =	vsub.s32 v35, v0  }
0x75: {  	v17 =	vld [tilespmem:s10+$0x70];
	v8 =	vand.u32 $0x7F, v35;
	v53 =	vsub.s32 v10, v0;
	v10 =	vand.u32 $0x7F, v10  }
0x76: {  	v22 =	vld [tilespmem:s10+$0x80];
	v56 =	vsub.s32 v12, v0;
	v12 =	vand.u32 $0x7F, v12;
	v59 =	vsub.s32 v14, v0  }
0x77: {  	v23 =	vld [tilespmem:s10+$0x90];
	v14 =	vand.u32 $0x7F, v14;
	v62 =	vsub.s32 v16, v0;
	v16 =	vand.u32 $0x7F, v16  }
0x78: {  	v50 =	vld [tilespmem:s9+$0xA0];
	v41 =	vsub.s32 v19, v0;
	v19 =	vand.u32 $0x7F, v19;
	v44 =	vsub.s32 v39, v0  }
0x79: {  	v21 =	vld [tilespmem:s10+$0xA0];
	v18 =	vand.u32 $0x7F, v39;
	v37 =	vand.u32 $0xFFFFFF80, v36;
	vm15 =	vlt.u32 v36, $0x10000  }
0x7a: {  	v54 =	vld [tilespmem:s9+$0xB0];
	vm0 =	vlt.u32 v38, $0x10000;
	v47 =	vand.u32 $0xFFFFFF80, v38;
	v49 =	vand.u32 $0xFFFFFF80, v48  }
0x7b: {  	v63 =	vld [tilespmem:s9+$0xE0];
	vm2 =	vlt.u32 v48, $0x10000;
	v52 =	vand.u32 $0xFFFFFF80, v51;
	vm4 =	vlt.u32 v51, $0x10000  }
0x7c: {  	v43 =	vld [tilespmem:s9+$0xF0];
	vm12 =	vlt.u32 v53, $0x10000;
	v55 =	vand.u32 $0xFFFFFF80, v53;
	v58 =	vand.u32 $0xFFFFFF80, v56  }
0x7d: {  	v20 =	vld [tilespmem:s10+$0xB0];
	vm13 =	vlt.u32 v56, $0x10000;
	v61 =	vand.u32 $0xFFFFFF80, v59;
	vm7 =	vlt.u32 v59, $0x10000  }
0x7e: {  	v57 =	vld [tilespmem:s9+$0xC0];
	vm6 =	vlt.u32 v62, $0x10000;
	v40 =	vand.u32 $0xFFFFFF80, v62;
	v2 =	vor.u32 v2, v37  }
0x7f: {  	v29 =	vld [tilespmem:s10+$0xC0];
	v42 =	vand.u32 $0xFFFFFF80, v41;
	vm14 =	vlt.u32 v41, $0x10000;
	v4 =	vor.u32 v4, v47  }
0x80: {  	v60 =	vld [tilespmem:s9+$0xD0];
	v46 =	vand.u32 $0xFFFFFF80, v44;
	v59 =	vsub.s32 v63, v0;
	v6 =	vor.u32 v6, v49  }
0x81: {  	v32 =	vld [tilespmem:s10+$0xD0];
	v62 =	vsub.s32 v43, v0;
	v8 =	vor.u32 v8, v52;
	v10 =	vor.u32 v10, v55  }
0x82: {  	v33 =	vld [tilespmem:s10+$0xE0];
	v12 =	vor.u32 v12, v58;
	v14 =	vor.u32 v14, v61;
	v16 =	vor.u32 v16, v40  }
0x83: {  	v45 =	vld [tilespmem:s10+$0xF0];
	v48 =	vand.u32 $0x7F, v50;
	v19 =	vor.u32 v19, v42;
	v47 =	vsub.s32 v50, v0;
	[tilespmem:v2+s6+$0x0] =	vst.idx.msk vm15, v3  }
0x84: {  	v51 =	vand.u32 $0x7F, v54;
	v49 =	vsub.s32 v54, v0;
	v52 =	vsub.s32 v57, v0;
	[tilespmem:v4+s6+$0x0] =	vst.idx.msk vm0, v5  }
0x85: {  	v54 =	vand.u32 $0x7F, v57;
	v55 =	vsub.s32 v60, v0;
	v58 =	vand.u32 $0x7F, v60;
	[tilespmem:v6+s6+$0x0] =	vst.idx.msk vm2, v7  }
0x86: {  	v60 =	vand.u32 $0xFFFFFF80, v59;
	v61 =	vand.u32 $0x7F, v63;
	vm15 =	vlt.u32 v44, $0x10000;
	[tilespmem:v8+s6+$0x0] =	vst.idx.msk vm4, v9  }
0x87: {  	vm10 =	vlt.u32 v47, $0x10000;
	v2 =	vor.u32 v18, v46;
	v3 =	vand.u32 $0xFFFFFF80, v47;
	[tilespmem:v10+s6+$0x0] =	vst.idx.msk vm12, v11  }
0x88: {  	v50 =	vand.u32 $0xFFFFFF80, v49;
	vm11 =	vlt.u32 v49, $0x10000;
	v3 =	vor.u32 v48, v3;
	[tilespmem:v12+s6+$0x0] =	vst.idx.msk vm13, v13  }
0x89: {  	v53 =	vand.u32 $0xFFFFFF80, v52;
	v4 =	vor.u32 v51, v50;
	vm12 =	vlt.u32 v52, $0x10000;
	[tilespmem:v14+s6+$0x0] =	vst.idx.msk vm7, v15  }
0x8a: {  	v57 =	vand.u32 $0xFFFFFF80, v55;
	v56 =	vor.u32 v54, v53;
	vm13 =	vlt.u32 v55, $0x10000;
	[tilespmem:v16+s6+$0x0] =	vst.idx.msk vm6, v17  }
0x8b: {  	v63 =	vand.u32 $0x7F, v43;
	v6 =	vor.u32 v58, v57;
	[tilespmem:v19+s6+$0x0] =	vst.idx.msk vm14, v22;
	vm14 =	vlt.u32 v59, $0x10000  }
0x8c: {  	s2 =	sadd.s32 $0x2, s2;
	v7 =	vor.u32 v61, v60;
	[tilespmem:v2+s6+$0x0] =	vst.idx.msk vm15, v23;
	vm15 =	vlt.u32 v62, $0x10000;
	v2 =	vand.u32 $0xFFFFFF80, v62  }
0x8d: {  	p0 =	slt.u32 s2, $0x1E;
	[tilespmem:v3+s6+$0x0] =	vst.idx.msk vm10, v21;
	v2 =	vor.u32 v63, v2  }
.Ltmp3:
0x8e: {  	[tilespmem:v4+s6+$0x0] =	vst.idx.msk vm11, v20;
	(pc) =	sbr.rel @p0 .LBB2_5-.Ltmp3, $4  }
0x8f: {  	[tilespmem:v56+s6+$0x0] =	vst.idx.msk vm12, v29  }
0x90: {  	[tilespmem:v6+s6+$0x0] =	vst.idx.msk vm13, v32  }
0x91: {  	[tilespmem:v7+s6+$0x0] =	vst.idx.msk vm14, v33  }
0x92: {  	s9 =	sadd.s32 $0x200, s9;
	s10 =	sadd.s32 $0x200, s10;
	[tilespmem:v2+s6+$0x0] =	vst.idx.msk vm15, v45  }
0x93: {  	s2 =	sshll.u32 s1, $0xB;
	p0 =	seq.s32 s1, $0x1F  }
0x94: {  	s9 =	sadd.s32 @!p0 $0x800, s2  }
0x95: {  	s11 =	simm.s32 @!p0 $0x0;
	s15 =	simm.s32 @!p0 $0x10000;
	s10 =	sadd.s32 @!p0 s3, s9  }
0x96: {  	[tilespmem:s15], [sflag:$0x1] =	stream.linear.gather @!p0 [hbm4b:s10+s11], $0x2000, $0x38;
	[tilespmem:$0x1C000] =	vst v63  }
0x97: {  	s9 =	sadd.s32 @!p0 s4, s9;
	s10 =	simm.s32 @!p0 $0x12000  }
0x98: {  	[tilespmem:s10], [sflag:$0x1] =	stream.linear.gather @!p0 [hbm4b:s9+s11], $0x2000, $0x38;
	[tilespmem:$0x1C000] =	vst v63  }
0x99: {  	_ =	swait.ge [sflag:s20], $0x2000  }
0x9a: {  	[sflag:s20] =	ssyncset.done $0x0  }
0x9b: {  	[sflag:s20] =	ssyncadd.s32 $0xFFFFE000  }
0x9c: {  	_ =	swait.ge [sflag:s20], $0x2000  }
0x9d: {  	s9 =	simm.s32 $0xFFFFFFFE;
	[sflag:s20] =	ssyncset.done $0x0  }
0x9e: {  	s10 =	simm.s32 $0x14100;
	s11 =	simm.s32 $0x16100;
	[sflag:s20] =	ssyncadd.s32 $0xFFFFE000  }
.LBB2_7:
0x9f: {  	v2 =	vld [tilespmem:s10+$0xFFFFFF00]  }
0xa0: {  	v3 =	vld [tilespmem:s11+$0xFFFFFF00]  }
0xa1: {  	v4 =	vld [tilespmem:s10+$0xFFFFFF10]  }
0xa2: {  	v5 =	vld [tilespmem:s11+$0xFFFFFF10]  }
0xa3: {  	v6 =	vld [tilespmem:s10+$0xFFFFFF20]  }
0xa4: {  	v7 =	vld [tilespmem:s11+$0xFFFFFF20]  }
0xa5: {  	v8 =	vld [tilespmem:s10+$0xFFFFFF30]  }
0xa6: {  	v9 =	vld [tilespmem:s11+$0xFFFFFF30]  }
0xa7: {  	v10 =	vld [tilespmem:s10+$0xFFFFFF40]  }
0xa8: {  	v12 =	vld [tilespmem:s10+$0xFFFFFF50]  }
0xa9: {  	v14 =	vld [tilespmem:s10+$0xFFFFFF60]  }
0xaa: {  	v16 =	vld [tilespmem:s10+$0xFFFFFF70]  }
0xab: {  	v19 =	vld [tilespmem:s10+$0xFFFFFF80]  }
0xac: {  	v38 =	vld [tilespmem:s10+$0xFFFFFF90]  }
0xad: {  	v24 =	vld [tilespmem:s10+$0xFFFFFFA0];
	v18 =	vsub.s32 v2, v0  }
0xae: {  	v27 =	vld [tilespmem:s10+$0xFFFFFFB0];
	v2 =	vand.u32 $0x7F, v2;
	v21 =	vsub.s32 v4, v0;
	v4 =	vand.u32 $0x7F, v4  }
0xaf: {  	v28 =	vld [tilespmem:s10+$0xFFFFFFC0];
	v40 =	vsub.s32 v6, v0;
	v6 =	vand.u32 $0x7F, v6;
	v42 =	vsub.s32 v8, v0  }
0xb0: {  	v49 =	vld [tilespmem:s10+$0xFFFFFFD0];
	v8 =	vand.u32 $0x7F, v8;
	v26 =	vsub.s32 v10, v0;
	v10 =	vand.u32 $0x7F, v10  }
0xb1: {  	v50 =	vld [tilespmem:s10+$0xFFFFFFE0];
	v46 =	vsub.s32 v12, v0;
	v12 =	vand.u32 $0x7F, v12;
	v48 =	vsub.s32 v14, v0  }
0xb2: {  	v11 =	vld [tilespmem:s11+$0xFFFFFF40];
	v14 =	vand.u32 $0x7F, v14;
	v31 =	vsub.s32 v16, v0;
	v16 =	vand.u32 $0x7F, v16  }
0xb3: {  	v13 =	vld [tilespmem:s11+$0xFFFFFF50];
	v52 =	vsub.s32 v19, v0;
	v19 =	vand.u32 $0x7F, v19;
	v54 =	vsub.s32 v38, v0  }
0xb4: {  	v15 =	vld [tilespmem:s11+$0xFFFFFF60];
	v36 =	vsub.s32 v24, v0;
	v56 =	vand.u32 $0x7F, v24;
	v57 =	vsub.s32 v27, v0  }
0xb5: {  	v17 =	vld [tilespmem:s11+$0xFFFFFF70];
	v59 =	vand.u32 $0x7F, v27;
	v60 =	vsub.s32 v28, v0;
	v62 =	vand.u32 $0x7F, v28  }
0xb6: {  	v22 =	vld [tilespmem:s11+$0xFFFFFF80];
	v63 =	vsub.s32 v49, v0;
	v24 =	vand.u32 $0x7F, v49;
	v28 =	vand.u32 $0x7F, v50  }
0xb7: {  	v23 =	vld [tilespmem:s11+$0xFFFFFF90];
	v20 =	vand.u32 $0xFFFFFF80, v18;
	vm1 =	vlt.u32 v18, $0x10000;
	vm0 =	vlt.u32 v21, $0x10000  }
0xb8: {  	v43 =	vld [tilespmem:s11+$0xFFFFFFA0];
	v39 =	vand.u32 $0xFFFFFF80, v21;
	v41 =	vand.u32 $0xFFFFFF80, v40;
	vm2 =	vlt.u32 v40, $0x10000  }
0xb9: {  	v44 =	vld [tilespmem:s11+$0xFFFFFFB0];
	v25 =	vand.u32 $0xFFFFFF80, v42;
	vm4 =	vlt.u32 v42, $0x10000;
	v2 =	vor.u32 v2, v20  }
0xba: {  	v29 =	vld [tilespmem:s11+$0xFFFFFFC0];
	vm3 =	vlt.u32 v26, $0x10000;
	v45 =	vand.u32 $0xFFFFFF80, v26;
	v4 =	vor.u32 v4, v39  }
0xbb: {  	v32 =	vld [tilespmem:s11+$0xFFFFFFD0];
	v47 =	vand.u32 $0xFFFFFF80, v46;
	vm5 =	vlt.u32 v46, $0x10000;
	v6 =	vor.u32 v6, v41  }
0xbc: {  	v33 =	vld [tilespmem:s11+$0xFFFFFFE0];
	v30 =	vand.u32 $0xFFFFFF80, v48;
	vm7 =	vlt.u32 v48, $0x10000;
	v8 =	vor.u32 v8, v25  }
0xbd: {  	v34 =	vld [tilespmem:s10+$0xFFFFFFF0];
	vm6 =	vlt.u32 v31, $0x10000;
	v51 =	vand.u32 $0xFFFFFF80, v31;
	v10 =	vor.u32 v10, v45  }
0xbe: {  	v55 =	vld [tilespmem:s11+$0xFFFFFFF0];
	v53 =	vand.u32 $0xFFFFFF80, v52;
	vm8 =	vlt.u32 v52, $0x10000;
	v12 =	vor.u32 v12, v47;
	[tilespmem:v2+s6+$0x0] =	vst.idx.msk vm1, v3  }
0xbf: {  	v35 =	vand.u32 $0xFFFFFF80, v54;
	v18 =	vand.u32 $0x7F, v38;
	v14 =	vor.u32 v14, v30;
	[tilespmem:v4+s6+$0x0] =	vst.idx.msk vm0, v5  }
0xc0: {  	vm9 =	vlt.u32 v54, $0x10000;
	vm15 =	vlt.u32 v36, $0x10000;
	v16 =	vor.u32 v16, v51;
	[tilespmem:v6+s6+$0x0] =	vst.idx.msk vm2, v7  }
0xc1: {  	v58 =	vand.u32 $0xFFFFFF80, v57;
	vm10 =	vlt.u32 v57, $0x10000;
	v19 =	vor.u32 v19, v53;
	[tilespmem:v8+s6+$0x0] =	vst.idx.msk vm4, v9  }
0xc2: {  	v61 =	vand.u32 $0xFFFFFF80, v60;
	v2 =	vor.u32 v18, v35;
	v3 =	vand.u32 $0xFFFFFF80, v36;
	[tilespmem:v10+s6+$0x0] =	vst.idx.msk vm3, v11  }
0xc3: {  	vm11 =	vlt.u32 v60, $0x10000;
	v26 =	vsub.s32 v50, v0;
	v3 =	vor.u32 v56, v3;
	[tilespmem:v12+s6+$0x0] =	vst.idx.msk vm5, v13  }
0xc4: {  	vm12 =	vlt.u32 v63, $0x10000;
	v27 =	vand.u32 $0xFFFFFF80, v26;
	v4 =	vor.u32 v59, v58;
	[tilespmem:v14+s6+$0x0] =	vst.idx.msk vm7, v15  }
0xc5: {  	vm13 =	vlt.u32 v26, $0x10000;
	v18 =	vand.u32 $0xFFFFFF80, v63;
	v13 =	vor.u32 v62, v61;
	[tilespmem:v16+s6+$0x0] =	vst.idx.msk vm6, v17  }
0xc6: {  	v30 =	vsub.s32 v34, v0;
	v34 =	vand.u32 $0x7F, v34;
	v6 =	vor.u32 v24, v18;
	[tilespmem:v19+s6+$0x0] =	vst.idx.msk vm8, v22  }
0xc7: {  	vm14 =	vlt.u32 v30, $0x10000;
	v7 =	vor.u32 v28, v27;
	[tilespmem:v2+s6+$0x0] =	vst.idx.msk vm9, v23;
	v2 =	vand.u32 $0xFFFFFF80, v30  }
0xc8: {  	[tilespmem:v3+s6+$0x0] =	vst.idx.msk vm15, v43;
	v2 =	vor.u32 v34, v2  }
0xc9: {  	[tilespmem:v4+s6+$0x0] =	vst.idx.msk vm10, v44  }
0xca: {  	[tilespmem:v13+s6+$0x0] =	vst.idx.msk vm11, v29  }
0xcb: {  	[tilespmem:v6+s6+$0x0] =	vst.idx.msk vm12, v32  }
0xcc: {  	[tilespmem:v7+s6+$0x0] =	vst.idx.msk vm13, v33  }
0xcd: {  	[tilespmem:v2+s6+$0x0] =	vst.idx.msk vm14, v55  }
0xce: {  	v2 =	vld [tilespmem:s10+$0x0]  }
0xcf: {  	v3 =	vld [tilespmem:s11+$0x0]  }
0xd0: {  	v4 =	vld [tilespmem:s10+$0x10]  }
0xd1: {  	v5 =	vld [tilespmem:s11+$0x10]  }
0xd2: {  	v6 =	vld [tilespmem:s10+$0x20]  }
0xd3: {  	v7 =	vld [tilespmem:s11+$0x20]  }
0xd4: {  	v35 =	vld [tilespmem:s10+$0x30]  }
0xd5: {  	v9 =	vld [tilespmem:s11+$0x30]  }
0xd6: {  	v10 =	vld [tilespmem:s10+$0x40]  }
0xd7: {  	v11 =	vld [tilespmem:s11+$0x40]  }
0xd8: {  	v12 =	vld [tilespmem:s10+$0x50]  }
0xd9: {  	v13 =	vld [tilespmem:s11+$0x50]  }
0xda: {  	v14 =	vld [tilespmem:s10+$0x60]  }
0xdb: {  	v16 =	vld [tilespmem:s10+$0x70]  }
0xdc: {  	v19 =	vld [tilespmem:s10+$0x80];
	v36 =	vsub.s32 v2, v0  }
0xdd: {  	v39 =	vld [tilespmem:s10+$0x90];
	v2 =	vand.u32 $0x7F, v2;
	v38 =	vsub.s32 v4, v0;
	v4 =	vand.u32 $0x7F, v4  }
0xde: {  	v15 =	vld [tilespmem:s11+$0x60];
	v48 =	vsub.s32 v6, v0;
	v6 =	vand.u32 $0x7F, v6;
	v51 =	vsub.s32 v35, v0  }
0xdf: {  	v17 =	vld [tilespmem:s11+$0x70];
	v8 =	vand.u32 $0x7F, v35;
	v53 =	vsub.s32 v10, v0;
	v10 =	vand.u32 $0x7F, v10  }
0xe0: {  	v22 =	vld [tilespmem:s11+$0x80];
	v56 =	vsub.s32 v12, v0;
	v12 =	vand.u32 $0x7F, v12;
	v59 =	vsub.s32 v14, v0  }
0xe1: {  	v23 =	vld [tilespmem:s11+$0x90];
	v14 =	vand.u32 $0x7F, v14;
	v62 =	vsub.s32 v16, v0;
	v16 =	vand.u32 $0x7F, v16  }
0xe2: {  	v50 =	vld [tilespmem:s10+$0xA0];
	v41 =	vsub.s32 v19, v0;
	v19 =	vand.u32 $0x7F, v19;
	v44 =	vsub.s32 v39, v0  }
0xe3: {  	v21 =	vld [tilespmem:s11+$0xA0];
	v18 =	vand.u32 $0x7F, v39;
	v37 =	vand.u32 $0xFFFFFF80, v36;
	vm15 =	vlt.u32 v36, $0x10000  }
0xe4: {  	v54 =	vld [tilespmem:s10+$0xB0];
	vm0 =	vlt.u32 v38, $0x10000;
	v47 =	vand.u32 $0xFFFFFF80, v38;
	v49 =	vand.u32 $0xFFFFFF80, v48  }
0xe5: {  	v63 =	vld [tilespmem:s10+$0xE0];
	vm2 =	vlt.u32 v48, $0x10000;
	v52 =	vand.u32 $0xFFFFFF80, v51;
	vm4 =	vlt.u32 v51, $0x10000  }
0xe6: {  	v43 =	vld [tilespmem:s10+$0xF0];
	vm12 =	vlt.u32 v53, $0x10000;
	v55 =	vand.u32 $0xFFFFFF80, v53;
	v58 =	vand.u32 $0xFFFFFF80, v56  }
0xe7: {  	v20 =	vld [tilespmem:s11+$0xB0];
	vm13 =	vlt.u32 v56, $0x10000;
	v61 =	vand.u32 $0xFFFFFF80, v59;
	vm7 =	vlt.u32 v59, $0x10000  }
0xe8: {  	v57 =	vld [tilespmem:s10+$0xC0];
	vm6 =	vlt.u32 v62, $0x10000;
	v40 =	vand.u32 $0xFFFFFF80, v62;
	v2 =	vor.u32 v2, v37  }
0xe9: {  	v29 =	vld [tilespmem:s11+$0xC0];
	v42 =	vand.u32 $0xFFFFFF80, v41;
	vm14 =	vlt.u32 v41, $0x10000;
	v4 =	vor.u32 v4, v47  }
0xea: {  	v60 =	vld [tilespmem:s10+$0xD0];
	v46 =	vand.u32 $0xFFFFFF80, v44;
	v59 =	vsub.s32 v63, v0;
	v6 =	vor.u32 v6, v49  }
0xeb: {  	v32 =	vld [tilespmem:s11+$0xD0];
	v62 =	vsub.s32 v43, v0;
	v8 =	vor.u32 v8, v52;
	v10 =	vor.u32 v10, v55  }
0xec: {  	v33 =	vld [tilespmem:s11+$0xE0];
	v12 =	vor.u32 v12, v58;
	v14 =	vor.u32 v14, v61;
	v16 =	vor.u32 v16, v40  }
0xed: {  	v45 =	vld [tilespmem:s11+$0xF0];
	v48 =	vand.u32 $0x7F, v50;
	v19 =	vor.u32 v19, v42;
	v47 =	vsub.s32 v50, v0;
	[tilespmem:v2+s6+$0x0] =	vst.idx.msk vm15, v3  }
0xee: {  	v51 =	vand.u32 $0x7F, v54;
	v49 =	vsub.s32 v54, v0;
	v52 =	vsub.s32 v57, v0;
	[tilespmem:v4+s6+$0x0] =	vst.idx.msk vm0, v5  }
0xef: {  	v54 =	vand.u32 $0x7F, v57;
	v55 =	vsub.s32 v60, v0;
	v58 =	vand.u32 $0x7F, v60;
	[tilespmem:v6+s6+$0x0] =	vst.idx.msk vm2, v7  }
0xf0: {  	v60 =	vand.u32 $0xFFFFFF80, v59;
	v61 =	vand.u32 $0x7F, v63;
	vm15 =	vlt.u32 v44, $0x10000;
	[tilespmem:v8+s6+$0x0] =	vst.idx.msk vm4, v9  }
0xf1: {  	vm10 =	vlt.u32 v47, $0x10000;
	v2 =	vor.u32 v18, v46;
	v3 =	vand.u32 $0xFFFFFF80, v47;
	[tilespmem:v10+s6+$0x0] =	vst.idx.msk vm12, v11  }
0xf2: {  	v50 =	vand.u32 $0xFFFFFF80, v49;
	vm11 =	vlt.u32 v49, $0x10000;
	v3 =	vor.u32 v48, v3;
	[tilespmem:v12+s6+$0x0] =	vst.idx.msk vm13, v13  }
0xf3: {  	v53 =	vand.u32 $0xFFFFFF80, v52;
	v4 =	vor.u32 v51, v50;
	vm12 =	vlt.u32 v52, $0x10000;
	[tilespmem:v14+s6+$0x0] =	vst.idx.msk vm7, v15  }
0xf4: {  	v57 =	vand.u32 $0xFFFFFF80, v55;
	v56 =	vor.u32 v54, v53;
	vm13 =	vlt.u32 v55, $0x10000;
	[tilespmem:v16+s6+$0x0] =	vst.idx.msk vm6, v17  }
0xf5: {  	v63 =	vand.u32 $0x7F, v43;
	v6 =	vor.u32 v58, v57;
	[tilespmem:v19+s6+$0x0] =	vst.idx.msk vm14, v22;
	vm14 =	vlt.u32 v59, $0x10000  }
0xf6: {  	s9 =	sadd.s32 $0x2, s9;
	v7 =	vor.u32 v61, v60;
	[tilespmem:v2+s6+$0x0] =	vst.idx.msk vm15, v23;
	vm15 =	vlt.u32 v62, $0x10000;
	v2 =	vand.u32 $0xFFFFFF80, v62  }
0xf7: {  	p1 =	slt.u32 s9, $0x1E;
	[tilespmem:v3+s6+$0x0] =	vst.idx.msk vm10, v21;
	v2 =	vor.u32 v63, v2  }
.Ltmp4:
0xf8: {  	[tilespmem:v4+s6+$0x0] =	vst.idx.msk vm11, v20;
	(pc) =	sbr.rel @p1 .LBB2_7-.Ltmp4, $4  }
0xf9: {  	[tilespmem:v56+s6+$0x0] =	vst.idx.msk vm12, v29  }
0xfa: {  	[tilespmem:v6+s6+$0x0] =	vst.idx.msk vm13, v32  }
0xfb: {  	[tilespmem:v7+s6+$0x0] =	vst.idx.msk vm14, v33  }
0xfc: {  	s10 =	sadd.s32 $0x200, s10;
	s11 =	sadd.s32 $0x200, s11;
	[tilespmem:v2+s6+$0x0] =	vst.idx.msk vm15, v45  }
.Ltmp5:
0xfd: {  	(pc) =	sbr.rel @p0 .LBB2_10-.Ltmp5, $1  }
0xfe: {  	_ =	sdelay $0x3  }
.Ltmp6:
0xff: {  	s2 =	sadd.s32 $0xC00, s2;
	(pc) =	sbr.rel .LBB2_4-.Ltmp6, $4  }
0x100: {  	s9 =	sadd.s32 s3, s2  }
0x101: {  	[tilespmem:s17], [sflag:$0x2] =	stream.linear.gather [hbm4b:s9+s6], $0x2000, $0x38;
	[tilespmem:$0x1C000] =	vst v63  }
0x102: {  	s1 =	sadd.s32 $0x1, s1;
	s2 =	sadd.s32 s4, s2  }
0x103: {  	[tilespmem:s18], [sflag:$0x2] =	stream.linear.gather [hbm4b:s2+s6], $0x2000, $0x38;
	[tilespmem:$0x1C000] =	vst v63  }
.LBB2_10:
0x104: {  	s31 =	simm.s32 $0x0;
	s1 =	simm.s32 $0x18000  }
0x105: {  	[tilespmem:s1], [sflag:$0x3] =	stream.linear.gather [hbm4b:s8+s31], $0x1000, $0x38;
	[tilespmem:$0x1C000] =	vst v63  }
0x106: {  	s21 =	rddreg [dreg:$0x7];
	s11 =	simm.s32 $0x11F0;
	s1 =	simm.s32 $0x100  }
0x107: {  	[tilespmem:s22], [sflag:$0x4] =	stream.linear.gather [hbm4b:s21+s31], $0x1000, $0x38;
	[tilespmem:$0x1C000] =	vst v63  }
.LBB2_11:
0x108: {  	_ =	swait.ge [sflag:s23], $0x1000  }
0x109: {  	p0 =	seq.s32 s31, $0x0;
	[sflag:s23] =	ssyncset.done $0x0  }
0x10a: {  	s2 =	simm.s32 @!p0 $0x5;
	[sflag:s23] =	ssyncadd.s32 $0xFFFFF000  }
0x10b: {  	s15 =	sshll.u32 s31, $0xD;
	_ =	swait.ge @!p0 [sflag:s2], $0x1000  }
0x10c: {  	s16 =	simm.s32 $0xFFFFFFFC;
	s21 =	simm.s32 $0x18100;
	[sflag:s2] =	ssyncset.done @!p0 $0x0  }
0x10d: {  	s9 =	simm.s32 $0x1A100;
	s10 =	smov.u32 s1;
	[sflag:s2] =	ssyncadd.s32 @!p0 $0xFFFFF000  }
.LBB2_12:
0x10e: {  	v2 =	vld [tilespmem:s10+$0xFFFFFF00]  }
0x10f: {  	v3 =	vld [tilespmem:s21+$0xFFFFFF00]  }
0x110: {  	v4 =	vld [tilespmem:s21+$0xFFFFFF10]  }
0x111: {  	v5 =	vld [tilespmem:s10+$0xFFFFFF10]  }
0x112: {  	v6 =	vld [tilespmem:s10+$0xFFFFFF20]  }
0x113: {  	v7 =	vld [tilespmem:s21+$0xFFFFFF20]  }
0x114: {  	v8 =	vld [tilespmem:s21+$0xFFFFFF30]  }
0x115: {  	v10 =	vld [tilespmem:s10+$0xFFFFFF30]  }
0x116: {  	v12 =	vld [tilespmem:s10+$0xFFFFFF40]  }
0x117: {  	v35 =	vld [tilespmem:s21+$0xFFFFFF40]  }
0x118: {  	v36 =	vld [tilespmem:s21+$0xFFFFFF50]  }
0x119: {  	v39 =	vld [tilespmem:s21+$0xFFFFFF60];
	vm0 =	vge.f32 v3, $0.0e+00;
	vm1 =	vge.f32 v2, $0.0e+00  }
0x11a: {  	v40 =	vld [tilespmem:s21+$0xFFFFFF70];
	v9 =	vmul.f32 $9.499999880e-01, v3;
	v11 =	vmul.f32 $9.499999880e-01, v4;
	vm11 =	vge.f32 v4, $0.0e+00  }
0x11b: {  	vm2 =	vge.f32 v5, $0.0e+00;
	vm13 =	vge.f32 v7, $0.0e+00;
	vm14 =	vge.f32 v6, $0.0e+00  }
0x11c: {  	v13 =	vld [tilespmem:s10+$0xFFFFFF50];
	v37 =	vmul.f32 $9.499999880e-01, v7;
	v38 =	vmul.f32 $9.499999880e-01, v8;
	vm4 =	vge.f32 v8, $0.0e+00  }
0x11d: {  	vm5 =	vge.f32 v10, $0.0e+00;
	vm7 =	vge.f32 v35, $0.0e+00;
	vm8 =	vge.f32 v12, $0.0e+00  }
0x11e: {  	v14 =	vld [tilespmem:s10+$0xFFFFFF60];
	v41 =	vmul.f32 $9.499999880e-01, v35;
	v42 =	vmul.f32 $9.499999880e-01, v36;
	vm10 =	vge.f32 v36, $0.0e+00  }
0x11f: {  	v43 =	vmul.f32 $9.499999880e-01, v39;
	v44 =	vmul.f32 $9.499999880e-01, v40;
	vm0 =	vmand vm1, vm0  }
0x120: {  	v15 =	vld [tilespmem:s10+$0xFFFFFF70];
	vm12 =	vmand vm2, vm11;
	vm15 =	vmand vm14, vm13;
	vm6 =	vmand vm5, vm4  }
0x121: {  	vm9 =	vmand vm8, vm7;
	vm11 =	vge.f32 v13, $0.0e+00;
	v2 =	vmax.f32 v9, v2  }
0x122: {  	vm13 =	vge.f32 v39, $0.0e+00;
	v6 =	vmax.f32 v37, v6;
	v2 =	vsel vm0, v2, v3  }
0x123: {  	vm14 =	vge.f32 v14, $0.0e+00;
	v3 =	vmax.f32 v11, v5;
	v6 =	vsel vm15, v6, v7;
	[tilespmem:s9+$0xFFFFFF00] =	vst v2  }
0x124: {  	vm4 =	vge.f32 v40, $0.0e+00;
	v3 =	vsel vm12, v3, v4;
	v4 =	vmax.f32 v38, v10;
	[tilespmem:s9+$0xFFFFFF20] =	vst v6  }
0x125: {  	vm5 =	vge.f32 v15, $0.0e+00;
	v2 =	vmax.f32 v41, v12;
	v4 =	vsel vm6, v4, v8;
	[tilespmem:s9+$0xFFFFFF10] =	vst v3  }
0x126: {  	vm12 =	vmand vm11, vm10;
	v2 =	vsel vm9, v2, v35;
	v3 =	vmax.f32 v42, v13;
	[tilespmem:s9+$0xFFFFFF30] =	vst v4  }
0x127: {  	vm15 =	vmand vm14, vm13;
	v3 =	vsel vm12, v3, v36;
	[tilespmem:s9+$0xFFFFFF40] =	vst v2;
	v2 =	vmax.f32 v43, v14  }
0x128: {  	vm6 =	vmand vm5, vm4;
	[tilespmem:s9+$0xFFFFFF50] =	vst v3;
	v2 =	vsel vm15, v2, v39;
	v3 =	vmax.f32 v44, v15  }
0x129: {  	[tilespmem:s9+$0xFFFFFF60] =	vst v2;
	v2 =	vsel vm6, v3, v40  }
0x12a: {  	[tilespmem:s9+$0xFFFFFF70] =	vst v2  }
0x12b: {  	v2 =	vld [tilespmem:s10+$0xFFFFFF80]  }
0x12c: {  	v3 =	vld [tilespmem:s21+$0xFFFFFF80]  }
0x12d: {  	v45 =	vld [tilespmem:s21+$0xFFFFFF90]  }
0x12e: {  	v46 =	vld [tilespmem:s10+$0xFFFFFF90]  }
0x12f: {  	v47 =	vld [tilespmem:s10+$0xFFFFFFA0]  }
0x130: {  	v48 =	vld [tilespmem:s21+$0xFFFFFFA0]  }
0x131: {  	v49 =	vld [tilespmem:s21+$0xFFFFFFB0]  }
0x132: {  	v51 =	vld [tilespmem:s10+$0xFFFFFFB0]  }
0x133: {  	v54 =	vld [tilespmem:s21+$0xFFFFFFC0]  }
0x134: {  	v55 =	vld [tilespmem:s21+$0xFFFFFFD0]  }
0x135: {  	v60 =	vld [tilespmem:s21+$0xFFFFFFE0]  }
0x136: {  	v61 =	vld [tilespmem:s21+$0xFFFFFFF0];
	vm7 =	vge.f32 v3, $0.0e+00;
	vm8 =	vge.f32 v2, $0.0e+00  }
0x137: {  	v50 =	vmul.f32 $9.499999880e-01, v3;
	v52 =	vmul.f32 $9.499999880e-01, v45;
	vm9 =	vge.f32 v45, $0.0e+00  }
0x138: {  	v53 =	vld [tilespmem:s10+$0xFFFFFFC0];
	vm10 =	vge.f32 v46, $0.0e+00;
	vm12 =	vge.f32 v48, $0.0e+00;
	vm13 =	vge.f32 v47, $0.0e+00  }
0x139: {  	v57 =	vld [tilespmem:s10+$0xFFFFFFD0];
	v56 =	vmul.f32 $9.499999880e-01, v48;
	v58 =	vmul.f32 $9.499999880e-01, v49;
	vm15 =	vge.f32 v49, $0.0e+00  }
0x13a: {  	v59 =	vld [tilespmem:s10+$0xFFFFFFE0];
	vm4 =	vge.f32 v51, $0.0e+00;
	v62 =	vmul.f32 $9.499999880e-01, v54;
	v17 =	vmul.f32 $9.499999880e-01, v55  }
0x13b: {  	vm6 =	vge.f32 v54, $0.0e+00;
	v18 =	vmul.f32 $9.499999880e-01, v60;
	v19 =	vmul.f32 $9.499999880e-01, v61  }
0x13c: {  	v63 =	vld [tilespmem:s10+$0xFFFFFFF0];
	vm0 =	vmand vm8, vm7;
	vm11 =	vmand vm10, vm9;
	vm14 =	vmand vm13, vm12  }
0x13d: {  	vm5 =	vmand vm4, vm15;
	vm7 =	vge.f32 v53, $0.0e+00;
	vm9 =	vge.f32 v55, $0.0e+00  }
0x13e: {  	vm10 =	vge.f32 v57, $0.0e+00;
	vm12 =	vge.f32 v60, $0.0e+00;
	v2 =	vmax.f32 v50, v2  }
0x13f: {  	vm13 =	vge.f32 v59, $0.0e+00;
	v6 =	vmax.f32 v56, v47;
	v2 =	vsel vm0, v2, v3  }
0x140: {  	vm15 =	vge.f32 v61, $0.0e+00;
	v4 =	vmax.f32 v58, v51;
	v6 =	vsel vm14, v6, v48;
	[tilespmem:s9+$0xFFFFFF80] =	vst v2  }
0x141: {  	vm4 =	vge.f32 v63, $0.0e+00;
	v3 =	vmax.f32 v52, v46;
	v4 =	vsel vm5, v4, v49;
	[tilespmem:s9+$0xFFFFFFA0] =	vst v6  }
0x142: {  	vm8 =	vmand vm7, vm6;
	v3 =	vsel vm11, v3, v45;
	v2 =	vmax.f32 v62, v53;
	[tilespmem:s9+$0xFFFFFFB0] =	vst v4  }
0x143: {  	vm11 =	vmand vm10, vm9;
	[tilespmem:s9+$0xFFFFFF90] =	vst v3;
	v2 =	vsel vm8, v2, v54;
	v3 =	vmax.f32 v17, v57  }
0x144: {  	vm14 =	vmand vm13, vm12;
	v3 =	vsel vm11, v3, v55;
	[tilespmem:s9+$0xFFFFFFC0] =	vst v2;
	v2 =	vmax.f32 v18, v59  }
0x145: {  	vm5 =	vmand vm4, vm15;
	[tilespmem:s9+$0xFFFFFFD0] =	vst v3;
	v2 =	vsel vm14, v2, v60;
	v3 =	vmax.f32 v19, v63  }
0x146: {  	[tilespmem:s9+$0xFFFFFFE0] =	vst v2;
	v2 =	vsel vm5, v3, v61  }
0x147: {  	[tilespmem:s9+$0xFFFFFFF0] =	vst v2  }
0x148: {  	v2 =	vld [tilespmem:s10+$0x0]  }
0x149: {  	v3 =	vld [tilespmem:s21+$0x0]  }
0x14a: {  	v20 =	vld [tilespmem:s21+$0x10]  }
0x14b: {  	v21 =	vld [tilespmem:s10+$0x10]  }
0x14c: {  	v22 =	vld [tilespmem:s10+$0x20]  }
0x14d: {  	v23 =	vld [tilespmem:s21+$0x20]  }
0x14e: {  	v24 =	vld [tilespmem:s21+$0x30]  }
0x14f: {  	v26 =	vld [tilespmem:s10+$0x30]  }
0x150: {  	v29 =	vld [tilespmem:s21+$0x40]  }
0x151: {  	v30 =	vld [tilespmem:s21+$0x50]  }
0x152: {  	v35 =	vld [tilespmem:s21+$0x60]  }
0x153: {  	v36 =	vld [tilespmem:s21+$0x70];
	vm6 =	vge.f32 v3, $0.0e+00;
	vm7 =	vge.f32 v2, $0.0e+00  }
0x154: {  	v25 =	vmul.f32 $9.499999880e-01, v3;
	v27 =	vmul.f32 $9.499999880e-01, v20;
	vm8 =	vge.f32 v20, $0.0e+00  }
0x155: {  	v28 =	vld [tilespmem:s10+$0x40];
	vm9 =	vge.f32 v21, $0.0e+00;
	vm11 =	vge.f32 v23, $0.0e+00;
	vm12 =	vge.f32 v22, $0.0e+00  }
0x156: {  	v32 =	vld [tilespmem:s10+$0x50];
	v31 =	vmul.f32 $9.499999880e-01, v23;
	v33 =	vmul.f32 $9.499999880e-01, v24;
	vm14 =	vge.f32 v24, $0.0e+00  }
0x157: {  	v34 =	vld [tilespmem:s10+$0x60];
	vm15 =	vge.f32 v26, $0.0e+00;
	v37 =	vmul.f32 $9.499999880e-01, v29;
	v39 =	vmul.f32 $9.499999880e-01, v30  }
0x158: {  	vm5 =	vge.f32 v29, $0.0e+00;
	v40 =	vmul.f32 $9.499999880e-01, v35;
	v41 =	vmul.f32 $9.499999880e-01, v36  }
0x159: {  	v38 =	vld [tilespmem:s10+$0x70];
	vm0 =	vmand vm7, vm6;
	vm10 =	vmand vm9, vm8;
	vm13 =	vmand vm12, vm11  }
0x15a: {  	vm4 =	vmand vm15, vm14;
	vm6 =	vge.f32 v28, $0.0e+00;
	vm8 =	vge.f32 v30, $0.0e+00  }
0x15b: {  	vm9 =	vge.f32 v32, $0.0e+00;
	vm11 =	vge.f32 v35, $0.0e+00;
	v2 =	vmax.f32 v25, v2  }
0x15c: {  	vm12 =	vge.f32 v34, $0.0e+00;
	v6 =	vmax.f32 v31, v22;
	v2 =	vsel vm0, v2, v3  }
0x15d: {  	vm14 =	vge.f32 v36, $0.0e+00;
	v4 =	vmax.f32 v33, v26;
	v6 =	vsel vm13, v6, v23;
	[tilespmem:s9+$0x0] =	vst v2  }
0x15e: {  	vm15 =	vge.f32 v38, $0.0e+00;
	v3 =	vmax.f32 v27, v21;
	v4 =	vsel vm4, v4, v24;
	[tilespmem:s9+$0x20] =	vst v6  }
0x15f: {  	vm7 =	vmand vm6, vm5;
	v3 =	vsel vm10, v3, v20;
	v2 =	vmax.f32 v37, v28;
	[tilespmem:s9+$0x30] =	vst v4  }
0x160: {  	vm10 =	vmand vm9, vm8;
	[tilespmem:s9+$0x10] =	vst v3;
	v2 =	vsel vm7, v2, v29;
	v3 =	vmax.f32 v39, v32  }
0x161: {  	vm13 =	vmand vm12, vm11;
	v3 =	vsel vm10, v3, v30;
	[tilespmem:s9+$0x40] =	vst v2;
	v2 =	vmax.f32 v40, v34  }
0x162: {  	vm4 =	vmand vm15, vm14;
	[tilespmem:s9+$0x50] =	vst v3;
	v2 =	vsel vm13, v2, v35;
	v3 =	vmax.f32 v41, v38  }
0x163: {  	[tilespmem:s9+$0x60] =	vst v2;
	v2 =	vsel vm4, v3, v36  }
0x164: {  	[tilespmem:s9+$0x70] =	vst v2  }
0x165: {  	v2 =	vld [tilespmem:s10+$0x80]  }
0x166: {  	v3 =	vld [tilespmem:s21+$0x80]  }
0x167: {  	v42 =	vld [tilespmem:s21+$0x90]  }
0x168: {  	v43 =	vld [tilespmem:s10+$0x90]  }
0x169: {  	v44 =	vld [tilespmem:s10+$0xA0]  }
0x16a: {  	v45 =	vld [tilespmem:s21+$0xA0]  }
0x16b: {  	v46 =	vld [tilespmem:s21+$0xB0]  }
0x16c: {  	v48 =	vld [tilespmem:s10+$0xB0]  }
0x16d: {  	v51 =	vld [tilespmem:s21+$0xC0]  }
0x16e: {  	v52 =	vld [tilespmem:s21+$0xD0]  }
0x16f: {  	v57 =	vld [tilespmem:s21+$0xE0]  }
0x170: {  	v58 =	vld [tilespmem:s21+$0xF0];
	vm5 =	vge.f32 v3, $0.0e+00;
	vm6 =	vge.f32 v2, $0.0e+00  }
0x171: {  	v47 =	vmul.f32 $9.499999880e-01, v3;
	v49 =	vmul.f32 $9.499999880e-01, v42;
	vm7 =	vge.f32 v42, $0.0e+00  }
0x172: {  	v50 =	vld [tilespmem:s10+$0xC0];
	vm8 =	vge.f32 v43, $0.0e+00;
	vm10 =	vge.f32 v45, $0.0e+00;
	vm11 =	vge.f32 v44, $0.0e+00  }
0x173: {  	v54 =	vld [tilespmem:s10+$0xD0];
	v53 =	vmul.f32 $9.499999880e-01, v45;
	v55 =	vmul.f32 $9.499999880e-01, v46;
	vm13 =	vge.f32 v46, $0.0e+00  }
0x174: {  	v56 =	vld [tilespmem:s10+$0xE0];
	vm14 =	vge.f32 v48, $0.0e+00;
	v59 =	vmul.f32 $9.499999880e-01, v51;
	v61 =	vmul.f32 $9.499999880e-01, v52  }
0x175: {  	vm4 =	vge.f32 v51, $0.0e+00;
	v62 =	vmul.f32 $9.499999880e-01, v57;
	v63 =	vmul.f32 $9.499999880e-01, v58  }
0x176: {  	v60 =	vld [tilespmem:s10+$0xF0];
	vm0 =	vmand vm6, vm5;
	vm9 =	vmand vm8, vm7;
	vm12 =	vmand vm11, vm10  }
0x177: {  	vm15 =	vmand vm14, vm13;
	vm5 =	vge.f32 v50, $0.0e+00;
	vm7 =	vge.f32 v52, $0.0e+00  }
0x178: {  	vm8 =	vge.f32 v54, $0.0e+00;
	vm10 =	vge.f32 v57, $0.0e+00;
	v2 =	vmax.f32 v47, v2  }
0x179: {  	vm11 =	vge.f32 v56, $0.0e+00;
	v6 =	vmax.f32 v53, v44;
	v2 =	vsel vm0, v2, v3  }
0x17a: {  	vm13 =	vge.f32 v58, $0.0e+00;
	v4 =	vmax.f32 v55, v48;
	v6 =	vsel vm12, v6, v45;
	[tilespmem:s9+$0x80] =	vst v2  }
0x17b: {  	s16 =	sadd.s32 $0x4, s16;
	vm14 =	vge.f32 v60, $0.0e+00;
	v3 =	vmax.f32 v49, v43;
	v4 =	vsel vm15, v4, v46;
	[tilespmem:s9+$0xA0] =	vst v6  }
0x17c: {  	p1 =	slt.u32 s16, $0x1C;
	vm6 =	vmand vm5, vm4;
	v3 =	vsel vm9, v3, v42;
	v2 =	vmax.f32 v59, v50;
	[tilespmem:s9+$0xB0] =	vst v4  }
.Ltmp7:
0x17d: {  	vm9 =	vmand vm8, vm7;
	[tilespmem:s9+$0x90] =	vst v3;
	v2 =	vsel vm6, v2, v51;
	v3 =	vmax.f32 v61, v54;
	(pc) =	sbr.rel @p1 .LBB2_12-.Ltmp7, $4  }
0x17e: {  	vm12 =	vmand vm11, vm10;
	v3 =	vsel vm9, v3, v52;
	[tilespmem:s9+$0xC0] =	vst v2;
	v2 =	vmax.f32 v62, v56  }
0x17f: {  	vm15 =	vmand vm14, vm13;
	v2 =	vsel vm12, v2, v57;
	[tilespmem:s9+$0xD0] =	vst v3;
	v3 =	vmax.f32 v63, v60  }
0x180: {  	[tilespmem:s9+$0xE0] =	vst v2;
	v2 =	vsel vm15, v3, v58  }
0x181: {  	s10 =	sadd.s32 $0x200, s10;
	s21 =	sadd.s32 $0x200, s21;
	[tilespmem:s9+$0xF0] =	vst v2;
	s9 =	sadd.s32 $0x200, s9  }
0x182: {  	s2 =	sor.u32 s7, s15  }
0x183: {  	s2 =	sshrl.u32 s2, $0x3  }
0x184: {  	p1 =	seq.s32 s31, $0x7;
	s2 =	sadd.s32 s5, s2  }
0x185: {  	[hbm4b:s2+s6] =	stream.linear.scatter [tilespmem:s24], [sflag:$0x5], $0x1000, $0x38;
	[tilespmem:$0x1C000] =	vst v63  }
0x186: {  	s2 =	sadd.s32 @!p1 s15, s12  }
0x187: {  	s2 =	sshrl.u32 @!p1 s2, $0x3  }
0x188: {  	s9 =	simm.s32 @!p1 $0x0;
	s10 =	simm.s32 @!p1 $0x18000;
	s2 =	sadd.s32 @!p1 s0, s2  }
0x189: {  	[tilespmem:s10], [sflag:$0x3] =	stream.linear.gather @!p1 [hbm4b:s2+s9], $0x1000, $0x38;
	[tilespmem:$0x1C000] =	vst v63  }
0x18a: {  	_ =	swait.ge [sflag:s25], $0x1000  }
0x18b: {  	[sflag:s25] =	ssyncset.done $0x0  }
0x18c: {  	s2 =	simm.s32 @!p0 $0x6;
	[sflag:s25] =	ssyncadd.s32 $0xFFFFF000  }
0x18d: {  	s16 =	sor.u32 $0x1000, s15;
	_ =	swait.ge @!p0 [sflag:s2], $0x1000  }
0x18e: {  	s21 =	simm.s32 $0xFFFFFFFC;
	s9 =	simm.s32 $0x19100;
	[sflag:s2] =	ssyncset.done @!p0 $0x0  }
0x18f: {  	s10 =	simm.s32 $0x1B100;
	[sflag:s2] =	ssyncadd.s32 @!p0 $0xFFFFF000;
	s2 =	smov.u32 s11  }
.LBB2_14:
0x190: {  	v2 =	vld [tilespmem:s2+$0xFFFFFE10]  }
0x191: {  	v3 =	vld [tilespmem:s9+$0xFFFFFF00]  }
0x192: {  	v4 =	vld [tilespmem:s9+$0xFFFFFF10]  }
0x193: {  	v5 =	vld [tilespmem:s2+$0xFFFFFE20]  }
0x194: {  	v6 =	vld [tilespmem:s2+$0xFFFFFE30]  }
0x195: {  	v7 =	vld [tilespmem:s9+$0xFFFFFF20]  }
0x196: {  	v8 =	vld [tilespmem:s9+$0xFFFFFF30]  }
0x197: {  	v10 =	vld [tilespmem:s2+$0xFFFFFE40]  }
0x198: {  	v12 =	vld [tilespmem:s2+$0xFFFFFE50]  }
0x199: {  	v35 =	vld [tilespmem:s9+$0xFFFFFF40]  }
0x19a: {  	v36 =	vld [tilespmem:s9+$0xFFFFFF50]  }
0x19b: {  	v39 =	vld [tilespmem:s9+$0xFFFFFF60];
	vm0 =	vge.f32 v3, $0.0e+00;
	vm1 =	vge.f32 v2, $0.0e+00  }
0x19c: {  	v40 =	vld [tilespmem:s9+$0xFFFFFF70];
	v9 =	vmul.f32 $9.499999880e-01, v3;
	v11 =	vmul.f32 $9.499999880e-01, v4;
	vm11 =	vge.f32 v4, $0.0e+00  }
0x19d: {  	vm2 =	vge.f32 v5, $0.0e+00;
	vm13 =	vge.f32 v7, $0.0e+00;
	vm14 =	vge.f32 v6, $0.0e+00  }
0x19e: {  	v13 =	vld [tilespmem:s2+$0xFFFFFE60];
	v37 =	vmul.f32 $9.499999880e-01, v7;
	v38 =	vmul.f32 $9.499999880e-01, v8;
	vm4 =	vge.f32 v8, $0.0e+00  }
0x19f: {  	vm5 =	vge.f32 v10, $0.0e+00;
	vm7 =	vge.f32 v35, $0.0e+00;
	vm8 =	vge.f32 v12, $0.0e+00  }
0x1a0: {  	v14 =	vld [tilespmem:s2+$0xFFFFFE70];
	v41 =	vmul.f32 $9.499999880e-01, v35;
	v42 =	vmul.f32 $9.499999880e-01, v36;
	vm10 =	vge.f32 v36, $0.0e+00  }
0x1a1: {  	v43 =	vmul.f32 $9.499999880e-01, v39;
	v44 =	vmul.f32 $9.499999880e-01, v40;
	vm0 =	vmand vm1, vm0  }
0x1a2: {  	v15 =	vld [tilespmem:s2+$0xFFFFFE80];
	vm12 =	vmand vm2, vm11;
	vm15 =	vmand vm14, vm13;
	vm6 =	vmand vm5, vm4  }
0x1a3: {  	vm9 =	vmand vm8, vm7;
	vm11 =	vge.f32 v13, $0.0e+00;
	v2 =	vmax.f32 v9, v2  }
0x1a4: {  	vm13 =	vge.f32 v39, $0.0e+00;
	v6 =	vmax.f32 v37, v6;
	v2 =	vsel vm0, v2, v3  }
0x1a5: {  	vm14 =	vge.f32 v14, $0.0e+00;
	v3 =	vmax.f32 v11, v5;
	v6 =	vsel vm15, v6, v7;
	[tilespmem:s10+$0xFFFFFF00] =	vst v2  }
0x1a6: {  	vm4 =	vge.f32 v40, $0.0e+00;
	v3 =	vsel vm12, v3, v4;
	v4 =	vmax.f32 v38, v10;
	[tilespmem:s10+$0xFFFFFF20] =	vst v6  }
0x1a7: {  	vm5 =	vge.f32 v15, $0.0e+00;
	v2 =	vmax.f32 v41, v12;
	v4 =	vsel vm6, v4, v8;
	[tilespmem:s10+$0xFFFFFF10] =	vst v3  }
0x1a8: {  	vm12 =	vmand vm11, vm10;
	v2 =	vsel vm9, v2, v35;
	v3 =	vmax.f32 v42, v13;
	[tilespmem:s10+$0xFFFFFF30] =	vst v4  }
0x1a9: {  	vm15 =	vmand vm14, vm13;
	v3 =	vsel vm12, v3, v36;
	[tilespmem:s10+$0xFFFFFF40] =	vst v2;
	v2 =	vmax.f32 v43, v14  }
0x1aa: {  	vm6 =	vmand vm5, vm4;
	[tilespmem:s10+$0xFFFFFF50] =	vst v3;
	v2 =	vsel vm15, v2, v39;
	v3 =	vmax.f32 v44, v15  }
0x1ab: {  	[tilespmem:s10+$0xFFFFFF60] =	vst v2;
	v2 =	vsel vm6, v3, v40  }
0x1ac: {  	[tilespmem:s10+$0xFFFFFF70] =	vst v2  }
0x1ad: {  	v2 =	vld [tilespmem:s2+$0xFFFFFE90]  }
0x1ae: {  	v3 =	vld [tilespmem:s9+$0xFFFFFF80]  }
0x1af: {  	v45 =	vld [tilespmem:s9+$0xFFFFFF90]  }
0x1b0: {  	v46 =	vld [tilespmem:s2+$0xFFFFFEA0]  }
0x1b1: {  	v47 =	vld [tilespmem:s2+$0xFFFFFEB0]  }
0x1b2: {  	v48 =	vld [tilespmem:s9+$0xFFFFFFA0]  }
0x1b3: {  	v49 =	vld [tilespmem:s9+$0xFFFFFFB0]  }
0x1b4: {  	v51 =	vld [tilespmem:s2+$0xFFFFFEC0]  }
0x1b5: {  	v54 =	vld [tilespmem:s9+$0xFFFFFFC0]  }
0x1b6: {  	v55 =	vld [tilespmem:s9+$0xFFFFFFD0]  }
0x1b7: {  	v60 =	vld [tilespmem:s9+$0xFFFFFFE0]  }
0x1b8: {  	v61 =	vld [tilespmem:s9+$0xFFFFFFF0];
	vm7 =	vge.f32 v3, $0.0e+00;
	vm8 =	vge.f32 v2, $0.0e+00  }
0x1b9: {  	v50 =	vmul.f32 $9.499999880e-01, v3;
	v52 =	vmul.f32 $9.499999880e-01, v45;
	vm9 =	vge.f32 v45, $0.0e+00  }
0x1ba: {  	v53 =	vld [tilespmem:s2+$0xFFFFFED0];
	vm10 =	vge.f32 v46, $0.0e+00;
	vm12 =	vge.f32 v48, $0.0e+00;
	vm13 =	vge.f32 v47, $0.0e+00  }
0x1bb: {  	v57 =	vld [tilespmem:s2+$0xFFFFFEE0];
	v56 =	vmul.f32 $9.499999880e-01, v48;
	v58 =	vmul.f32 $9.499999880e-01, v49;
	vm15 =	vge.f32 v49, $0.0e+00  }
0x1bc: {  	v59 =	vld [tilespmem:s2+$0xFFFFFEF0];
	vm4 =	vge.f32 v51, $0.0e+00;
	v62 =	vmul.f32 $9.499999880e-01, v54;
	v17 =	vmul.f32 $9.499999880e-01, v55  }
0x1bd: {  	vm6 =	vge.f32 v54, $0.0e+00;
	v18 =	vmul.f32 $9.499999880e-01, v60;
	v19 =	vmul.f32 $9.499999880e-01, v61  }
0x1be: {  	v63 =	vld [tilespmem:s2+$0xFFFFFF00];
	vm0 =	vmand vm8, vm7;
	vm11 =	vmand vm10, vm9;
	vm14 =	vmand vm13, vm12  }
0x1bf: {  	vm5 =	vmand vm4, vm15;
	vm7 =	vge.f32 v53, $0.0e+00;
	vm9 =	vge.f32 v55, $0.0e+00  }
0x1c0: {  	vm10 =	vge.f32 v57, $0.0e+00;
	vm12 =	vge.f32 v60, $0.0e+00;
	v2 =	vmax.f32 v50, v2  }
0x1c1: {  	vm13 =	vge.f32 v59, $0.0e+00;
	v6 =	vmax.f32 v56, v47;
	v2 =	vsel vm0, v2, v3  }
0x1c2: {  	vm15 =	vge.f32 v61, $0.0e+00;
	v4 =	vmax.f32 v58, v51;
	v6 =	vsel vm14, v6, v48;
	[tilespmem:s10+$0xFFFFFF80] =	vst v2  }
0x1c3: {  	vm4 =	vge.f32 v63, $0.0e+00;
	v3 =	vmax.f32 v52, v46;
	v4 =	vsel vm5, v4, v49;
	[tilespmem:s10+$0xFFFFFFA0] =	vst v6  }
0x1c4: {  	vm8 =	vmand vm7, vm6;
	v3 =	vsel vm11, v3, v45;
	v2 =	vmax.f32 v62, v53;
	[tilespmem:s10+$0xFFFFFFB0] =	vst v4  }
0x1c5: {  	vm11 =	vmand vm10, vm9;
	[tilespmem:s10+$0xFFFFFF90] =	vst v3;
	v2 =	vsel vm8, v2, v54;
	v3 =	vmax.f32 v17, v57  }
0x1c6: {  	vm14 =	vmand vm13, vm12;
	v3 =	vsel vm11, v3, v55;
	[tilespmem:s10+$0xFFFFFFC0] =	vst v2;
	v2 =	vmax.f32 v18, v59  }
0x1c7: {  	vm5 =	vmand vm4, vm15;
	[tilespmem:s10+$0xFFFFFFD0] =	vst v3;
	v2 =	vsel vm14, v2, v60;
	v3 =	vmax.f32 v19, v63  }
0x1c8: {  	[tilespmem:s10+$0xFFFFFFE0] =	vst v2;
	v2 =	vsel vm5, v3, v61  }
0x1c9: {  	[tilespmem:s10+$0xFFFFFFF0] =	vst v2  }
0x1ca: {  	v2 =	vld [tilespmem:s2+$0xFFFFFF10]  }
0x1cb: {  	v3 =	vld [tilespmem:s9+$0x0]  }
0x1cc: {  	v20 =	vld [tilespmem:s9+$0x10]  }
0x1cd: {  	v21 =	vld [tilespmem:s2+$0xFFFFFF20]  }
0x1ce: {  	v22 =	vld [tilespmem:s2+$0xFFFFFF30]  }
0x1cf: {  	v23 =	vld [tilespmem:s9+$0x20]  }
0x1d0: {  	v24 =	vld [tilespmem:s9+$0x30]  }
0x1d1: {  	v26 =	vld [tilespmem:s2+$0xFFFFFF40]  }
0x1d2: {  	v29 =	vld [tilespmem:s9+$0x40]  }
0x1d3: {  	v30 =	vld [tilespmem:s9+$0x50]  }
0x1d4: {  	v35 =	vld [tilespmem:s9+$0x60]  }
0x1d5: {  	v36 =	vld [tilespmem:s9+$0x70];
	vm6 =	vge.f32 v3, $0.0e+00;
	vm7 =	vge.f32 v2, $0.0e+00  }
0x1d6: {  	v25 =	vmul.f32 $9.499999880e-01, v3;
	v27 =	vmul.f32 $9.499999880e-01, v20;
	vm8 =	vge.f32 v20, $0.0e+00  }
0x1d7: {  	v28 =	vld [tilespmem:s2+$0xFFFFFF50];
	vm9 =	vge.f32 v21, $0.0e+00;
	vm11 =	vge.f32 v23, $0.0e+00;
	vm12 =	vge.f32 v22, $0.0e+00  }
0x1d8: {  	v32 =	vld [tilespmem:s2+$0xFFFFFF60];
	v31 =	vmul.f32 $9.499999880e-01, v23;
	v33 =	vmul.f32 $9.499999880e-01, v24;
	vm14 =	vge.f32 v24, $0.0e+00  }
0x1d9: {  	v34 =	vld [tilespmem:s2+$0xFFFFFF70];
	vm15 =	vge.f32 v26, $0.0e+00;
	v37 =	vmul.f32 $9.499999880e-01, v29;
	v39 =	vmul.f32 $9.499999880e-01, v30  }
0x1da: {  	vm5 =	vge.f32 v29, $0.0e+00;
	v40 =	vmul.f32 $9.499999880e-01, v35;
	v41 =	vmul.f32 $9.499999880e-01, v36  }
0x1db: {  	v38 =	vld [tilespmem:s2+$0xFFFFFF80];
	vm0 =	vmand vm7, vm6;
	vm10 =	vmand vm9, vm8;
	vm13 =	vmand vm12, vm11  }
0x1dc: {  	vm4 =	vmand vm15, vm14;
	vm6 =	vge.f32 v28, $0.0e+00;
	vm8 =	vge.f32 v30, $0.0e+00  }
0x1dd: {  	vm9 =	vge.f32 v32, $0.0e+00;
	vm11 =	vge.f32 v35, $0.0e+00;
	v2 =	vmax.f32 v25, v2  }
0x1de: {  	vm12 =	vge.f32 v34, $0.0e+00;
	v6 =	vmax.f32 v31, v22;
	v2 =	vsel vm0, v2, v3  }
0x1df: {  	vm14 =	vge.f32 v36, $0.0e+00;
	v4 =	vmax.f32 v33, v26;
	v6 =	vsel vm13, v6, v23;
	[tilespmem:s10+$0x0] =	vst v2  }
0x1e0: {  	vm15 =	vge.f32 v38, $0.0e+00;
	v3 =	vmax.f32 v27, v21;
	v4 =	vsel vm4, v4, v24;
	[tilespmem:s10+$0x20] =	vst v6  }
0x1e1: {  	vm7 =	vmand vm6, vm5;
	v3 =	vsel vm10, v3, v20;
	v2 =	vmax.f32 v37, v28;
	[tilespmem:s10+$0x30] =	vst v4  }
0x1e2: {  	vm10 =	vmand vm9, vm8;
	[tilespmem:s10+$0x10] =	vst v3;
	v2 =	vsel vm7, v2, v29;
	v3 =	vmax.f32 v39, v32  }
0x1e3: {  	vm13 =	vmand vm12, vm11;
	v3 =	vsel vm10, v3, v30;
	[tilespmem:s10+$0x40] =	vst v2;
	v2 =	vmax.f32 v40, v34  }
0x1e4: {  	vm4 =	vmand vm15, vm14;
	[tilespmem:s10+$0x50] =	vst v3;
	v2 =	vsel vm13, v2, v35;
	v3 =	vmax.f32 v41, v38  }
0x1e5: {  	[tilespmem:s10+$0x60] =	vst v2;
	v2 =	vsel vm4, v3, v36  }
0x1e6: {  	[tilespmem:s10+$0x70] =	vst v2  }
0x1e7: {  	v2 =	vld [tilespmem:s2+$0xFFFFFF90]  }
0x1e8: {  	v3 =	vld [tilespmem:s9+$0x80]  }
0x1e9: {  	v42 =	vld [tilespmem:s9+$0x90]  }
0x1ea: {  	v43 =	vld [tilespmem:s2+$0xFFFFFFA0]  }
0x1eb: {  	v44 =	vld [tilespmem:s2+$0xFFFFFFB0]  }
0x1ec: {  	v45 =	vld [tilespmem:s9+$0xA0]  }
0x1ed: {  	v46 =	vld [tilespmem:s9+$0xB0]  }
0x1ee: {  	v48 =	vld [tilespmem:s2+$0xFFFFFFC0]  }
0x1ef: {  	v51 =	vld [tilespmem:s9+$0xC0]  }
0x1f0: {  	v52 =	vld [tilespmem:s9+$0xD0]  }
0x1f1: {  	v57 =	vld [tilespmem:s9+$0xE0]  }
0x1f2: {  	v58 =	vld [tilespmem:s9+$0xF0];
	vm5 =	vge.f32 v3, $0.0e+00;
	vm6 =	vge.f32 v2, $0.0e+00  }
0x1f3: {  	v47 =	vmul.f32 $9.499999880e-01, v3;
	v49 =	vmul.f32 $9.499999880e-01, v42;
	vm7 =	vge.f32 v42, $0.0e+00  }
0x1f4: {  	v50 =	vld [tilespmem:s2+$0xFFFFFFD0];
	vm8 =	vge.f32 v43, $0.0e+00;
	vm10 =	vge.f32 v45, $0.0e+00;
	vm11 =	vge.f32 v44, $0.0e+00  }
0x1f5: {  	v54 =	vld [tilespmem:s2+$0xFFFFFFE0];
	v53 =	vmul.f32 $9.499999880e-01, v45;
	v55 =	vmul.f32 $9.499999880e-01, v46;
	vm13 =	vge.f32 v46, $0.0e+00  }
0x1f6: {  	v56 =	vld [tilespmem:s2+$0xFFFFFFF0];
	vm14 =	vge.f32 v48, $0.0e+00;
	v59 =	vmul.f32 $9.499999880e-01, v51;
	v61 =	vmul.f32 $9.499999880e-01, v52  }
0x1f7: {  	vm4 =	vge.f32 v51, $0.0e+00;
	v62 =	vmul.f32 $9.499999880e-01, v57;
	v63 =	vmul.f32 $9.499999880e-01, v58  }
0x1f8: {  	v60 =	vld [tilespmem:s2+$0x0];
	vm0 =	vmand vm6, vm5;
	vm9 =	vmand vm8, vm7;
	vm12 =	vmand vm11, vm10  }
0x1f9: {  	vm15 =	vmand vm14, vm13;
	vm5 =	vge.f32 v50, $0.0e+00;
	vm7 =	vge.f32 v52, $0.0e+00  }
0x1fa: {  	vm8 =	vge.f32 v54, $0.0e+00;
	vm10 =	vge.f32 v57, $0.0e+00;
	v2 =	vmax.f32 v47, v2  }
0x1fb: {  	vm11 =	vge.f32 v56, $0.0e+00;
	v6 =	vmax.f32 v53, v44;
	v2 =	vsel vm0, v2, v3  }
0x1fc: {  	vm13 =	vge.f32 v58, $0.0e+00;
	v4 =	vmax.f32 v55, v48;
	v6 =	vsel vm12, v6, v45;
	[tilespmem:s10+$0x80] =	vst v2  }
0x1fd: {  	s21 =	sadd.s32 $0x4, s21;
	vm14 =	vge.f32 v60, $0.0e+00;
	v3 =	vmax.f32 v49, v43;
	v4 =	vsel vm15, v4, v46;
	[tilespmem:s10+$0xA0] =	vst v6  }
0x1fe: {  	p0 =	slt.u32 s21, $0x1C;
	vm6 =	vmand vm5, vm4;
	v3 =	vsel vm9, v3, v42;
	v2 =	vmax.f32 v59, v50;
	[tilespmem:s10+$0xB0] =	vst v4  }
.Ltmp8:
0x1ff: {  	vm9 =	vmand vm8, vm7;
	[tilespmem:s10+$0x90] =	vst v3;
	v2 =	vsel vm6, v2, v51;
	v3 =	vmax.f32 v61, v54;
	(pc) =	sbr.rel @p0 .LBB2_14-.Ltmp8, $4  }
0x200: {  	vm12 =	vmand vm11, vm10;
	v3 =	vsel vm9, v3, v52;
	[tilespmem:s10+$0xC0] =	vst v2;
	v2 =	vmax.f32 v62, v56  }
0x201: {  	vm15 =	vmand vm14, vm13;
	v2 =	vsel vm12, v2, v57;
	[tilespmem:s10+$0xD0] =	vst v3;
	v3 =	vmax.f32 v63, v60  }
0x202: {  	[tilespmem:s10+$0xE0] =	vst v2;
	v2 =	vsel vm15, v3, v58  }
0x203: {  	s2 =	sadd.s32 $0x200, s2;
	s9 =	sadd.s32 $0x200, s9;
	[tilespmem:s10+$0xF0] =	vst v2;
	s10 =	sadd.s32 $0x200, s10  }
.Ltmp9:
0x204: {  	(pc) =	sbr.rel @p1 .LBB2_17-.Ltmp9, $4  }
0x205: {  	s2 =	sor.u32 s7, s16  }
0x206: {  	s2 =	sshrl.u32 s2, $0x3  }
0x207: {  	s2 =	sadd.s32 s5, s2  }
0x208: {  	[hbm4b:s2+s6] =	stream.linear.scatter [tilespmem:s26], [sflag:$0x6], $0x1000, $0x38;
	[tilespmem:$0x1C000] =	vst v63  }
.Ltmp10:
0x209: {  	(pc) =	sbr.rel .LBB2_11-.Ltmp10, $4  }
0x20a: {  	s2 =	sadd.s32 s15, s13  }
0x20b: {  	s31 =	sadd.s32 $0x1, s31;
	s2 =	sshrl.u32 s2, $0x3  }
0x20c: {  	s1 =	sadd.s32 $0x2000, s1;
	s11 =	sadd.s32 $0x2000, s11;
	s2 =	sadd.s32 s0, s2  }
0x20d: {  	[tilespmem:s22], [sflag:$0x4] =	stream.linear.gather [hbm4b:s2+s6], $0x1000, $0x38;
	[tilespmem:$0x1C000] =	vst v63  }
.LBB2_18:
0x20e: {  	_ =	sfence.sel $0x180000  }
0x20f: {  	[bflag:$0x0] =	sbarrier.arrive $0xFFFF  }
0x210: {  	_ =	strace $0x90000047  }
0x211: {  	s0 =	stileid.u32;
	[bflag:$0x2] =	sbarrier.arrive $0xFFFF  }
0x212: {  	p0 =	sne.s32 s0, $0x0;
	s0 =	rddreg [dreg:$0x4]  }
0x213: {  	s0 =	sadd.s32 @!p0 $0x100000, s0  }
0x214: {  	[sflag:s0] =	ssyncadd.tile.s32 @!p0 $0x1;
	_ =	shalt  }
.Lfunc_end2:
_tile_overlayer_lowered:
.L_overlay_start_2:
0x215: {  	(tag) =	ssettag $0x2  }
0x216: {  	s0 =	rddreg [dreg:$0x0];
	s2 =	stileid.u32  }
0x217: {  	s1 =	rddreg [dreg:$0x1];
	p0 =	sne.s32 s2, $0x0  }
0x218: {  	s3 =	rddreg [dreg:$0x2];
	[bflag:$0x3] =	sbarrier.arrive $0xFFFF;
	s2 =	simm.s32 @!p0 $0x1C07  }
0x219: {  	[timem:s3], [sflag:s2] =	dma.local @!p0 [hbm:s0], s1  }
0x21a: {  	s0 =	simm.s32 @!p0 $0x7  }
0x21b: {  	_ =	swait.ge @!p0 [sflag:s0], s1  }
0x21c: {  	s1 =	ssub.s32 @!p0 $0x0, s1;
	[sflag:s0] =	ssyncset.done @!p0 $0x0  }
0x21d: {  	[sflag:s0] =	ssyncadd.s32 @!p0 s1  }
0x21e: {  	[bflag:$0x3] =	sbarrier.arrive $0xFFFF  }
0x21f: {  	_ =	shalt  }

</sc_bundles>
